<compile_context>
chip_gen: v7x
topology: tpu7x:2x2x1
jax: 0.10.2.dev20260603
libtpu: 0.0.44.dev20260713+nightly
codegen_flags: <defaults>
</compile_context>

<pallas_src>
import functools

import jax
import jax.numpy as jnp
from jax import lax
from jax.experimental import pallas as pl
from jax.experimental.pallas import tpu as pltpu
from jax.experimental.pallas import tpu_sc as plsc

N = 10000
E = 320000
HID = 128
G = 64

NC = 2
NS = 16
LANES = 16
NW = NC * NS
EPW = E // NW
SEG = 2000
NSEG = EPW // SEG
CHUNK = 80
NCHUNK = SEG // CHUNK
RPS = N // NS

_f32 = jnp.float32


def _prep_body(x_ref, w_ref, as_ref, ad_ref, h_ref, ss_ref, sd_ref):
    h = jnp.dot(x_ref[...], w_ref[...], preferred_element_type=_f32)
    h_ref[...] = h
    ss_ref[...] = jnp.sum(h * as_ref[...][None, :], axis=1)
    sd_ref[...] = jnp.sum(h * ad_ref[...][None, :], axis=1)


def _prep_tc(x, W, a_s, a_d):
    return pl.pallas_call(
        _prep_body,
        out_shape=(
            jax.ShapeDtypeStruct((N, HID), _f32),
            jax.ShapeDtypeStruct((N,), _f32),
            jax.ShapeDtypeStruct((N,), _f32),
        ),
    )(x, W, a_s, a_d)


_EPR = 8
_ED = 16


def _escore_body(ea_ref, we0_ref, ae0_ref, we1_ref, ae1_ref, e0_ref, e1_ref):
    def tiled_w(we_ref, ae_ref):
        t = jnp.concatenate([we_ref[...]] * _EPR, axis=0)
        return jnp.sum(t * ae_ref[...][None, :], axis=1)

    wt0 = tiled_w(we0_ref, ae0_ref)
    wt1 = tiled_w(we1_ref, ae1_ref)
    gid = lax.broadcasted_iota(jnp.int32, (HID, _EPR), 0) // _ED
    cid = lax.broadcasted_iota(jnp.int32, (HID, _EPR), 1)
    c = (gid == cid).astype(_f32)
    b = jnp.concatenate([c * wt0[:, None], c * wt1[:, None]], axis=1)
    res = jnp.dot(ea_ref[...], b, preferred_element_type=_f32)
    e0_ref[...] = res[:, :_EPR]
    e1_ref[...] = res[:, _EPR:]


def _escore_tc(ea8, We0, ae0, We1, ae1):
    nblk = 8
    blk = ea8.shape[0] // nblk
    return pl.pallas_call(
        _escore_body,
        grid=(nblk,),
        in_specs=[
            pl.BlockSpec((blk, HID), lambda i: (i, 0)),
            pl.BlockSpec(We0.shape, lambda i: (0, 0)),
            pl.BlockSpec(ae0.shape, lambda i: (0,)),
            pl.BlockSpec(We1.shape, lambda i: (0, 0)),
            pl.BlockSpec(ae1.shape, lambda i: (0,)),
        ],
        out_specs=(
            pl.BlockSpec((blk, _EPR), lambda i: (i, 0)),
            pl.BlockSpec((blk, _EPR), lambda i: (i, 0)),
        ),
        out_shape=(
            jax.ShapeDtypeStruct((ea8.shape[0], _EPR), _f32),
            jax.ShapeDtypeStruct((ea8.shape[0], _EPR), _f32),
        ),
    )(ea8, We0, ae0, We1, ae1)


_SC_PARAMS = pltpu.CompilerParams(use_tc_tiling_on_sc=False,
                                  needs_layout_passes=False)


def _sc_mesh():
    return plsc.VectorSubcoreMesh(core_axis_name="c", subcore_axis_name="s",
                                  num_cores=NC, num_subcores=NS)


def _sc_scalar0_body(src_hbm, dst_hbm, esc0_hbm, esc1_hbm, ssrc_hbm,
                     sdst_hbm, ex_hbm, den_hbm, cnt_hbm, esum0_hbm,
                     esum1_hbm, ssrc_v, sdst_v, src_v, dst_v, esc0_v,
                     esc1_v, ex_v, den_v, cnt_v, esum0_v, esum1_v):
    cid = lax.axis_index("c")
    sid = lax.axis_index("s")
    wid = sid * NC + cid

    pltpu.sync_copy(ssrc_hbm, ssrc_v)
    pltpu.sync_copy(sdst_hbm, sdst_v)
    pltpu.sync_copy(src_hbm.at[wid], src_v)
    pltpu.sync_copy(dst_hbm.at[wid], dst_v)
    pltpu.sync_copy(esc0_hbm.at[wid], esc0_v)
    pltpu.sync_copy(esc1_hbm.at[wid], esc1_v)

    zeros16 = jnp.zeros((LANES,), _f32)

    @pl.loop(0, N // LANES)
    def _(i):
        sl = pl.ds(i * LANES, LANES)
        den_v[sl] = zeros16
        cnt_v[sl] = zeros16
        esum0_v[sl] = zeros16
        esum1_v[sl] = zeros16

    ones16 = jnp.ones((LANES,), _f32)

    @pl.loop(0, EPW // LANES)
    def _(g):
        sl = pl.ds(g * LANES, LANES)
        srci = src_v[sl]
        dsti = dst_v[sl]
        esc = esc0_v[sl]
        a = (plsc.load_gather(ssrc_v, [srci])
             + plsc.load_gather(sdst_v, [dsti]) + esc)
        a = jnp.where(a > 0.0, a, 0.2 * a)
        ex = jnp.exp(a)
        ex_v[sl] = ex
        plsc.addupdate_scatter(den_v, [dsti], ex)
        plsc.addupdate_scatter(cnt_v, [dsti], ones16)
        plsc.addupdate_scatter(esum0_v, [dsti], esc)
        plsc.addupdate_scatter(esum1_v, [dsti], esc1_v[sl])

    pltpu.sync_copy(ex_v, ex_hbm.at[wid])
    pltpu.sync_copy(den_v, den_hbm.at[wid])
    pltpu.sync_copy(cnt_v, cnt_hbm.at[wid])
    pltpu.sync_copy(esum0_v, esum0_hbm.at[wid])
    pltpu.sync_copy(esum1_v, esum1_hbm.at[wid])


def _sc_scalar0_pass(src2d, dst2d, esc0, esc1, ssrc, sdst):
    f = pl.kernel(
        _sc_scalar0_body,
        out_type=(
            jax.ShapeDtypeStruct((NW, EPW), _f32),
            jax.ShapeDtypeStruct((NW, N), _f32),
            jax.ShapeDtypeStruct((NW, N), _f32),
            jax.ShapeDtypeStruct((NW, N), _f32),
            jax.ShapeDtypeStruct((NW, N), _f32),
        ),
        mesh=_sc_mesh(),
        compiler_params=_SC_PARAMS,
        scratch_types=[
            pltpu.VMEM((N,), _f32),
            pltpu.VMEM((N,), _f32),
            pltpu.VMEM((EPW,), jnp.int32),
            pltpu.VMEM((EPW,), jnp.int32),
            pltpu.VMEM((EPW,), _f32),
            pltpu.VMEM((EPW,), _f32),
            pltpu.VMEM((EPW,), _f32),
            pltpu.VMEM((N,), _f32),
            pltpu.VMEM((N,), _f32),
            pltpu.VMEM((N,), _f32),
            pltpu.VMEM((N,), _f32),
        ],
    )
    return f(src2d, dst2d, esc0, esc1, ssrc, sdst)


def _sc_scalar1_body(src_hbm, dst_hbm, esc_hbm, ssrc_hbm, sdst_hbm,
                     ex_hbm, den_hbm,
                     ssrc_v, sdst_v, src_v, dst_v, esc_v, ex_v, den_v):
    cid = lax.axis_index("c")
    sid = lax.axis_index("s")
    wid = sid * NC + cid

    pltpu.sync_copy(ssrc_hbm, ssrc_v)
    pltpu.sync_copy(sdst_hbm, sdst_v)
    pltpu.sync_copy(src_hbm.at[wid], src_v)
    pltpu.sync_copy(dst_hbm.at[wid], dst_v)
    pltpu.sync_copy(esc_hbm.at[wid], esc_v)

    zeros16 = jnp.zeros((LANES,), _f32)

    @pl.loop(0, N // LANES)
    def _(i):
        den_v[pl.ds(i * LANES, LANES)] = zeros16

    @pl.loop(0, EPW // LANES)
    def _(g):
        sl = pl.ds(g * LANES, LANES)
        a = (plsc.load_gather(ssrc_v, [src_v[sl]])
             + plsc.load_gather(sdst_v, [dst_v[sl]]) + esc_v[sl])
        a = jnp.where(a > 0.0, a, 0.2 * a)
        ex = jnp.exp(a)
        ex_v[sl] = ex
        plsc.addupdate_scatter(den_v, [dst_v[sl]], ex)

    pltpu.sync_copy(ex_v, ex_hbm.at[wid])
    pltpu.sync_copy(den_v, den_hbm.at[wid])


def _sc_scalar1_pass(src2d, dst2d, esc, ssrc, sdst):
    f = pl.kernel(
        _sc_scalar1_body,
        out_type=(
            jax.ShapeDtypeStruct((NW, EPW), _f32),
            jax.ShapeDtypeStruct((NW, N), _f32),
        ),
        mesh=_sc_mesh(),
        compiler_params=_SC_PARAMS,
        scratch_types=[
            pltpu.VMEM((N,), _f32),
            pltpu.VMEM((N,), _f32),
            pltpu.VMEM((EPW,), jnp.int32),
            pltpu.VMEM((EPW,), jnp.int32),
            pltpu.VMEM((EPW,), _f32),
            pltpu.VMEM((EPW,), _f32),
            pltpu.VMEM((N,), _f32),
        ],
    )
    return f(src2d, dst2d, esc, ssrc, sdst)


def _sc_edge_body(h_hbm, src_hbm, dst_hbm, ex_hbm, num_hbm,
                  src_v, dst_v, ex_v, rows_a, rows_b, acc_sh, sem_a, sem_b):
    cid = lax.axis_index("c")
    sid = lax.axis_index("s")
    wid = sid * NC + cid

    zeros16 = jnp.zeros((LANES,), _f32)

    @pl.loop(0, CHUNK)
    def _(r):
        for k in range(HID // LANES):
            rows_a[r, pl.ds(k * LANES, LANES)] = zeros16

    @pl.loop(0, RPS // CHUNK)
    def _(z):
        pltpu.sync_copy(rows_a,
                        acc_sh.at[pl.ds(sid * RPS + z * CHUNK, CHUNK)])
    rem = RPS - (RPS // CHUNK) * CHUNK
    pltpu.sync_copy(rows_a.at[pl.ds(0, rem)],
                    acc_sh.at[pl.ds(sid * RPS + RPS - rem, rem)])
    plsc.subcore_barrier()

    def start_gather(j, buf, sem):
        return pltpu.async_copy(
            h_hbm.at[src_v.at[pl.ds(j * CHUNK, CHUNK)]], buf, sem)

    def wait_gather(j, buf, sem):
        pltpu.make_async_copy(
            h_hbm.at[src_v.at[pl.ds(j * CHUNK, CHUNK)]], buf, sem).wait()

    def scale_scatter(j, buf):
        off = j * CHUNK

        @pl.loop(0, CHUNK)
        def _(r):
            exs = ex_v[pl.ds(off + r, LANES)][0]
            for k in range(HID // LANES):
                rsl = pl.ds(k * LANES, LANES)
                buf[r, rsl] = buf[r, rsl] * exs

        pltpu.sync_copy(buf, acc_sh.at[dst_v.at[j]], add=True)

    @pl.loop(0, NSEG)
    def _(s):
        pltpu.sync_copy(src_hbm.at[wid].at[s], src_v)
        pltpu.sync_copy(dst_hbm.at[wid].at[s], dst_v)
        pltpu.sync_copy(ex_hbm.at[wid].at[s], ex_v.at[pl.ds(0, SEG)])

        start_gather(0, rows_a, sem_a)

        @pl.loop(0, (NCHUNK - 1) // 2)
        def _(t):
            j0 = 2 * t
            start_gather(j0 + 1, rows_b, sem_b)
            wait_gather(j0, rows_a, sem_a)
            scale_scatter(j0, rows_a)
            start_gather(j0 + 2, rows_a, sem_a)
            wait_gather(j0 + 1, rows_b, sem_b)
            scale_scatter(j0 + 1, rows_b)

        wait_gather(NCHUNK - 1, rows_a, sem_a)
        scale_scatter(NCHUNK - 1, rows_a)

    plsc.subcore_barrier()

    pltpu.sync_copy(acc_sh.at[pl.ds(sid * RPS, RPS)],
                    num_hbm.at[cid].at[pl.ds(sid * RPS, RPS)])


def _sc_edge_pass(h, src3d, dst4d, ex3d):
    f = pl.kernel(
        _sc_edge_body,
        out_type=jax.ShapeDtypeStruct((NC, N, HID), _f32),
        mesh=_sc_mesh(),
        compiler_params=_SC_PARAMS,
        scratch_types=[
            pltpu.VMEM((SEG,), jnp.int32),
            pltpu.VMEM((NCHUNK, CHUNK), jnp.int32),
            pltpu.VMEM((SEG + LANES,), _f32),
            pltpu.VMEM((CHUNK, HID), _f32),
            pltpu.VMEM((CHUNK, HID), _f32),
            pltpu.VMEM_SHARED((N, HID), _f32),
            pltpu.SemaphoreType.DMA,
            pltpu.SemaphoreType.DMA,
        ],
    )
    return f(h, src3d, dst4d, ex3d)


def _mid_body(nump_ref, denp_ref, cntp_ref, esump_ref, h0_ref, ss0_ref,
              sd0_ref, b0_ref, w1_ref, as1_ref, ad1_ref,
              h1_ref, ss1_ref, sd1_ref, cnt_ref):
    den = jnp.sum(denp_ref[...], axis=0)
    cnt = jnp.sum(cntp_ref[...], axis=0)
    esum = jnp.sum(esump_ref[...], axis=0)
    num = nump_ref[0] + nump_ref[1]
    a_self = ss0_ref[...] + sd0_ref[...] + esum / jnp.maximum(cnt, 1.0)
    a_self = jnp.where(a_self > 0.0, a_self, 0.2 * a_self)
    exs = jnp.exp(a_self)
    h0 = h0_ref[...]
    num = num + exs[:, None] * h0
    den = den + exs
    x1 = num / (den + 1e-16)[:, None] + b0_ref[...][None, :]
    x1 = jnp.maximum(x1, 0.0)
    h1 = jnp.dot(x1, w1_ref[...], preferred_element_type=_f32)
    h1_ref[...] = h1
    ss1_ref[...] = jnp.sum(h1 * as1_ref[...][None, :], axis=1)
    sd1_ref[...] = jnp.sum(h1 * ad1_ref[...][None, :], axis=1)
    cnt_ref[...] = cnt


def _mid_tc(num_p, den_p, cnt_p, esum_p, h0, ss0, sd0, b0, W1, as1, ad1):
    return pl.pallas_call(
        _mid_body,
        out_shape=(
            jax.ShapeDtypeStruct((N, HID), _f32),
            jax.ShapeDtypeStruct((N,), _f32),
            jax.ShapeDtypeStruct((N,), _f32),
            jax.ShapeDtypeStruct((N,), _f32),
        ),
    )(num_p, den_p, cnt_p, esum_p, h0, ss0, sd0, b0, W1, as1, ad1)


def _final_body(nump_ref, denp_ref, esump_ref, cnt_ref, h1_ref, ss1_ref,
                sd1_ref, b1_ref, batch_ref, gw_ref, gb_ref, lw_ref, lb_ref,
                out_ref):
    den = jnp.sum(denp_ref[...], axis=0)
    esum = jnp.sum(esump_ref[...], axis=0)
    num = nump_ref[0] + nump_ref[1]
    a_self = ss1_ref[...] + sd1_ref[...] + esum / jnp.maximum(cnt_ref[...], 1.0)
    a_self = jnp.where(a_self > 0.0, a_self, 0.2 * a_self)
    exs = jnp.exp(a_self)
    h1 = h1_ref[...]
    num = num + exs[:, None] * h1
    den = den + exs
    h2 = num / (den + 1e-16)[:, None] + b1_ref[...][None, :]

    gate = jnp.sum(h2 * gw_ref[...][:, 0][None, :], axis=1) + gb_ref[0]
    ids = lax.broadcasted_iota(jnp.int32, (G, N), 0)
    msk = batch_ref[...][None, :] == ids
    m = jnp.max(jnp.where(msk, gate[None, :], -1e30), axis=1)
    mb = jnp.sum(jnp.where(msk, m[:, None], 0.0), axis=0)
    ex = jnp.exp(gate - mb)
    den_g = jnp.sum(jnp.where(msk, ex[None, :], 0.0), axis=1)
    denb = jnp.sum(jnp.where(msk, den_g[:, None], 0.0), axis=0)
    coef = ex / (denb + 1e-16)
    pool_w = jnp.where(msk, coef[None, :], 0.0)
    pooled = jnp.dot(pool_w, h2, preferred_element_type=_f32)
    out_ref[...] = (jnp.dot(pooled, lw_ref[...], preferred_element_type=_f32)
                    + lb_ref[...][None, :])


def _final_tc(num_p, den_p, esum_p, cnt, h1, ss1, sd1, b1, batch, gw, gb,
              lw, lb):
    return pl.pallas_call(
        _final_body,
        out_shape=jax.ShapeDtypeStruct((G, HID), _f32),
    )(num_p, den_p, esum_p, cnt, h1, ss1, sd1, b1, batch, gw, gb, lw, lb)


def kernel(x, edge_index, edge_attr, batch, W0, att_src0, att_dst0,
           att_edge0, We0, b0, W1, att_src1, att_dst1, att_edge1, We1, b1,
           gate_w, gate_b, lin1_w, lin1_b):
    src2d = edge_index[0].reshape(NW, EPW)
    dst2d = edge_index[1].reshape(NW, EPW)
    src3d = edge_index[0].reshape(NW, NSEG, SEG)
    dst4d = edge_index[1].reshape(NW, NSEG, NCHUNK, CHUNK)

    h0, ss0, sd0 = _prep_tc(x, W0, att_src0, att_dst0)
    ea8 = edge_attr.reshape(E // _EPR, HID)
    e0p, e1p = _escore_tc(ea8, We0, att_edge0, We1, att_edge1)
    esc0 = e0p.reshape(NW, EPW)
    esc1 = e1p.reshape(NW, EPW)

    ex0, den0_p, cnt_p, esum0_p, esum1_p = _sc_scalar0_pass(
        src2d, dst2d, esc0, esc1, ss0, sd0)
    num0 = _sc_edge_pass(h0, src3d, dst4d, ex0.reshape(NW, NSEG, SEG))
    h1, ss1, sd1, cnt = _mid_tc(num0, den0_p, cnt_p, esum0_p, h0, ss0, sd0,
                                b0, W1, att_src1, att_dst1)
    ex1, den1_p = _sc_scalar1_pass(src2d, dst2d, esc1, ss1, sd1)
    num1 = _sc_edge_pass(h1, src3d, dst4d, ex1.reshape(NW, NSEG, SEG))
    return _final_tc(num1, den1_p, esum1_p, cnt, h1, ss1, sd1, b1, batch,
                     gate_w, gate_b, lin1_w, lin1_b)

# --- scband reference (transcript-rebuilt; emitter-appended) ---
"""Pipeline reference for scband-my-gat-88149908783508 (READ-ONLY COPY).

The authoritative reference and input builder live on the scoring server;
editing this copy changes nothing except your own understanding.
"""

import jax, jax.numpy as jnp
import numpy as np

N = 10000
E = 320000
F = 128
HID = 128
ED = 16
G = 64

def setup_inputs(seed: int = 0):
    key = jax.random.key(seed)
    ks = jax.random.split(key, 24)
    inp = {}
    inp['x'] = jax.random.normal(ks[0], (N, F), dtype=jnp.float32)
    inp['edge_index'] = jax.random.randint(ks[1], (2, E), 0, N, dtype=jnp.int32)
    inp['edge_attr'] = jax.random.normal(ks[2], (E, ED), dtype=jnp.float32)
    inp['batch'] = jnp.sort(jax.random.randint(ks[3], (N,), 0, G, dtype=jnp.int32))
    for l in range(2):
        d_in = F if l == 0 else HID
        inp['W%d' % l] = jax.random.normal(ks[4 + 5 * l], (d_in, HID), dtype=jnp.float32) / np.sqrt(d_in)
        inp['att_src%d' % l] = jax.random.normal(ks[5 + 5 * l], (HID,), dtype=jnp.float32) * 0.1
        inp['att_dst%d' % l] = jax.random.normal(ks[6 + 5 * l], (HID,), dtype=jnp.float32) * 0.1
        inp['att_edge%d' % l] = jax.random.normal(ks[7 + 5 * l], (HID,), dtype=jnp.float32) * 0.1
        inp['We%d' % l] = jax.random.normal(ks[8 + 5 * l], (ED, HID), dtype=jnp.float32) / np.sqrt(ED)
        inp['b%d' % l] = jnp.zeros((HID,), dtype=jnp.float32)
    inp['gate_w'] = jax.random.normal(ks[14], (HID, 1), dtype=jnp.float32) / np.sqrt(HID)
    inp['gate_b'] = jnp.zeros((1,), dtype=jnp.float32)
    inp['lin1_w'] = jax.random.normal(ks[15], (HID, HID), dtype=jnp.float32) / np.sqrt(HID)
    inp['lin1_b'] = jnp.zeros((HID,), dtype=jnp.float32)
    return inp

def _gat_conv(x, src, dst, ea, W, a_s, a_d, a_e, We, b):
    n = x.shape[0]
    ones = jnp.ones((ea.shape[0],), dtype=jnp.float32)
    cnt = jax.ops.segment_sum(ones, dst, num_segments=n)
    loop_attr = jax.ops.segment_sum(ea, dst, num_segments=n) / jnp.maximum(cnt, 1.0)[:, None]
    idx = jnp.arange(n, dtype=src.dtype)
    src2 = jnp.concatenate([src, idx])
    dst2 = jnp.concatenate([dst, idx])
    ea2 = jnp.concatenate([ea, loop_attr], axis=0)
    h = x @ W
    e = ea2 @ We
    alpha = (h * a_s).sum(-1)[src2] + (h * a_d).sum(-1)[dst2] + (e * a_e).sum(-1)
    alpha = jax.nn.leaky_relu(alpha, negative_slope=0.2)
    m = jax.ops.segment_max(alpha, dst2, num_segments=n)
    ex = jnp.exp(alpha - m[dst2])
    den = jax.ops.segment_sum(ex, dst2, num_segments=n)
    coef = ex / (den[dst2] + 1e-16)
    out = jax.ops.segment_sum(coef[:, None] * h[src2], dst2, num_segments=n)
    return out + b

def reference(x, edge_index, edge_attr, batch, W0, att_src0, att_dst0, att_edge0, We0, b0, W1, att_src1, att_dst1, att_edge1, We1, b1, gate_w, gate_b, lin1_w, lin1_b):
    src = edge_index[0]
    dst = edge_index[1]
    h = _gat_conv(x, src, dst, edge_attr, W0, att_src0, att_dst0, att_edge0, We0, b0)
    h = jax.nn.relu(h)
    h = _gat_conv(h, src, dst, edge_attr, W1, att_src1, att_dst1, att_edge1, We1, b1)
    gate = (h @ gate_w + gate_b)[:, 0]
    m = jax.ops.segment_max(gate, batch, num_segments=G)
    ex = jnp.exp(gate - m[batch])
    den = jax.ops.segment_sum(ex, batch, num_segments=G)
    coef = ex / (den[batch] + 1e-16)
    pooled = jax.ops.segment_sum(coef[:, None] * h, batch, num_segments=G)
    return pooled @ lin1_w + lin1_b

if __name__ == "__main__":
    import jax
    _d = setup_inputs()
    print(jax.jit(kernel)(*tuple(_d.values())))

</pallas_src>

<mosaic_0001>
#map = affine_map<(d0, d1) -> (0, 0)>
#map1 = affine_map<(d0, d1) -> (0, 0, 0)>
#map2 = affine_map<(d0, d1) -> (0, 0, 0, 0)>
module attributes {stable_mosaic.version = 14 : i64} {
  func.func @_sc_edge_body(%arg0: i32, %arg1: i32, %arg2: memref<10000x128xf32, #tpu.memory_space<hbm>>, %arg3: memref<32x5x2000xi32, #tpu.memory_space<hbm>>, %arg4: memref<32x5x25x80xi32, #tpu.memory_space<hbm>>, %arg5: memref<32x5x2000xf32, #tpu.memory_space<hbm>>, %arg6: memref<2x10000x128xf32, #tpu.memory_space<hbm>>, %arg7: memref<2000xi32, #tpu.memory_space<vmem>>, %arg8: memref<25x80xi32, #tpu.memory_space<vmem>>, %arg9: memref<2016xf32, #tpu.memory_space<vmem>>, %arg10: memref<80x128xf32, #tpu.memory_space<vmem>>, %arg11: memref<80x128xf32, #tpu.memory_space<vmem>>, %arg12: memref<10000x128xf32, #tpu.memory_space<vmem_shared>>, %arg13: memref<!tpu.dma_semaphore, #tpu.memory_space<semaphore_mem>>, %arg14: memref<!tpu.dma_semaphore, #tpu.memory_space<semaphore_mem>>) attributes {dimension_semantics = [#tpu.dimension_semantics<core_parallel>, #tpu.dimension_semantics<subcore_parallel>], iteration_bounds = array<i64: 2, 16>, scalar_prefetch = 0 : i64, scratch_operands = 8 : i64, tpu.core_type = #tpu.core_type<sc_vector_subcore>, window_params = [{transform_indices = #map}, {transform_indices = #map1}, {transform_indices = #map2}, {transform_indices = #map1}, {transform_indices = #map1}]} {
    %mul3A = arith.constant 2 : i32
    %mul3A_0 = arith.muli %arg1, %mul3A : i32
    %add3A = arith.addi %mul3A_0, %arg0 : i32
    %broadcast_in_dim3A = arith.constant 0.000000e+00 : f32
    %broadcast_in_dim3A_1 = vector.broadcast %broadcast_in_dim3A : f32 to vector<16xf32>
    %scan3A = arith.constant 0 : i32
    %scan3A_2 = arith.constant 80 : i32
    %scan3A_3 = arith.addi %scan3A, %scan3A_2 : i32
    %scan3A_4 = arith.constant 1 : i32
    scf.for %scan3A_26 = %scan3A to %scan3A_3 step %scan3A_4  : i32 {
      %mul3A_27 = arith.constant 1 : i32
      %mul3A_28 = arith.muli %scan3A_26, %mul3A_27 : i32
      %add3A_29 = arith.constant 0 : i32
      %add3A_30 = arith.addi %add3A_29, %mul3A_28 : i32
      %swap3A = arith.index_cast %add3A_30 : i32 to index
      %swap3A_31 = arith.constant 0 : index
      %swap3A_32 = tpu.vector_load %arg10[%swap3A, %swap3A_31] {strides = array<i32>} : memref<80x128xf32, #tpu.memory_space<vmem>>, vector<16xf32>,
      tpu.vector_store %arg10[%swap3A, %swap3A_31], %broadcast_in_dim3A_1 {strides = array<i32>} : memref<80x128xf32, #tpu.memory_space<vmem>>, vector<16xf32>,
      %swap3A_33 = arith.index_cast %add3A_30 : i32 to index
      %swap3A_34 = arith.constant 16 : index
      %swap3A_35 = tpu.vector_load %arg10[%swap3A_33, %swap3A_34] {strides = array<i32>} : memref<80x128xf32, #tpu.memory_space<vmem>>, vector<16xf32>,
      tpu.vector_store %arg10[%swap3A_33, %swap3A_34], %broadcast_in_dim3A_1 {strides = array<i32>} : memref<80x128xf32, #tpu.memory_space<vmem>>, vector<16xf32>,
      %swap3A_36 = arith.index_cast %add3A_30 : i32 to index
      %swap3A_37 = arith.constant 32 : index
      %swap3A_38 = tpu.vector_load %arg10[%swap3A_36, %swap3A_37] {strides = array<i32>} : memref<80x128xf32, #tpu.memory_space<vmem>>, vector<16xf32>,
      tpu.vector_store %arg10[%swap3A_36, %swap3A_37], %broadcast_in_dim3A_1 {strides = array<i32>} : memref<80x128xf32, #tpu.memory_space<vmem>>, vector<16xf32>,
      %swap3A_39 = arith.index_cast %add3A_30 : i32 to index
      %swap3A_40 = arith.constant 48 : index
      %swap3A_41 = tpu.vector_load %arg10[%swap3A_39, %swap3A_40] {strides = array<i32>} : memref<80x128xf32, #tpu.memory_space<vmem>>, vector<16xf32>,
      tpu.vector_store %arg10[%swap3A_39, %swap3A_40], %broadcast_in_dim3A_1 {strides = array<i32>} : memref<80x128xf32, #tpu.memory_space<vmem>>, vector<16xf32>,
      %swap3A_42 = arith.index_cast %add3A_30 : i32 to index
      %swap3A_43 = arith.constant 64 : index
      %swap3A_44 = tpu.vector_load %arg10[%swap3A_42, %swap3A_43] {strides = array<i32>} : memref<80x128xf32, #tpu.memory_space<vmem>>, vector<16xf32>,
      tpu.vector_store %arg10[%swap3A_42, %swap3A_43], %broadcast_in_dim3A_1 {strides = array<i32>} : memref<80x128xf32, #tpu.memory_space<vmem>>, vector<16xf32>,
      %swap3A_45 = arith.index_cast %add3A_30 : i32 to index
      %swap3A_46 = arith.constant 80 : index
      %swap3A_47 = tpu.vector_load %arg10[%swap3A_45, %swap3A_46] {strides = array<i32>} : memref<80x128xf32, #tpu.memory_space<vmem>>, vector<16xf32>,
      tpu.vector_store %arg10[%swap3A_45, %swap3A_46], %broadcast_in_dim3A_1 {strides = array<i32>} : memref<80x128xf32, #tpu.memory_space<vmem>>, vector<16xf32>,
      %swap3A_48 = arith.index_cast %add3A_30 : i32 to index
      %swap3A_49 = arith.constant 96 : index
      %swap3A_50 = tpu.vector_load %arg10[%swap3A_48, %swap3A_49] {strides = array<i32>} : memref<80x128xf32, #tpu.memory_space<vmem>>, vector<16xf32>,
      tpu.vector_store %arg10[%swap3A_48, %swap3A_49], %broadcast_in_dim3A_1 {strides = array<i32>} : memref<80x128xf32, #tpu.memory_space<vmem>>, vector<16xf32>,
      %swap3A_51 = arith.index_cast %add3A_30 : i32 to index
      %swap3A_52 = arith.constant 112 : index
      %swap3A_53 = tpu.vector_load %arg10[%swap3A_51, %swap3A_52] {strides = array<i32>} : memref<80x128xf32, #tpu.memory_space<vmem>>, vector<16xf32>,
      tpu.vector_store %arg10[%swap3A_51, %swap3A_52], %broadcast_in_dim3A_1 {strides = array<i32>} : memref<80x128xf32, #tpu.memory_space<vmem>>, vector<16xf32>,
    }
    %scan3A_5 = arith.constant 80 : i32
    %scan3A_6 = arith.constant 0 : i32
    %scan3A_7 = arith.constant 7 : i32
    %scan3A_8 = arith.addi %scan3A_6, %scan3A_7 : i32
    %scan3A_9 = arith.constant 1 : i32
    scf.for %scan3A_26 = %scan3A_6 to %scan3A_8 step %scan3A_9  : i32 {
      %mul3A_27 = arith.constant 1 : i32
      %mul3A_28 = arith.muli %scan3A_26, %mul3A_27 : i32
      %add3A_29 = arith.constant 0 : i32
      %add3A_30 = arith.addi %add3A_29, %mul3A_28 : i32
      %mul3A_31 = arith.constant 625 : i32
      %mul3A_32 = arith.muli %arg1, %mul3A_31 : i32
      %mul3A_33 = arith.constant 80 : i32
      %mul3A_34 = arith.muli %add3A_30, %mul3A_33 : i32
      %add3A_35 = arith.addi %mul3A_32, %mul3A_34 : i32
      "tpu.region"() ({
        %run_scoped3A = tpu.sem_alloc : memref<!tpu.dma_semaphore, #tpu.memory_space<semaphore_mem>>
        %dma_start3A = arith.constant 0 : i32
        %dma_start3A_36 = tpu.memref_slice %arg12[%add3A_35, %dma_start3A] : memref<10000x128xf32, #tpu.memory_space<vmem_shared>> -> memref<80x128xf32, #tpu.memory_space<vmem_shared>>
        %dma_start3A_37 = arith.constant 0 : i32
        %dma_start3A_38 = tpu.memref_slice %arg12[%add3A_35, %dma_start3A_37] : memref<10000x128xf32, #tpu.memory_space<vmem_shared>> -> memref<80x128xf32, #tpu.memory_space<vmem_shared>>
        tpu.enqueue_dma source(%arg10 : memref<80x128xf32, #tpu.memory_space<vmem>>) target(%dma_start3A_38 : memref<80x128xf32, #tpu.memory_space<vmem_shared>>) target_semaphore(%run_scoped3A : memref<!tpu.dma_semaphore, #tpu.memory_space<semaphore_mem>>)
        %dma_wait3A = arith.constant 0 : i32
        %dma_wait3A_39 = tpu.memref_slice %arg12[%add3A_35, %dma_wait3A] : memref<10000x128xf32, #tpu.memory_space<vmem_shared>> -> memref<80x128xf32, #tpu.memory_space<vmem_shared>>
        %dma_wait3A_40 = arith.constant 0 : i32
        %dma_wait3A_41 = tpu.memref_slice %arg12[%add3A_35, %dma_wait3A_40] : memref<10000x128xf32, #tpu.memory_space<vmem_shared>> -> memref<80x128xf32, #tpu.memory_space<vmem_shared>>
        tpu.wait_dma2 semaphore(%run_scoped3A : memref<!tpu.dma_semaphore, #tpu.memory_space<semaphore_mem>>) src(%arg10 : memref<80x128xf32, #tpu.memory_space<vmem>>) dst(%dma_wait3A_41 : memref<80x128xf32, #tpu.memory_space<vmem_shared>>)
        tpu.yield
      }) : () -> ()
    }
    %scan3A_10 = arith.constant 7 : i32
    %mul3A_11 = arith.constant 625 : i32
    %mul3A_12 = arith.muli %arg1, %mul3A_11 : i32
    %add3A_13 = arith.constant 625 : i32
    %add3A_14 = arith.addi %mul3A_12, %add3A_13 : i32
    %sub3A = arith.constant 65 : i32
    %sub3A_15 = arith.subi %add3A_14, %sub3A : i32
    "tpu.region"() ({
      %run_scoped3A = tpu.sem_alloc : memref<!tpu.dma_semaphore, #tpu.memory_space<semaphore_mem>>
      %dma_start3A = arith.constant 0 : i32
      %dma_start3A_26 = arith.constant 0 : i32
      %dma_start3A_27 = tpu.memref_slice %arg10[%dma_start3A, %dma_start3A_26] : memref<80x128xf32, #tpu.memory_space<vmem>> -> memref<65x128xf32, #tpu.memory_space<vmem>>
      %dma_start3A_28 = arith.constant 0 : i32
      %dma_start3A_29 = tpu.memref_slice %arg12[%sub3A_15, %dma_start3A_28] : memref<10000x128xf32, #tpu.memory_space<vmem_shared>> -> memref<65x128xf32, #tpu.memory_space<vmem_shared>>
      %dma_start3A_30 = arith.constant 0 : i32
      %dma_start3A_31 = tpu.memref_slice %arg12[%sub3A_15, %dma_start3A_30] : memref<10000x128xf32, #tpu.memory_space<vmem_shared>> -> memref<65x128xf32, #tpu.memory_space<vmem_shared>>
      %dma_start3A_32 = arith.constant 0 : i32
      %dma_start3A_33 = arith.constant 0 : i32
      %dma_start3A_34 = tpu.memref_slice %arg10[%dma_start3A_32, %dma_start3A_33] : memref<80x128xf32, #tpu.memory_space<vmem>> -> memref<65x128xf32, #tpu.memory_space<vmem>>
      tpu.enqueue_dma source(%dma_start3A_34 : memref<65x128xf32, #tpu.memory_space<vmem>>) target(%dma_start3A_31 : memref<65x128xf32, #tpu.memory_space<vmem_shared>>) target_semaphore(%run_scoped3A : memref<!tpu.dma_semaphore, #tpu.memory_space<semaphore_mem>>)
      %dma_wait3A = arith.constant 0 : i32
      %dma_wait3A_35 = arith.constant 0 : i32
      %dma_wait3A_36 = tpu.memref_slice %arg10[%dma_wait3A, %dma_wait3A_35] : memref<80x128xf32, #tpu.memory_space<vmem>> -> memref<65x128xf32, #tpu.memory_space<vmem>>
      %dma_wait3A_37 = arith.constant 0 : i32
      %dma_wait3A_38 = tpu.memref_slice %arg12[%sub3A_15, %dma_wait3A_37] : memref<10000x128xf32, #tpu.memory_space<vmem_shared>> -> memref<65x128xf32, #tpu.memory_space<vmem_shared>>
      %dma_wait3A_39 = arith.constant 0 : i32
      %dma_wait3A_40 = tpu.memref_slice %arg12[%sub3A_15, %dma_wait3A_39] : memref<10000x128xf32, #tpu.memory_space<vmem_shared>> -> memref<65x128xf32, #tpu.memory_space<vmem_shared>>
      %dma_wait3A_41 = arith.constant 0 : i32
      %dma_wait3A_42 = arith.constant 0 : i32
      %dma_wait3A_43 = tpu.memref_slice %arg10[%dma_wait3A_41, %dma_wait3A_42] : memref<80x128xf32, #tpu.memory_space<vmem>> -> memref<65x128xf32, #tpu.memory_space<vmem>>
      tpu.wait_dma2 semaphore(%run_scoped3A : memref<!tpu.dma_semaphore, #tpu.memory_space<semaphore_mem>>) src(%dma_wait3A_43 : memref<65x128xf32, #tpu.memory_space<vmem>>) dst(%dma_wait3A_40 : memref<65x128xf32, #tpu.memory_space<vmem_shared>>)
      tpu.yield
    }) : () -> ()
    %barrier3A = arith.constant 0 : index
    tpu.barrier barrier_id(%barrier3A)
    %scan3A_16 = arith.constant 0 : i32
    %scan3A_17 = arith.constant 5 : i32
    %scan3A_18 = arith.addi %scan3A_16, %scan3A_17 : i32
    %scan3A_19 = arith.constant 1 : i32
    scf.for %scan3A_26 = %scan3A_16 to %scan3A_18 step %scan3A_19  : i32 {
      %mul3A_27 = arith.constant 1 : i32
      %mul3A_28 = arith.muli %scan3A_26, %mul3A_27 : i32
      %add3A_29 = arith.constant 0 : i32
      %add3A_30 = arith.addi %add3A_29, %mul3A_28 : i32
      "tpu.region"() ({
        %run_scoped3A_49 = tpu.sem_alloc : memref<!tpu.dma_semaphore, #tpu.memory_space<semaphore_mem>>
        %dma_start3A_50 = arith.constant 0 : i32
        %dma_start3A_51 = arith.constant 0 : i32
        %dma_start3A_52 = tpu.memref_slice %arg3[%add3A, %dma_start3A_50, %dma_start3A_51] : memref<32x5x2000xi32, #tpu.memory_space<hbm>> -> memref<1x5x2000xi32, #tpu.memory_space<hbm>>
        %dma_start3A_53 = tpu.memref_squeeze %dma_start3A_52 : memref<1x5x2000xi32, #tpu.memory_space<hbm>> -> memref<5x2000xi32, #tpu.memory_space<hbm>>
        %dma_start3A_54 = arith.constant 0 : i32
        %dma_start3A_55 = tpu.memref_slice %dma_start3A_53[%add3A_30, %dma_start3A_54] : memref<5x2000xi32, #tpu.memory_space<hbm>> -> memref<1x2000xi32, #tpu.memory_space<hbm>>
        %dma_start3A_56 = tpu.memref_squeeze %dma_start3A_55 : memref<1x2000xi32, #tpu.memory_space<hbm>> -> memref<2000xi32, #tpu.memory_space<hbm>>
        %dma_start3A_57 = arith.constant 0 : i32
        %dma_start3A_58 = arith.constant 0 : i32
        %dma_start3A_59 = tpu.memref_slice %arg3[%add3A, %dma_start3A_57, %dma_start3A_58] : memref<32x5x2000xi32, #tpu.memory_space<hbm>> -> memref<1x5x2000xi32, #tpu.memory_space<hbm>>
        %dma_start3A_60 = tpu.memref_squeeze %dma_start3A_59 : memref<1x5x2000xi32, #tpu.memory_space<hbm>> -> memref<5x2000xi32, #tpu.memory_space<hbm>>
        %dma_start3A_61 = arith.constant 0 : i32
        %dma_start3A_62 = tpu.memref_slice %dma_start3A_60[%add3A_30, %dma_start3A_61] : memref<5x2000xi32, #tpu.memory_space<hbm>> -> memref<1x2000xi32, #tpu.memory_space<hbm>>
        %dma_start3A_63 = tpu.memref_squeeze %dma_start3A_62 : memref<1x2000xi32, #tpu.memory_space<hbm>> -> memref<2000xi32, #tpu.memory_space<hbm>>
        tpu.enqueue_dma source(%dma_start3A_63 : memref<2000xi32, #tpu.memory_space<hbm>>) target(%arg7 : memref<2000xi32, #tpu.memory_space<vmem>>) target_semaphore(%run_scoped3A_49 : memref<!tpu.dma_semaphore, #tpu.memory_space<semaphore_mem>>)
        %dma_wait3A_64 = arith.constant 0 : i32
        %dma_wait3A_65 = arith.constant 0 : i32
        %dma_wait3A_66 = tpu.memref_slice %arg3[%add3A, %dma_wait3A_64, %dma_wait3A_65] : memref<32x5x2000xi32, #tpu.memory_space<hbm>> -> memref<1x5x2000xi32, #tpu.memory_space<hbm>>
        %dma_wait3A_67 = tpu.memref_squeeze %dma_wait3A_66 : memref<1x5x2000xi32, #tpu.memory_space<hbm>> -> memref<5x2000xi32, #tpu.memory_space<hbm>>
        %dma_wait3A_68 = arith.constant 0 : i32
        %dma_wait3A_69 = tpu.memref_slice %dma_wait3A_67[%add3A_30, %dma_wait3A_68] : memref<5x2000xi32, #tpu.memory_space<hbm>> -> memref<1x2000xi32, #tpu.memory_space<hbm>>
        %dma_wait3A_70 = tpu.memref_squeeze %dma_wait3A_69 : memref<1x2000xi32, #tpu.memory_space<hbm>> -> memref<2000xi32, #tpu.memory_space<hbm>>
        %dma_wait3A_71 = arith.constant 0 : i32
        %dma_wait3A_72 = arith.constant 0 : i32
        %dma_wait3A_73 = tpu.memref_slice %arg3[%add3A, %dma_wait3A_71, %dma_wait3A_72] : memref<32x5x2000xi32, #tpu.memory_space<hbm>> -> memref<1x5x2000xi32, #tpu.memory_space<hbm>>
        %dma_wait3A_74 = tpu.memref_squeeze %dma_wait3A_73 : memref<1x5x2000xi32, #tpu.memory_space<hbm>> -> memref<5x2000xi32, #tpu.memory_space<hbm>>
        %dma_wait3A_75 = arith.constant 0 : i32
        %dma_wait3A_76 = tpu.memref_slice %dma_wait3A_74[%add3A_30, %dma_wait3A_75] : memref<5x2000xi32, #tpu.memory_space<hbm>> -> memref<1x2000xi32, #tpu.memory_space<hbm>>
        %dma_wait3A_77 = tpu.memref_squeeze %dma_wait3A_76 : memref<1x2000xi32, #tpu.memory_space<hbm>> -> memref<2000xi32, #tpu.memory_space<hbm>>
        tpu.wait_dma2 semaphore(%run_scoped3A_49 : memref<!tpu.dma_semaphore, #tpu.memory_space<semaphore_mem>>) src(%dma_wait3A_77 : memref<2000xi32, #tpu.memory_space<hbm>>) dst(%arg7 : memref<2000xi32, #tpu.memory_space<vmem>>)
        tpu.yield
      }) : () -> ()
      "tpu.region"() ({
        %run_scoped3A_49 = tpu.sem_alloc : memref<!tpu.dma_semaphore, #tpu.memory_space<semaphore_mem>>
        %dma_start3A_50 = arith.constant 0 : i32
        %dma_start3A_51 = arith.constant 0 : i32
        %dma_start3A_52 = arith.constant 0 : i32
        %dma_start3A_53 = tpu.memref_slice %arg4[%add3A, %dma_start3A_50, %dma_start3A_51, %dma_start3A_52] : memref<32x5x25x80xi32, #tpu.memory_space<hbm>> -> memref<1x5x25x80xi32, #tpu.memory_space<hbm>>
        %dma_start3A_54 = tpu.memref_squeeze %dma_start3A_53 : memref<1x5x25x80xi32, #tpu.memory_space<hbm>> -> memref<5x25x80xi32, #tpu.memory_space<hbm>>
        %dma_start3A_55 = arith.constant 0 : i32
        %dma_start3A_56 = arith.constant 0 : i32
        %dma_start3A_57 = tpu.memref_slice %dma_start3A_54[%add3A_30, %dma_start3A_55, %dma_start3A_56] : memref<5x25x80xi32, #tpu.memory_space<hbm>> -> memref<1x25x80xi32, #tpu.memory_space<hbm>>
        %dma_start3A_58 = tpu.memref_squeeze %dma_start3A_57 : memref<1x25x80xi32, #tpu.memory_space<hbm>> -> memref<25x80xi32, #tpu.memory_space<hbm>>
        %dma_start3A_59 = arith.constant 0 : i32
        %dma_start3A_60 = arith.constant 0 : i32
        %dma_start3A_61 = arith.constant 0 : i32
        %dma_start3A_62 = tpu.memref_slice %arg4[%add3A, %dma_start3A_59, %dma_start3A_60, %dma_start3A_61] : memref<32x5x25x80xi32, #tpu.memory_space<hbm>> -> memref<1x5x25x80xi32, #tpu.memory_space<hbm>>
        %dma_start3A_63 = tpu.memref_squeeze %dma_start3A_62 : memref<1x5x25x80xi32, #tpu.memory_space<hbm>> -> memref<5x25x80xi32, #tpu.memory_space<hbm>>
        %dma_start3A_64 = arith.constant 0 : i32
        %dma_start3A_65 = arith.constant 0 : i32
        %dma_start3A_66 = tpu.memref_slice %dma_start3A_63[%add3A_30, %dma_start3A_64, %dma_start3A_65] : memref<5x25x80xi32, #tpu.memory_space<hbm>> -> memref<1x25x80xi32, #tpu.memory_space<hbm>>
        %dma_start3A_67 = tpu.memref_squeeze %dma_start3A_66 : memref<1x25x80xi32, #tpu.memory_space<hbm>> -> memref<25x80xi32, #tpu.memory_space<hbm>>
        tpu.enqueue_dma source(%dma_start3A_67 : memref<25x80xi32, #tpu.memory_space<hbm>>) target(%arg8 : memref<25x80xi32, #tpu.memory_space<vmem>>) target_semaphore(%run_scoped3A_49 : memref<!tpu.dma_semaphore, #tpu.memory_space<semaphore_mem>>)
        %dma_wait3A_68 = arith.constant 0 : i32
        %dma_wait3A_69 = arith.constant 0 : i32
        %dma_wait3A_70 = arith.constant 0 : i32
        %dma_wait3A_71 = tpu.memref_slice %arg4[%add3A, %dma_wait3A_68, %dma_wait3A_69, %dma_wait3A_70] : memref<32x5x25x80xi32, #tpu.memory_space<hbm>> -> memref<1x5x25x80xi32, #tpu.memory_space<hbm>>
        %dma_wait3A_72 = tpu.memref_squeeze %dma_wait3A_71 : memref<1x5x25x80xi32, #tpu.memory_space<hbm>> -> memref<5x25x80xi32, #tpu.memory_space<hbm>>
        %dma_wait3A_73 = arith.constant 0 : i32
        %dma_wait3A_74 = arith.constant 0 : i32
        %dma_wait3A_75 = tpu.memref_slice %dma_wait3A_72[%add3A_30, %dma_wait3A_73, %dma_wait3A_74] : memref<5x25x80xi32, #tpu.memory_space<hbm>> -> memref<1x25x80xi32, #tpu.memory_space<hbm>>
        %dma_wait3A_76 = tpu.memref_squeeze %dma_wait3A_75 : memref<1x25x80xi32, #tpu.memory_space<hbm>> -> memref<25x80xi32, #tpu.memory_space<hbm>>
        %dma_wait3A_77 = arith.constant 0 : i32
        %dma_wait3A_78 = arith.constant 0 : i32
        %dma_wait3A_79 = arith.constant 0 : i32
        %dma_wait3A_80 = tpu.memref_slice %arg4[%add3A, %dma_wait3A_77, %dma_wait3A_78, %dma_wait3A_79] : memref<32x5x25x80xi32, #tpu.memory_space<hbm>> -> memref<1x5x25x80xi32, #tpu.memory_space<hbm>>
        %dma_wait3A_81 = tpu.memref_squeeze %dma_wait3A_80 : memref<1x5x25x80xi32, #tpu.memory_space<hbm>> -> memref<5x25x80xi32, #tpu.memory_space<hbm>>
        %dma_wait3A_82 = arith.constant 0 : i32
        %dma_wait3A_83 = arith.constant 0 : i32
        %dma_wait3A_84 = tpu.memref_slice %dma_wait3A_81[%add3A_30, %dma_wait3A_82, %dma_wait3A_83] : memref<5x25x80xi32, #tpu.memory_space<hbm>> -> memref<1x25x80xi32, #tpu.memory_space<hbm>>
        %dma_wait3A_85 = tpu.memref_squeeze %dma_wait3A_84 : memref<1x25x80xi32, #tpu.memory_space<hbm>> -> memref<25x80xi32, #tpu.memory_space<hbm>>
        tpu.wait_dma2 semaphore(%run_scoped3A_49 : memref<!tpu.dma_semaphore, #tpu.memory_space<semaphore_mem>>) src(%dma_wait3A_85 : memref<25x80xi32, #tpu.memory_space<hbm>>) dst(%arg8 : memref<25x80xi32, #tpu.memory_space<vmem>>)
        tpu.yield
      }) : () -> ()
      "tpu.region"() ({
        %run_scoped3A_49 = tpu.sem_alloc : memref<!tpu.dma_semaphore, #tpu.memory_space<semaphore_mem>>
        %dma_start3A_50 = arith.constant 0 : i32
        %dma_start3A_51 = tpu.memref_slice %arg9[%dma_start3A_50] : memref<2016xf32, #tpu.memory_space<vmem>> -> memref<2000xf32, #tpu.memory_space<vmem>>
        %dma_start3A_52 = arith.constant 0 : i32
        %dma_start3A_53 = arith.constant 0 : i32
        %dma_start3A_54 = tpu.memref_slice %arg5[%add3A, %dma_start3A_52, %dma_start3A_53] : memref<32x5x2000xf32, #tpu.memory_space<hbm>> -> memref<1x5x2000xf32, #tpu.memory_space<hbm>>
        %dma_start3A_55 = tpu.memref_squeeze %dma_start3A_54 : memref<1x5x2000xf32, #tpu.memory_space<hbm>> -> memref<5x2000xf32, #tpu.memory_space<hbm>>
        %dma_start3A_56 = arith.constant 0 : i32
        %dma_start3A_57 = tpu.memref_slice %dma_start3A_55[%add3A_30, %dma_start3A_56] : memref<5x2000xf32, #tpu.memory_space<hbm>> -> memref<1x2000xf32, #tpu.memory_space<hbm>>
        %dma_start3A_58 = tpu.memref_squeeze %dma_start3A_57 : memref<1x2000xf32, #tpu.memory_space<hbm>> -> memref<2000xf32, #tpu.memory_space<hbm>>
        %dma_start3A_59 = arith.constant 0 : i32
        %dma_start3A_60 = tpu.memref_slice %arg9[%dma_start3A_59] : memref<2016xf32, #tpu.memory_space<vmem>> -> memref<2000xf32, #tpu.memory_space<vmem>>
        %dma_start3A_61 = arith.constant 0 : i32
        %dma_start3A_62 = arith.constant 0 : i32
        %dma_start3A_63 = tpu.memref_slice %arg5[%add3A, %dma_start3A_61, %dma_start3A_62] : memref<32x5x2000xf32, #tpu.memory_space<hbm>> -> memref<1x5x2000xf32, #tpu.memory_space<hbm>>
        %dma_start3A_64 = tpu.memref_squeeze %dma_start3A_63 : memref<1x5x2000xf32, #tpu.memory_space<hbm>> -> memref<5x2000xf32, #tpu.memory_space<hbm>>
        %dma_start3A_65 = arith.constant 0 : i32
        %dma_start3A_66 = tpu.memref_slice %dma_start3A_64[%add3A_30, %dma_start3A_65] : memref<5x2000xf32, #tpu.memory_space<hbm>> -> memref<1x2000xf32, #tpu.memory_space<hbm>>
        %dma_start3A_67 = tpu.memref_squeeze %dma_start3A_66 : memref<1x2000xf32, #tpu.memory_space<hbm>> -> memref<2000xf32, #tpu.memory_space<hbm>>
        tpu.enqueue_dma source(%dma_start3A_67 : memref<2000xf32, #tpu.memory_space<hbm>>) target(%dma_start3A_60 : memref<2000xf32, #tpu.memory_space<vmem>>) target_semaphore(%run_scoped3A_49 : memref<!tpu.dma_semaphore, #tpu.memory_space<semaphore_mem>>)
        %dma_wait3A_68 = arith.constant 0 : i32
        %dma_wait3A_69 = tpu.memref_slice %arg9[%dma_wait3A_68] : memref<2016xf32, #tpu.memory_space<vmem>> -> memref<2000xf32, #tpu.memory_space<vmem>>
        %dma_wait3A_70 = arith.constant 0 : i32
        %dma_wait3A_71 = arith.constant 0 : i32
        %dma_wait3A_72 = tpu.memref_slice %arg5[%add3A, %dma_wait3A_70, %dma_wait3A_71] : memref<32x5x2000xf32, #tpu.memory_space<hbm>> -> memref<1x5x2000xf32, #tpu.memory_space<hbm>>
        %dma_wait3A_73 = tpu.memref_squeeze %dma_wait3A_72 : memref<1x5x2000xf32, #tpu.memory_space<hbm>> -> memref<5x2000xf32, #tpu.memory_space<hbm>>
        %dma_wait3A_74 = arith.constant 0 : i32
        %dma_wait3A_75 = tpu.memref_slice %dma_wait3A_73[%add3A_30, %dma_wait3A_74] : memref<5x2000xf32, #tpu.memory_space<hbm>> -> memref<1x2000xf32, #tpu.memory_space<hbm>>
        %dma_wait3A_76 = tpu.memref_squeeze %dma_wait3A_75 : memref<1x2000xf32, #tpu.memory_space<hbm>> -> memref<2000xf32, #tpu.memory_space<hbm>>
        %dma_wait3A_77 = arith.constant 0 : i32
        %dma_wait3A_78 = tpu.memref_slice %arg9[%dma_wait3A_77] : memref<2016xf32, #tpu.memory_space<vmem>> -> memref<2000xf32, #tpu.memory_space<vmem>>
        %dma_wait3A_79 = arith.constant 0 : i32
        %dma_wait3A_80 = arith.constant 0 : i32
        %dma_wait3A_81 = tpu.memref_slice %arg5[%add3A, %dma_wait3A_79, %dma_wait3A_80] : memref<32x5x2000xf32, #tpu.memory_space<hbm>> -> memref<1x5x2000xf32, #tpu.memory_space<hbm>>
        %dma_wait3A_82 = tpu.memref_squeeze %dma_wait3A_81 : memref<1x5x2000xf32, #tpu.memory_space<hbm>> -> memref<5x2000xf32, #tpu.memory_space<hbm>>
        %dma_wait3A_83 = arith.constant 0 : i32
        %dma_wait3A_84 = tpu.memref_slice %dma_wait3A_82[%add3A_30, %dma_wait3A_83] : memref<5x2000xf32, #tpu.memory_space<hbm>> -> memref<1x2000xf32, #tpu.memory_space<hbm>>
        %dma_wait3A_85 = tpu.memref_squeeze %dma_wait3A_84 : memref<1x2000xf32, #tpu.memory_space<hbm>> -> memref<2000xf32, #tpu.memory_space<hbm>>
        tpu.wait_dma2 semaphore(%run_scoped3A_49 : memref<!tpu.dma_semaphore, #tpu.memory_space<semaphore_mem>>) src(%dma_wait3A_85 : memref<2000xf32, #tpu.memory_space<hbm>>) dst(%dma_wait3A_78 : memref<2000xf32, #tpu.memory_space<vmem>>)
        tpu.yield
      }) : () -> ()
      %dma_start3A = arith.constant 0 : i32
      %dma_start3A_31 = tpu.memref_slice %arg7[%dma_start3A] : memref<2000xi32, #tpu.memory_space<vmem>> -> memref<80xi32, #tpu.memory_space<vmem>>
      %dma_start3A_32 = arith.constant 0 : i32
      %dma_start3A_33 = arith.constant 0 : i32
      %dma_start3A_34 = tpu.memref_slice %arg2[%dma_start3A_32, %dma_start3A_33] : memref<10000x128xf32, #tpu.memory_space<hbm>> -> memref<10000x128xf32, #tpu.memory_space<hbm>>
      tpu.enqueue_indirect_dma source(%dma_start3A_34 : memref<10000x128xf32, #tpu.memory_space<hbm>>) target(%arg10 : memref<80x128xf32, #tpu.memory_space<vmem>>) offsets(%dma_start3A_31 : memref<80xi32, #tpu.memory_space<vmem>>) semaphore(%arg13 : memref<!tpu.dma_semaphore, #tpu.memory_space<semaphore_mem>>)
      %scan3A_35 = arith.constant 0 : i32
      %scan3A_36 = arith.constant 12 : i32
      %scan3A_37 = arith.addi %scan3A_35, %scan3A_36 : i32
      %scan3A_38 = arith.constant 1 : i32
      scf.for %scan3A_49 = %scan3A_35 to %scan3A_37 step %scan3A_38  : i32 {
        %mul3A_50 = arith.constant 1 : i32
        %mul3A_51 = arith.muli %scan3A_49, %mul3A_50 : i32
        %add3A_52 = arith.constant 0 : i32
        %add3A_53 = arith.addi %add3A_52, %mul3A_51 : i32
        %mul3A_54 = arith.constant 2 : i32
        %mul3A_55 = arith.muli %mul3A_54, %add3A_53 : i32
        %add3A_56 = arith.constant 1 : i32
        %add3A_57 = arith.addi %mul3A_55, %add3A_56 : i32
        %mul3A_58 = arith.constant 80 : i32
        %mul3A_59 = arith.muli %add3A_57, %mul3A_58 : i32
        %dma_start3A_60 = tpu.memref_slice %arg7[%mul3A_59] : memref<2000xi32, #tpu.memory_space<vmem>> -> memref<80xi32, #tpu.memory_space<vmem>>
        %dma_start3A_61 = arith.constant 0 : i32
        %dma_start3A_62 = arith.constant 0 : i32
        %dma_start3A_63 = tpu.memref_slice %arg2[%dma_start3A_61, %dma_start3A_62] : memref<10000x128xf32, #tpu.memory_space<hbm>> -> memref<10000x128xf32, #tpu.memory_space<hbm>>
        tpu.enqueue_indirect_dma source(%dma_start3A_63 : memref<10000x128xf32, #tpu.memory_space<hbm>>) target(%arg11 : memref<80x128xf32, #tpu.memory_space<vmem>>) offsets(%dma_start3A_60 : memref<80xi32, #tpu.memory_space<vmem>>) semaphore(%arg14 : memref<!tpu.dma_semaphore, #tpu.memory_space<semaphore_mem>>)
        %mul3A_64 = arith.constant 80 : i32
        %mul3A_65 = arith.muli %mul3A_55, %mul3A_64 : i32
        %dma_wait3A_66 = tpu.memref_slice %arg7[%mul3A_65] : memref<2000xi32, #tpu.memory_space<vmem>> -> memref<80xi32, #tpu.memory_space<vmem>>
        %dma_wait3A_67 = arith.constant 0 : i32
        %dma_wait3A_68 = arith.constant 0 : i32
        %dma_wait3A_69 = tpu.memref_slice %arg2[%dma_wait3A_67, %dma_wait3A_68] : memref<10000x128xf32, #tpu.memory_space<hbm>> -> memref<10000x128xf32, #tpu.memory_space<hbm>>
        tpu.wait_indirect_dma semaphore(%arg13 : memref<!tpu.dma_semaphore, #tpu.memory_space<semaphore_mem>>) src(%dma_wait3A_69 : memref<10000x128xf32, #tpu.memory_space<hbm>>) dst(%arg10 : memref<80x128xf32, #tpu.memory_space<vmem>>)
        %mul3A_70 = arith.constant 80 : i32
        %mul3A_71 = arith.muli %mul3A_55, %mul3A_70 : i32
        %scan3A_72 = arith.constant 0 : i32
        %scan3A_73 = arith.constant 80 : i32
        %scan3A_74 = arith.addi %scan3A_72, %scan3A_73 : i32
        %scan3A_75 = arith.constant 1 : i32
        scf.for %scan3A_102 = %scan3A_72 to %scan3A_74 step %scan3A_75  : i32 {
          %mul3A_103 = arith.constant 1 : i32
          %mul3A_104 = arith.muli %scan3A_102, %mul3A_103 : i32
          %add3A_105 = arith.constant 0 : i32
          %add3A_106 = arith.addi %add3A_105, %mul3A_104 : i32
          %add3A_107 = arith.addi %mul3A_71, %add3A_106 : i32
          %get3A = arith.index_cast %add3A_107 : i32 to index
          %get3A_108 = tpu.vector_load %arg9[%get3A] {strides = array<i32>} : memref<2016xf32, #tpu.memory_space<vmem>>, vector<16xf32>,
          %slice3A = vector.extract_strided_slice %get3A_108 {offsets = [0], sizes = [1], strides = [1]} : vector<16xf32> to vector<1xf32>
          %squeeze3A = vector.extract %slice3A[0] : f32 from vector<1xf32>
          %get3A_109 = arith.index_cast %add3A_106 : i32 to index
          %get3A_110 = arith.constant 0 : index
          %get3A_111 = tpu.vector_load %arg10[%get3A_109, %get3A_110] {strides = array<i32>} : memref<80x128xf32, #tpu.memory_space<vmem>>, vector<16xf32>,
          %mul3A_112 = vector.broadcast %squeeze3A : f32 to vector<16xf32>
          %mul3A_113 = arith.mulf %get3A_111, %mul3A_112 : vector<16xf32>
          %swap3A = arith.index_cast %add3A_106 : i32 to index
          %swap3A_114 = arith.constant 0 : index
          %swap3A_115 = tpu.vector_load %arg10[%swap3A, %swap3A_114] {strides = array<i32>} : memref<80x128xf32, #tpu.memory_space<vmem>>, vector<16xf32>,
          tpu.vector_store %arg10[%swap3A, %swap3A_114], %mul3A_113 {strides = array<i32>} : memref<80x128xf32, #tpu.memory_space<vmem>>, vector<16xf32>,
          %get3A_116 = arith.index_cast %add3A_106 : i32 to index
          %get3A_117 = arith.constant 16 : index
          %get3A_118 = tpu.vector_load %arg10[%get3A_116, %get3A_117] {strides = array<i32>} : memref<80x128xf32, #tpu.memory_space<vmem>>, vector<16xf32>,
          %mul3A_119 = vector.broadcast %squeeze3A : f32 to vector<16xf32>
          %mul3A_120 = arith.mulf %get3A_118, %mul3A_119 : vector<16xf32>
          %swap3A_121 = arith.index_cast %add3A_106 : i32 to index
          %swap3A_122 = arith.constant 16 : index
          %swap3A_123 = tpu.vector_load %arg10[%swap3A_121, %swap3A_122] {strides = array<i32>} : memref<80x128xf32, #tpu.memory_space<vmem>>, vector<16xf32>,
          tpu.vector_store %arg10[%swap3A_121, %swap3A_122], %mul3A_120 {strides = array<i32>} : memref<80x128xf32, #tpu.memory_space<vmem>>, vector<16xf32>,
          %get3A_124 = arith.index_cast %add3A_106 : i32 to index
          %get3A_125 = arith.constant 32 : index
          %get3A_126 = tpu.vector_load %arg10[%get3A_124, %get3A_125] {strides = array<i32>} : memref<80x128xf32, #tpu.memory_space<vmem>>, vector<16xf32>,
          %mul3A_127 = vector.broadcast %squeeze3A : f32 to vector<16xf32>
          %mul3A_128 = arith.mulf %get3A_126, %mul3A_127 : vector<16xf32>
          %swap3A_129 = arith.index_cast %add3A_106 : i32 to index
          %swap3A_130 = arith.constant 32 : index
          %swap3A_131 = tpu.vector_load %arg10[%swap3A_129, %swap3A_130] {strides = array<i32>} : memref<80x128xf32, #tpu.memory_space<vmem>>, vector<16xf32>,
          tpu.vector_store %arg10[%swap3A_129, %swap3A_130], %mul3A_128 {strides = array<i32>} : memref<80x128xf32, #tpu.memory_space<vmem>>, vector<16xf32>,
          %get3A_132 = arith.index_cast %add3A_106 : i32 to index
          %get3A_133 = arith.constant 48 : index
          %get3A_134 = tpu.vector_load %arg10[%get3A_132, %get3A_133] {strides = array<i32>} : memref<80x128xf32, #tpu.memory_space<vmem>>, vector<16xf32>,
          %mul3A_135 = vector.broadcast %squeeze3A : f32 to vector<16xf32>
          %mul3A_136 = arith.mulf %get3A_134, %mul3A_135 : vector<16xf32>
          %swap3A_137 = arith.index_cast %add3A_106 : i32 to index
          %swap3A_138 = arith.constant 48 : index
          %swap3A_139 = tpu.vector_load %arg10[%swap3A_137, %swap3A_138] {strides = array<i32>} : memref<80x128xf32, #tpu.memory_space<vmem>>, vector<16xf32>,
          tpu.vector_store %arg10[%swap3A_137, %swap3A_138], %mul3A_136 {strides = array<i32>} : memref<80x128xf32, #tpu.memory_space<vmem>>, vector<16xf32>,
          %get3A_140 = arith.index_cast %add3A_106 : i32 to index
          %get3A_141 = arith.constant 64 : index
          %get3A_142 = tpu.vector_load %arg10[%get3A_140, %get3A_141] {strides = array<i32>} : memref<80x128xf32, #tpu.memory_space<vmem>>, vector<16xf32>,
          %mul3A_143 = vector.broadcast %squeeze3A : f32 to vector<16xf32>
          %mul3A_144 = arith.mulf %get3A_142, %mul3A_143 : vector<16xf32>
          %swap3A_145 = arith.index_cast %add3A_106 : i32 to index
          %swap3A_146 = arith.constant 64 : index
          %swap3A_147 = tpu.vector_load %arg10[%swap3A_145, %swap3A_146] {strides = array<i32>} : memref<80x128xf32, #tpu.memory_space<vmem>>, vector<16xf32>,
          tpu.vector_store %arg10[%swap3A_145, %swap3A_146], %mul3A_144 {strides = array<i32>} : memref<80x128xf32, #tpu.memory_space<vmem>>, vector<16xf32>,
          %get3A_148 = arith.index_cast %add3A_106 : i32 to index
          %get3A_149 = arith.constant 80 : index
          %get3A_150 = tpu.vector_load %arg10[%get3A_148, %get3A_149] {strides = array<i32>} : memref<80x128xf32, #tpu.memory_space<vmem>>, vector<16xf32>,
          %mul3A_151 = vector.broadcast %squeeze3A : f32 to vector<16xf32>
          %mul3A_152 = arith.mulf %get3A_150, %mul3A_151 : vector<16xf32>
          %swap3A_153 = arith.index_cast %add3A_106 : i32 to index
          %swap3A_154 = arith.constant 80 : index
          %swap3A_155 = tpu.vector_load %arg10[%swap3A_153, %swap3A_154] {strides = array<i32>} : memref<80x128xf32, #tpu.memory_space<vmem>>, vector<16xf32>,
          tpu.vector_store %arg10[%swap3A_153, %swap3A_154], %mul3A_152 {strides = array<i32>} : memref<80x128xf32, #tpu.memory_space<vmem>>, vector<16xf32>,
          %get3A_156 = arith.index_cast %add3A_106 : i32 to index
          %get3A_157 = arith.constant 96 : index
          %get3A_158 = tpu.vector_load %arg10[%get3A_156, %get3A_157] {strides = array<i32>} : memref<80x128xf32, #tpu.memory_space<vmem>>, vector<16xf32>,
          %mul3A_159 = vector.broadcast %squeeze3A : f32 to vector<16xf32>
          %mul3A_160 = arith.mulf %get3A_158, %mul3A_159 : vector<16xf32>
          %swap3A_161 = arith.index_cast %add3A_106 : i32 to index
          %swap3A_162 = arith.constant 96 : index
          %swap3A_163 = tpu.vector_load %arg10[%swap3A_161, %swap3A_162] {strides = array<i32>} : memref<80x128xf32, #tpu.memory_space<vmem>>, vector<16xf32>,
          tpu.vector_store %arg10[%swap3A_161, %swap3A_162], %mul3A_160 {strides = array<i32>} : memref<80x128xf32, #tpu.memory_space<vmem>>, vector<16xf32>,
          %get3A_164 = arith.index_cast %add3A_106 : i32 to index
          %get3A_165 = arith.constant 112 : index
          %get3A_166 = tpu.vector_load %arg10[%get3A_164, %get3A_165] {strides = array<i32>} : memref<80x128xf32, #tpu.memory_space<vmem>>, vector<16xf32>,
          %mul3A_167 = vector.broadcast %squeeze3A : f32 to vector<16xf32>
          %mul3A_168 = arith.mulf %get3A_166, %mul3A_167 : vector<16xf32>
          %swap3A_169 = arith.index_cast %add3A_106 : i32 to index
          %swap3A_170 = arith.constant 112 : index
          %swap3A_171 = tpu.vector_load %arg10[%swap3A_169, %swap3A_170] {strides = array<i32>} : memref<80x128xf32, #tpu.memory_space<vmem>>, vector<16xf32>,
          tpu.vector_store %arg10[%swap3A_169, %swap3A_170], %mul3A_168 {strides = array<i32>} : memref<80x128xf32, #tpu.memory_space<vmem>>, vector<16xf32>,
        }
        %scan3A_76 = arith.constant 80 : i32
        "tpu.region"() ({
          %run_scoped3A_102 = tpu.sem_alloc : memref<!tpu.dma_semaphore, #tpu.memory_space<semaphore_mem>>
          %dma_start3A_103 = arith.constant 0 : i32
          %dma_start3A_104 = tpu.memref_slice %arg8[%mul3A_55, %dma_start3A_103] : memref<25x80xi32, #tpu.memory_space<vmem>> -> memref<1x80xi32, #tpu.memory_space<vmem>>
          %dma_start3A_105 = tpu.memref_squeeze %dma_start3A_104 : memref<1x80xi32, #tpu.memory_space<vmem>> -> memref<80xi32, #tpu.memory_space<vmem>>
          %dma_start3A_106 = arith.constant 0 : i32
          %dma_start3A_107 = arith.constant 0 : i32
          %dma_start3A_108 = tpu.memref_slice %arg12[%dma_start3A_106, %dma_start3A_107] : memref<10000x128xf32, #tpu.memory_space<vmem_shared>> -> memref<10000x128xf32, #tpu.memory_space<vmem_shared>>
          tpu.enqueue_indirect_dma source(%arg10 : memref<80x128xf32, #tpu.memory_space<vmem>>) target(%dma_start3A_108 : memref<10000x128xf32, #tpu.memory_space<vmem_shared>>) offsets(%dma_start3A_105 : memref<80xi32, #tpu.memory_space<vmem>>) semaphore(%run_scoped3A_102 : memref<!tpu.dma_semaphore, #tpu.memory_space<semaphore_mem>>) {add = true}
          %dma_wait3A_109 = arith.constant 0 : i32
          %dma_wait3A_110 = tpu.memref_slice %arg8[%mul3A_55, %dma_wait3A_109] : memref<25x80xi32, #tpu.memory_space<vmem>> -> memref<1x80xi32, #tpu.memory_space<vmem>>
          %dma_wait3A_111 = tpu.memref_squeeze %dma_wait3A_110 : memref<1x80xi32, #tpu.memory_space<vmem>> -> memref<80xi32, #tpu.memory_space<vmem>>
          %dma_wait3A_112 = arith.constant 0 : i32
          %dma_wait3A_113 = arith.constant 0 : i32
          %dma_wait3A_114 = tpu.memref_slice %arg12[%dma_wait3A_112, %dma_wait3A_113] : memref<10000x128xf32, #tpu.memory_space<vmem_shared>> -> memref<10000x128xf32, #tpu.memory_space<vmem_shared>>
          tpu.wait_indirect_dma semaphore(%run_scoped3A_102 : memref<!tpu.dma_semaphore, #tpu.memory_space<semaphore_mem>>) src(%arg10 : memref<80x128xf32, #tpu.memory_space<vmem>>) dst(%dma_wait3A_114 : memref<10000x128xf32, #tpu.memory_space<vmem_shared>>)
          tpu.yield
        }) : () -> ()
        %add3A_77 = arith.constant 2 : i32
        %add3A_78 = arith.addi %mul3A_55, %add3A_77 : i32
        %mul3A_79 = arith.constant 80 : i32
        %mul3A_80 = arith.muli %add3A_78, %mul3A_79 : i32
        %dma_start3A_81 = tpu.memref_slice %arg7[%mul3A_80] : memref<2000xi32, #tpu.memory_space<vmem>> -> memref<80xi32, #tpu.memory_space<vmem>>
        %dma_start3A_82 = arith.constant 0 : i32
        %dma_start3A_83 = arith.constant 0 : i32
        %dma_start3A_84 = tpu.memref_slice %arg2[%dma_start3A_82, %dma_start3A_83] : memref<10000x128xf32, #tpu.memory_space<hbm>> -> memref<10000x128xf32, #tpu.memory_space<hbm>>
        tpu.enqueue_indirect_dma source(%dma_start3A_84 : memref<10000x128xf32, #tpu.memory_space<hbm>>) target(%arg10 : memref<80x128xf32, #tpu.memory_space<vmem>>) offsets(%dma_start3A_81 : memref<80xi32, #tpu.memory_space<vmem>>) semaphore(%arg13 : memref<!tpu.dma_semaphore, #tpu.memory_space<semaphore_mem>>)
        %add3A_85 = arith.constant 1 : i32
        %add3A_86 = arith.addi %mul3A_55, %add3A_85 : i32
        %mul3A_87 = arith.constant 80 : i32
        %mul3A_88 = arith.muli %add3A_86, %mul3A_87 : i32
        %dma_wait3A_89 = tpu.memref_slice %arg7[%mul3A_88] : memref<2000xi32, #tpu.memory_space<vmem>> -> memref<80xi32, #tpu.memory_space<vmem>>
        %dma_wait3A_90 = arith.constant 0 : i32
        %dma_wait3A_91 = arith.constant 0 : i32
        %dma_wait3A_92 = tpu.memref_slice %arg2[%dma_wait3A_90, %dma_wait3A_91] : memref<10000x128xf32, #tpu.memory_space<hbm>> -> memref<10000x128xf32, #tpu.memory_space<hbm>>
        tpu.wait_indirect_dma semaphore(%arg14 : memref<!tpu.dma_semaphore, #tpu.memory_space<semaphore_mem>>) src(%dma_wait3A_92 : memref<10000x128xf32, #tpu.memory_space<hbm>>) dst(%arg11 : memref<80x128xf32, #tpu.memory_space<vmem>>)
        %add3A_93 = arith.constant 1 : i32
        %add3A_94 = arith.addi %mul3A_55, %add3A_93 : i32
        %mul3A_95 = arith.constant 80 : i32
        %mul3A_96 = arith.muli %add3A_94, %mul3A_95 : i32
        %scan3A_97 = arith.constant 0 : i32
        %scan3A_98 = arith.constant 80 : i32
        %scan3A_99 = arith.addi %scan3A_97, %scan3A_98 : i32
        %scan3A_100 = arith.constant 1 : i32
        scf.for %scan3A_102 = %scan3A_97 to %scan3A_99 step %scan3A_100  : i32 {
          %mul3A_103 = arith.constant 1 : i32
          %mul3A_104 = arith.muli %scan3A_102, %mul3A_103 : i32
          %add3A_105 = arith.constant 0 : i32
          %add3A_106 = arith.addi %add3A_105, %mul3A_104 : i32
          %add3A_107 = arith.addi %mul3A_96, %add3A_106 : i32
          %get3A = arith.index_cast %add3A_107 : i32 to index
          %get3A_108 = tpu.vector_load %arg9[%get3A] {strides = array<i32>} : memref<2016xf32, #tpu.memory_space<vmem>>, vector<16xf32>,
          %slice3A = vector.extract_strided_slice %get3A_108 {offsets = [0], sizes = [1], strides = [1]} : vector<16xf32> to vector<1xf32>
          %squeeze3A = vector.extract %slice3A[0] : f32 from vector<1xf32>
          %get3A_109 = arith.index_cast %add3A_106 : i32 to index
          %get3A_110 = arith.constant 0 : index
          %get3A_111 = tpu.vector_load %arg11[%get3A_109, %get3A_110] {strides = array<i32>} : memref<80x128xf32, #tpu.memory_space<vmem>>, vector<16xf32>,
          %mul3A_112 = vector.broadcast %squeeze3A : f32 to vector<16xf32>
          %mul3A_113 = arith.mulf %get3A_111, %mul3A_112 : vector<16xf32>
          %swap3A = arith.index_cast %add3A_106 : i32 to index
          %swap3A_114 = arith.constant 0 : index
          %swap3A_115 = tpu.vector_load %arg11[%swap3A, %swap3A_114] {strides = array<i32>} : memref<80x128xf32, #tpu.memory_space<vmem>>, vector<16xf32>,
          tpu.vector_store %arg11[%swap3A, %swap3A_114], %mul3A_113 {strides = array<i32>} : memref<80x128xf32, #tpu.memory_space<vmem>>, vector<16xf32>,
          %get3A_116 = arith.index_cast %add3A_106 : i32 to index
          %get3A_117 = arith.constant 16 : index
          %get3A_118 = tpu.vector_load %arg11[%get3A_116, %get3A_117] {strides = array<i32>} : memref<80x128xf32, #tpu.memory_space<vmem>>, vector<16xf32>,
          %mul3A_119 = vector.broadcast %squeeze3A : f32 to vector<16xf32>
          %mul3A_120 = arith.mulf %get3A_118, %mul3A_119 : vector<16xf32>
          %swap3A_121 = arith.index_cast %add3A_106 : i32 to index
          %swap3A_122 = arith.constant 16 : index
          %swap3A_123 = tpu.vector_load %arg11[%swap3A_121, %swap3A_122] {strides = array<i32>} : memref<80x128xf32, #tpu.memory_space<vmem>>, vector<16xf32>,
          tpu.vector_store %arg11[%swap3A_121, %swap3A_122], %mul3A_120 {strides = array<i32>} : memref<80x128xf32, #tpu.memory_space<vmem>>, vector<16xf32>,
          %get3A_124 = arith.index_cast %add3A_106 : i32 to index
          %get3A_125 = arith.constant 32 : index
          %get3A_126 = tpu.vector_load %arg11[%get3A_124, %get3A_125] {strides = array<i32>} : memref<80x128xf32, #tpu.memory_space<vmem>>, vector<16xf32>,
          %mul3A_127 = vector.broadcast %squeeze3A : f32 to vector<16xf32>
          %mul3A_128 = arith.mulf %get3A_126, %mul3A_127 : vector<16xf32>
          %swap3A_129 = arith.index_cast %add3A_106 : i32 to index
          %swap3A_130 = arith.constant 32 : index
          %swap3A_131 = tpu.vector_load %arg11[%swap3A_129, %swap3A_130] {strides = array<i32>} : memref<80x128xf32, #tpu.memory_space<vmem>>, vector<16xf32>,
          tpu.vector_store %arg11[%swap3A_129, %swap3A_130], %mul3A_128 {strides = array<i32>} : memref<80x128xf32, #tpu.memory_space<vmem>>, vector<16xf32>,
          %get3A_132 = arith.index_cast %add3A_106 : i32 to index
          %get3A_133 = arith.constant 48 : index
          %get3A_134 = tpu.vector_load %arg11[%get3A_132, %get3A_133] {strides = array<i32>} : memref<80x128xf32, #tpu.memory_space<vmem>>, vector<16xf32>,
          %mul3A_135 = vector.broadcast %squeeze3A : f32 to vector<16xf32>
          %mul3A_136 = arith.mulf %get3A_134, %mul3A_135 : vector<16xf32>
          %swap3A_137 = arith.index_cast %add3A_106 : i32 to index
          %swap3A_138 = arith.constant 48 : index
          %swap3A_139 = tpu.vector_load %arg11[%swap3A_137, %swap3A_138] {strides = array<i32>} : memref<80x128xf32, #tpu.memory_space<vmem>>, vector<16xf32>,
          tpu.vector_store %arg11[%swap3A_137, %swap3A_138], %mul3A_136 {strides = array<i32>} : memref<80x128xf32, #tpu.memory_space<vmem>>, vector<16xf32>,
          %get3A_140 = arith.index_cast %add3A_106 : i32 to index
          %get3A_141 = arith.constant 64 : index
          %get3A_142 = tpu.vector_load %arg11[%get3A_140, %get3A_141] {strides = array<i32>} : memref<80x128xf32, #tpu.memory_space<vmem>>, vector<16xf32>,
          %mul3A_143 = vector.broadcast %squeeze3A : f32 to vector<16xf32>
          %mul3A_144 = arith.mulf %get3A_142, %mul3A_143 : vector<16xf32>
          %swap3A_145 = arith.index_cast %add3A_106 : i32 to index
          %swap3A_146 = arith.constant 64 : index
          %swap3A_147 = tpu.vector_load %arg11[%swap3A_145, %swap3A_146] {strides = array<i32>} : memref<80x128xf32, #tpu.memory_space<vmem>>, vector<16xf32>,
          tpu.vector_store %arg11[%swap3A_145, %swap3A_146], %mul3A_144 {strides = array<i32>} : memref<80x128xf32, #tpu.memory_space<vmem>>, vector<16xf32>,
          %get3A_148 = arith.index_cast %add3A_106 : i32 to index
          %get3A_149 = arith.constant 80 : index
          %get3A_150 = tpu.vector_load %arg11[%get3A_148, %get3A_149] {strides = array<i32>} : memref<80x128xf32, #tpu.memory_space<vmem>>, vector<16xf32>,
          %mul3A_151 = vector.broadcast %squeeze3A : f32 to vector<16xf32>
          %mul3A_152 = arith.mulf %get3A_150, %mul3A_151 : vector<16xf32>
          %swap3A_153 = arith.index_cast %add3A_106 : i32 to index
          %swap3A_154 = arith.constant 80 : index
          %swap3A_155 = tpu.vector_load %arg11[%swap3A_153, %swap3A_154] {strides = array<i32>} : memref<80x128xf32, #tpu.memory_space<vmem>>, vector<16xf32>,
          tpu.vector_store %arg11[%swap3A_153, %swap3A_154], %mul3A_152 {strides = array<i32>} : memref<80x128xf32, #tpu.memory_space<vmem>>, vector<16xf32>,
          %get3A_156 = arith.index_cast %add3A_106 : i32 to index
          %get3A_157 = arith.constant 96 : index
          %get3A_158 = tpu.vector_load %arg11[%get3A_156, %get3A_157] {strides = array<i32>} : memref<80x128xf32, #tpu.memory_space<vmem>>, vector<16xf32>,
          %mul3A_159 = vector.broadcast %squeeze3A : f32 to vector<16xf32>
          %mul3A_160 = arith.mulf %get3A_158, %mul3A_159 : vector<16xf32>
          %swap3A_161 = arith.index_cast %add3A_106 : i32 to index
          %swap3A_162 = arith.constant 96 : index
          %swap3A_163 = tpu.vector_load %arg11[%swap3A_161, %swap3A_162] {strides = array<i32>} : memref<80x128xf32, #tpu.memory_space<vmem>>, vector<16xf32>,
          tpu.vector_store %arg11[%swap3A_161, %swap3A_162], %mul3A_160 {strides = array<i32>} : memref<80x128xf32, #tpu.memory_space<vmem>>, vector<16xf32>,
          %get3A_164 = arith.index_cast %add3A_106 : i32 to index
          %get3A_165 = arith.constant 112 : index
          %get3A_166 = tpu.vector_load %arg11[%get3A_164, %get3A_165] {strides = array<i32>} : memref<80x128xf32, #tpu.memory_space<vmem>>, vector<16xf32>,
          %mul3A_167 = vector.broadcast %squeeze3A : f32 to vector<16xf32>
          %mul3A_168 = arith.mulf %get3A_166, %mul3A_167 : vector<16xf32>
          %swap3A_169 = arith.index_cast %add3A_106 : i32 to index
          %swap3A_170 = arith.constant 112 : index
          %swap3A_171 = tpu.vector_load %arg11[%swap3A_169, %swap3A_170] {strides = array<i32>} : memref<80x128xf32, #tpu.memory_space<vmem>>, vector<16xf32>,
          tpu.vector_store %arg11[%swap3A_169, %swap3A_170], %mul3A_168 {strides = array<i32>} : memref<80x128xf32, #tpu.memory_space<vmem>>, vector<16xf32>,
        }
        %scan3A_101 = arith.constant 80 : i32
        "tpu.region"() ({
          %run_scoped3A_102 = tpu.sem_alloc : memref<!tpu.dma_semaphore, #tpu.memory_space<semaphore_mem>>
          %dma_start3A_103 = arith.constant 0 : i32
          %dma_start3A_104 = tpu.memref_slice %arg8[%add3A_94, %dma_start3A_103] : memref<25x80xi32, #tpu.memory_space<vmem>> -> memref<1x80xi32, #tpu.memory_space<vmem>>
          %dma_start3A_105 = tpu.memref_squeeze %dma_start3A_104 : memref<1x80xi32, #tpu.memory_space<vmem>> -> memref<80xi32, #tpu.memory_space<vmem>>
          %dma_start3A_106 = arith.constant 0 : i32
          %dma_start3A_107 = arith.constant 0 : i32
          %dma_start3A_108 = tpu.memref_slice %arg12[%dma_start3A_106, %dma_start3A_107] : memref<10000x128xf32, #tpu.memory_space<vmem_shared>> -> memref<10000x128xf32, #tpu.memory_space<vmem_shared>>
          tpu.enqueue_indirect_dma source(%arg11 : memref<80x128xf32, #tpu.memory_space<vmem>>) target(%dma_start3A_108 : memref<10000x128xf32, #tpu.memory_space<vmem_shared>>) offsets(%dma_start3A_105 : memref<80xi32, #tpu.memory_space<vmem>>) semaphore(%run_scoped3A_102 : memref<!tpu.dma_semaphore, #tpu.memory_space<semaphore_mem>>) {add = true}
          %dma_wait3A_109 = arith.constant 0 : i32
          %dma_wait3A_110 = tpu.memref_slice %arg8[%add3A_94, %dma_wait3A_109] : memref<25x80xi32, #tpu.memory_space<vmem>> -> memref<1x80xi32, #tpu.memory_space<vmem>>
          %dma_wait3A_111 = tpu.memref_squeeze %dma_wait3A_110 : memref<1x80xi32, #tpu.memory_space<vmem>> -> memref<80xi32, #tpu.memory_space<vmem>>
          %dma_wait3A_112 = arith.constant 0 : i32
          %dma_wait3A_113 = arith.constant 0 : i32
          %dma_wait3A_114 = tpu.memref_slice %arg12[%dma_wait3A_112, %dma_wait3A_113] : memref<10000x128xf32, #tpu.memory_space<vmem_shared>> -> memref<10000x128xf32, #tpu.memory_space<vmem_shared>>
          tpu.wait_indirect_dma semaphore(%run_scoped3A_102 : memref<!tpu.dma_semaphore, #tpu.memory_space<semaphore_mem>>) src(%arg11 : memref<80x128xf32, #tpu.memory_space<vmem>>) dst(%dma_wait3A_114 : memref<10000x128xf32, #tpu.memory_space<vmem_shared>>)
          tpu.yield
        }) : () -> ()
      }
      %scan3A_39 = arith.constant 12 : i32
      %dma_wait3A = arith.constant 1920 : i32
      %dma_wait3A_40 = tpu.memref_slice %arg7[%dma_wait3A] : memref<2000xi32, #tpu.memory_space<vmem>> -> memref<80xi32, #tpu.memory_space<vmem>>
      %dma_wait3A_41 = arith.constant 0 : i32
      %dma_wait3A_42 = arith.constant 0 : i32
      %dma_wait3A_43 = tpu.memref_slice %arg2[%dma_wait3A_41, %dma_wait3A_42] : memref<10000x128xf32, #tpu.memory_space<hbm>> -> memref<10000x128xf32, #tpu.memory_space<hbm>>
      tpu.wait_indirect_dma semaphore(%arg13 : memref<!tpu.dma_semaphore, #tpu.memory_space<semaphore_mem>>) src(%dma_wait3A_43 : memref<10000x128xf32, #tpu.memory_space<hbm>>) dst(%arg10 : memref<80x128xf32, #tpu.memory_space<vmem>>)
      %scan3A_44 = arith.constant 0 : i32
      %scan3A_45 = arith.constant 80 : i32
      %scan3A_46 = arith.addi %scan3A_44, %scan3A_45 : i32
      %scan3A_47 = arith.constant 1 : i32
      scf.for %scan3A_49 = %scan3A_44 to %scan3A_46 step %scan3A_47  : i32 {
        %mul3A_50 = arith.constant 1 : i32
        %mul3A_51 = arith.muli %scan3A_49, %mul3A_50 : i32
        %add3A_52 = arith.constant 0 : i32
        %add3A_53 = arith.addi %add3A_52, %mul3A_51 : i32
        %add3A_54 = arith.constant 1920 : i32
        %add3A_55 = arith.addi %add3A_54, %add3A_53 : i32
        %get3A = arith.index_cast %add3A_55 : i32 to index
        %get3A_56 = tpu.vector_load %arg9[%get3A] {strides = array<i32>} : memref<2016xf32, #tpu.memory_space<vmem>>, vector<16xf32>,
        %slice3A = vector.extract_strided_slice %get3A_56 {offsets = [0], sizes = [1], strides = [1]} : vector<16xf32> to vector<1xf32>
        %squeeze3A = vector.extract %slice3A[0] : f32 from vector<1xf32>
        %get3A_57 = arith.index_cast %add3A_53 : i32 to index
        %get3A_58 = arith.constant 0 : index
        %get3A_59 = tpu.vector_load %arg10[%get3A_57, %get3A_58] {strides = array<i32>} : memref<80x128xf32, #tpu.memory_space<vmem>>, vector<16xf32>,
        %mul3A_60 = vector.broadcast %squeeze3A : f32 to vector<16xf32>
        %mul3A_61 = arith.mulf %get3A_59, %mul3A_60 : vector<16xf32>
        %swap3A = arith.index_cast %add3A_53 : i32 to index
        %swap3A_62 = arith.constant 0 : index
        %swap3A_63 = tpu.vector_load %arg10[%swap3A, %swap3A_62] {strides = array<i32>} : memref<80x128xf32, #tpu.memory_space<vmem>>, vector<16xf32>,
        tpu.vector_store %arg10[%swap3A, %swap3A_62], %mul3A_61 {strides = array<i32>} : memref<80x128xf32, #tpu.memory_space<vmem>>, vector<16xf32>,
        %get3A_64 = arith.index_cast %add3A_53 : i32 to index
        %get3A_65 = arith.constant 16 : index
        %get3A_66 = tpu.vector_load %arg10[%get3A_64, %get3A_65] {strides = array<i32>} : memref<80x128xf32, #tpu.memory_space<vmem>>, vector<16xf32>,
        %mul3A_67 = vector.broadcast %squeeze3A : f32 to vector<16xf32>
        %mul3A_68 = arith.mulf %get3A_66, %mul3A_67 : vector<16xf32>
        %swap3A_69 = arith.index_cast %add3A_53 : i32 to index
        %swap3A_70 = arith.constant 16 : index
        %swap3A_71 = tpu.vector_load %arg10[%swap3A_69, %swap3A_70] {strides = array<i32>} : memref<80x128xf32, #tpu.memory_space<vmem>>, vector<16xf32>,
        tpu.vector_store %arg10[%swap3A_69, %swap3A_70], %mul3A_68 {strides = array<i32>} : memref<80x128xf32, #tpu.memory_space<vmem>>, vector<16xf32>,
        %get3A_72 = arith.index_cast %add3A_53 : i32 to index
        %get3A_73 = arith.constant 32 : index
        %get3A_74 = tpu.vector_load %arg10[%get3A_72, %get3A_73] {strides = array<i32>} : memref<80x128xf32, #tpu.memory_space<vmem>>, vector<16xf32>,
        %mul3A_75 = vector.broadcast %squeeze3A : f32 to vector<16xf32>
        %mul3A_76 = arith.mulf %get3A_74, %mul3A_75 : vector<16xf32>
        %swap3A_77 = arith.index_cast %add3A_53 : i32 to index
        %swap3A_78 = arith.constant 32 : index
        %swap3A_79 = tpu.vector_load %arg10[%swap3A_77, %swap3A_78] {strides = array<i32>} : memref<80x128xf32, #tpu.memory_space<vmem>>, vector<16xf32>,
        tpu.vector_store %arg10[%swap3A_77, %swap3A_78], %mul3A_76 {strides = array<i32>} : memref<80x128xf32, #tpu.memory_space<vmem>>, vector<16xf32>,
        %get3A_80 = arith.index_cast %add3A_53 : i32 to index
        %get3A_81 = arith.constant 48 : index
        %get3A_82 = tpu.vector_load %arg10[%get3A_80, %get3A_81] {strides = array<i32>} : memref<80x128xf32, #tpu.memory_space<vmem>>, vector<16xf32>,
        %mul3A_83 = vector.broadcast %squeeze3A : f32 to vector<16xf32>
        %mul3A_84 = arith.mulf %get3A_82, %mul3A_83 : vector<16xf32>
        %swap3A_85 = arith.index_cast %add3A_53 : i32 to index
        %swap3A_86 = arith.constant 48 : index
        %swap3A_87 = tpu.vector_load %arg10[%swap3A_85, %swap3A_86] {strides = array<i32>} : memref<80x128xf32, #tpu.memory_space<vmem>>, vector<16xf32>,
        tpu.vector_store %arg10[%swap3A_85, %swap3A_86], %mul3A_84 {strides = array<i32>} : memref<80x128xf32, #tpu.memory_space<vmem>>, vector<16xf32>,
        %get3A_88 = arith.index_cast %add3A_53 : i32 to index
        %get3A_89 = arith.constant 64 : index
        %get3A_90 = tpu.vector_load %arg10[%get3A_88, %get3A_89] {strides = array<i32>} : memref<80x128xf32, #tpu.memory_space<vmem>>, vector<16xf32>,
        %mul3A_91 = vector.broadcast %squeeze3A : f32 to vector<16xf32>
        %mul3A_92 = arith.mulf %get3A_90, %mul3A_91 : vector<16xf32>
        %swap3A_93 = arith.index_cast %add3A_53 : i32 to index
        %swap3A_94 = arith.constant 64 : index
        %swap3A_95 = tpu.vector_load %arg10[%swap3A_93, %swap3A_94] {strides = array<i32>} : memref<80x128xf32, #tpu.memory_space<vmem>>, vector<16xf32>,
        tpu.vector_store %arg10[%swap3A_93, %swap3A_94], %mul3A_92 {strides = array<i32>} : memref<80x128xf32, #tpu.memory_space<vmem>>, vector<16xf32>,
        %get3A_96 = arith.index_cast %add3A_53 : i32 to index
        %get3A_97 = arith.constant 80 : index
        %get3A_98 = tpu.vector_load %arg10[%get3A_96, %get3A_97] {strides = array<i32>} : memref<80x128xf32, #tpu.memory_space<vmem>>, vector<16xf32>,
        %mul3A_99 = vector.broadcast %squeeze3A : f32 to vector<16xf32>
        %mul3A_100 = arith.mulf %get3A_98, %mul3A_99 : vector<16xf32>
        %swap3A_101 = arith.index_cast %add3A_53 : i32 to index
        %swap3A_102 = arith.constant 80 : index
        %swap3A_103 = tpu.vector_load %arg10[%swap3A_101, %swap3A_102] {strides = array<i32>} : memref<80x128xf32, #tpu.memory_space<vmem>>, vector<16xf32>,
        tpu.vector_store %arg10[%swap3A_101, %swap3A_102], %mul3A_100 {strides = array<i32>} : memref<80x128xf32, #tpu.memory_space<vmem>>, vector<16xf32>,
        %get3A_104 = arith.index_cast %add3A_53 : i32 to index
        %get3A_105 = arith.constant 96 : index
        %get3A_106 = tpu.vector_load %arg10[%get3A_104, %get3A_105] {strides = array<i32>} : memref<80x128xf32, #tpu.memory_space<vmem>>, vector<16xf32>,
        %mul3A_107 = vector.broadcast %squeeze3A : f32 to vector<16xf32>
        %mul3A_108 = arith.mulf %get3A_106, %mul3A_107 : vector<16xf32>
        %swap3A_109 = arith.index_cast %add3A_53 : i32 to index
        %swap3A_110 = arith.constant 96 : index
        %swap3A_111 = tpu.vector_load %arg10[%swap3A_109, %swap3A_110] {strides = array<i32>} : memref<80x128xf32, #tpu.memory_space<vmem>>, vector<16xf32>,
        tpu.vector_store %arg10[%swap3A_109, %swap3A_110], %mul3A_108 {strides = array<i32>} : memref<80x128xf32, #tpu.memory_space<vmem>>, vector<16xf32>,
        %get3A_112 = arith.index_cast %add3A_53 : i32 to index
        %get3A_113 = arith.constant 112 : index
        %get3A_114 = tpu.vector_load %arg10[%get3A_112, %get3A_113] {strides = array<i32>} : memref<80x128xf32, #tpu.memory_space<vmem>>, vector<16xf32>,
        %mul3A_115 = vector.broadcast %squeeze3A : f32 to vector<16xf32>
        %mul3A_116 = arith.mulf %get3A_114, %mul3A_115 : vector<16xf32>
        %swap3A_117 = arith.index_cast %add3A_53 : i32 to index
        %swap3A_118 = arith.constant 112 : index
        %swap3A_119 = tpu.vector_load %arg10[%swap3A_117, %swap3A_118] {strides = array<i32>} : memref<80x128xf32, #tpu.memory_space<vmem>>, vector<16xf32>,
        tpu.vector_store %arg10[%swap3A_117, %swap3A_118], %mul3A_116 {strides = array<i32>} : memref<80x128xf32, #tpu.memory_space<vmem>>, vector<16xf32>,
      }
      %scan3A_48 = arith.constant 80 : i32
      %run_scoped3A = arith.constant 24 : i32
      "tpu.region"() ({
        %run_scoped3A_49 = tpu.sem_alloc : memref<!tpu.dma_semaphore, #tpu.memory_space<semaphore_mem>>
        %dma_start3A_50 = arith.constant 0 : i32
        %dma_start3A_51 = tpu.memref_slice %arg8[%run_scoped3A, %dma_start3A_50] : memref<25x80xi32, #tpu.memory_space<vmem>> -> memref<1x80xi32, #tpu.memory_space<vmem>>
        %dma_start3A_52 = tpu.memref_squeeze %dma_start3A_51 : memref<1x80xi32, #tpu.memory_space<vmem>> -> memref<80xi32, #tpu.memory_space<vmem>>
        %dma_start3A_53 = arith.constant 0 : i32
        %dma_start3A_54 = arith.constant 0 : i32
        %dma_start3A_55 = tpu.memref_slice %arg12[%dma_start3A_53, %dma_start3A_54] : memref<10000x128xf32, #tpu.memory_space<vmem_shared>> -> memref<10000x128xf32, #tpu.memory_space<vmem_shared>>
        tpu.enqueue_indirect_dma source(%arg10 : memref<80x128xf32, #tpu.memory_space<vmem>>) target(%dma_start3A_55 : memref<10000x128xf32, #tpu.memory_space<vmem_shared>>) offsets(%dma_start3A_52 : memref<80xi32, #tpu.memory_space<vmem>>) semaphore(%run_scoped3A_49 : memref<!tpu.dma_semaphore, #tpu.memory_space<semaphore_mem>>) {add = true}
        %dma_wait3A_56 = arith.constant 0 : i32
        %dma_wait3A_57 = tpu.memref_slice %arg8[%run_scoped3A, %dma_wait3A_56] : memref<25x80xi32, #tpu.memory_space<vmem>> -> memref<1x80xi32, #tpu.memory_space<vmem>>
        %dma_wait3A_58 = tpu.memref_squeeze %dma_wait3A_57 : memref<1x80xi32, #tpu.memory_space<vmem>> -> memref<80xi32, #tpu.memory_space<vmem>>
        %dma_wait3A_59 = arith.constant 0 : i32
        %dma_wait3A_60 = arith.constant 0 : i32
        %dma_wait3A_61 = tpu.memref_slice %arg12[%dma_wait3A_59, %dma_wait3A_60] : memref<10000x128xf32, #tpu.memory_space<vmem_shared>> -> memref<10000x128xf32, #tpu.memory_space<vmem_shared>>
        tpu.wait_indirect_dma semaphore(%run_scoped3A_49 : memref<!tpu.dma_semaphore, #tpu.memory_space<semaphore_mem>>) src(%arg10 : memref<80x128xf32, #tpu.memory_space<vmem>>) dst(%dma_wait3A_61 : memref<10000x128xf32, #tpu.memory_space<vmem_shared>>)
        tpu.yield
      }) : () -> ()
    }
    %scan3A_20 = arith.constant 5 : i32
    %barrier3A_21 = arith.constant 0 : index
    tpu.barrier barrier_id(%barrier3A_21)
    %mul3A_22 = arith.constant 625 : i32
    %mul3A_23 = arith.muli %arg1, %mul3A_22 : i32
    %mul3A_24 = arith.constant 625 : i32
    %mul3A_25 = arith.muli %arg1, %mul3A_24 : i32
    "tpu.region"() ({
      %run_scoped3A = tpu.sem_alloc : memref<!tpu.dma_semaphore, #tpu.memory_space<semaphore_mem>>
      %dma_start3A = arith.constant 0 : i32
      %dma_start3A_26 = arith.constant 0 : i32
      %dma_start3A_27 = tpu.memref_slice %arg6[%arg0, %dma_start3A, %dma_start3A_26] : memref<2x10000x128xf32, #tpu.memory_space<hbm>> -> memref<1x10000x128xf32, #tpu.memory_space<hbm>>
      %dma_start3A_28 = tpu.memref_squeeze %dma_start3A_27 : memref<1x10000x128xf32, #tpu.memory_space<hbm>> -> memref<10000x128xf32, #tpu.memory_space<hbm>>
      %dma_start3A_29 = arith.constant 0 : i32
      %dma_start3A_30 = tpu.memref_slice %dma_start3A_28[%mul3A_25, %dma_start3A_29] : memref<10000x128xf32, #tpu.memory_space<hbm>> -> memref<625x128xf32, #tpu.memory_space<hbm>>
      %dma_start3A_31 = arith.constant 0 : i32
      %dma_start3A_32 = tpu.memref_slice %arg12[%mul3A_23, %dma_start3A_31] : memref<10000x128xf32, #tpu.memory_space<vmem_shared>> -> memref<625x128xf32, #tpu.memory_space<vmem_shared>>
      tpu.enqueue_dma source(%dma_start3A_32 : memref<625x128xf32, #tpu.memory_space<vmem_shared>>) target(%dma_start3A_30 : memref<625x128xf32, #tpu.memory_space<hbm>>) target_semaphore(%run_scoped3A : memref<!tpu.dma_semaphore, #tpu.memory_space<semaphore_mem>>)
      %dma_wait3A = arith.constant 0 : i32
      %dma_wait3A_33 = arith.constant 0 : i32
      %dma_wait3A_34 = tpu.memref_slice %arg6[%arg0, %dma_wait3A, %dma_wait3A_33] : memref<2x10000x128xf32, #tpu.memory_space<hbm>> -> memref<1x10000x128xf32, #tpu.memory_space<hbm>>
      %dma_wait3A_35 = tpu.memref_squeeze %dma_wait3A_34 : memref<1x10000x128xf32, #tpu.memory_space<hbm>> -> memref<10000x128xf32, #tpu.memory_space<hbm>>
      %dma_wait3A_36 = arith.constant 0 : i32
      %dma_wait3A_37 = tpu.memref_slice %dma_wait3A_35[%mul3A_25, %dma_wait3A_36] : memref<10000x128xf32, #tpu.memory_space<hbm>> -> memref<625x128xf32, #tpu.memory_space<hbm>>
      %dma_wait3A_38 = arith.constant 0 : i32
      %dma_wait3A_39 = tpu.memref_slice %arg12[%mul3A_23, %dma_wait3A_38] : memref<10000x128xf32, #tpu.memory_space<vmem_shared>> -> memref<625x128xf32, #tpu.memory_space<vmem_shared>>
      tpu.wait_dma2 semaphore(%run_scoped3A : memref<!tpu.dma_semaphore, #tpu.memory_space<semaphore_mem>>) src(%dma_wait3A_39 : memref<625x128xf32, #tpu.memory_space<vmem_shared>>) dst(%dma_wait3A_37 : memref<625x128xf32, #tpu.memory_space<hbm>>)
      tpu.yield
    }) : () -> ()
    return
  }
}

#map = affine_map<(d0, d1) -> (0, 0)>
#map1 = affine_map<(d0, d1) -> (0)>
module attributes {stable_mosaic.version = 14 : i64} {
  func.func @_sc_scalar1_body(%arg0: i32, %arg1: i32, %arg2: memref<32x10000xi32, #tpu.memory_space<hbm>>, %arg3: memref<32x10000xi32, #tpu.memory_space<hbm>>, %arg4: memref<32x10000xf32, #tpu.memory_space<hbm>>, %arg5: memref<10000xf32, #tpu.memory_space<hbm>>, %arg6: memref<10000xf32, #tpu.memory_space<hbm>>, %arg7: memref<32x10000xf32, #tpu.memory_space<hbm>>, %arg8: memref<32x10000xf32, #tpu.memory_space<hbm>>, %arg9: memref<10000xf32, #tpu.memory_space<vmem>>, %arg10: memref<10000xf32, #tpu.memory_space<vmem>>, %arg11: memref<10000xi32, #tpu.memory_space<vmem>>, %arg12: memref<10000xi32, #tpu.memory_space<vmem>>, %arg13: memref<10000xf32, #tpu.memory_space<vmem>>, %arg14: memref<10000xf32, #tpu.memory_space<vmem>>, %arg15: memref<10000xf32, #tpu.memory_space<vmem>>) attributes {dimension_semantics = [#tpu.dimension_semantics<core_parallel>, #tpu.dimension_semantics<subcore_parallel>], iteration_bounds = array<i64: 2, 16>, scalar_prefetch = 0 : i64, scratch_operands = 7 : i64, tpu.core_type = #tpu.core_type<sc_vector_subcore>, window_params = [{transform_indices = #map}, {transform_indices = #map}, {transform_indices = #map}, {transform_indices = #map1}, {transform_indices = #map1}, {transform_indices = #map}, {transform_indices = #map}]} {
    %mul3A = arith.constant 2 : i32
    %mul3A_0 = arith.muli %arg1, %mul3A : i32
    %add3A = arith.addi %mul3A_0, %arg0 : i32
    "tpu.region"() ({
      %run_scoped3A = tpu.sem_alloc : memref<!tpu.dma_semaphore, #tpu.memory_space<semaphore_mem>>
      tpu.enqueue_dma source(%arg5 : memref<10000xf32, #tpu.memory_space<hbm>>) target(%arg9 : memref<10000xf32, #tpu.memory_space<vmem>>) target_semaphore(%run_scoped3A : memref<!tpu.dma_semaphore, #tpu.memory_space<semaphore_mem>>)
      tpu.wait_dma2 semaphore(%run_scoped3A : memref<!tpu.dma_semaphore, #tpu.memory_space<semaphore_mem>>) src(%arg5 : memref<10000xf32, #tpu.memory_space<hbm>>) dst(%arg9 : memref<10000xf32, #tpu.memory_space<vmem>>)
      tpu.yield
    }) : () -> ()
    "tpu.region"() ({
      %run_scoped3A = tpu.sem_alloc : memref<!tpu.dma_semaphore, #tpu.memory_space<semaphore_mem>>
      tpu.enqueue_dma source(%arg6 : memref<10000xf32, #tpu.memory_space<hbm>>) target(%arg10 : memref<10000xf32, #tpu.memory_space<vmem>>) target_semaphore(%run_scoped3A : memref<!tpu.dma_semaphore, #tpu.memory_space<semaphore_mem>>)
      tpu.wait_dma2 semaphore(%run_scoped3A : memref<!tpu.dma_semaphore, #tpu.memory_space<semaphore_mem>>) src(%arg6 : memref<10000xf32, #tpu.memory_space<hbm>>) dst(%arg10 : memref<10000xf32, #tpu.memory_space<vmem>>)
      tpu.yield
    }) : () -> ()
    "tpu.region"() ({
      %run_scoped3A = tpu.sem_alloc : memref<!tpu.dma_semaphore, #tpu.memory_space<semaphore_mem>>
      %dma_start3A = arith.constant 0 : i32
      %dma_start3A_11 = tpu.memref_slice %arg2[%add3A, %dma_start3A] : memref<32x10000xi32, #tpu.memory_space<hbm>> -> memref<1x10000xi32, #tpu.memory_space<hbm>>
      %dma_start3A_12 = tpu.memref_squeeze %dma_start3A_11 : memref<1x10000xi32, #tpu.memory_space<hbm>> -> memref<10000xi32, #tpu.memory_space<hbm>>
      %dma_start3A_13 = arith.constant 0 : i32
      %dma_start3A_14 = tpu.memref_slice %arg2[%add3A, %dma_start3A_13] : memref<32x10000xi32, #tpu.memory_space<hbm>> -> memref<1x10000xi32, #tpu.memory_space<hbm>>
      %dma_start3A_15 = tpu.memref_squeeze %dma_start3A_14 : memref<1x10000xi32, #tpu.memory_space<hbm>> -> memref<10000xi32, #tpu.memory_space<hbm>>
      tpu.enqueue_dma source(%dma_start3A_15 : memref<10000xi32, #tpu.memory_space<hbm>>) target(%arg11 : memref<10000xi32, #tpu.memory_space<vmem>>) target_semaphore(%run_scoped3A : memref<!tpu.dma_semaphore, #tpu.memory_space<semaphore_mem>>)
      %dma_wait3A = arith.constant 0 : i32
      %dma_wait3A_16 = tpu.memref_slice %arg2[%add3A, %dma_wait3A] : memref<32x10000xi32, #tpu.memory_space<hbm>> -> memref<1x10000xi32, #tpu.memory_space<hbm>>
      %dma_wait3A_17 = tpu.memref_squeeze %dma_wait3A_16 : memref<1x10000xi32, #tpu.memory_space<hbm>> -> memref<10000xi32, #tpu.memory_space<hbm>>
      %dma_wait3A_18 = arith.constant 0 : i32
      %dma_wait3A_19 = tpu.memref_slice %arg2[%add3A, %dma_wait3A_18] : memref<32x10000xi32, #tpu.memory_space<hbm>> -> memref<1x10000xi32, #tpu.memory_space<hbm>>
      %dma_wait3A_20 = tpu.memref_squeeze %dma_wait3A_19 : memref<1x10000xi32, #tpu.memory_space<hbm>> -> memref<10000xi32, #tpu.memory_space<hbm>>
      tpu.wait_dma2 semaphore(%run_scoped3A : memref<!tpu.dma_semaphore, #tpu.memory_space<semaphore_mem>>) src(%dma_wait3A_20 : memref<10000xi32, #tpu.memory_space<hbm>>) dst(%arg11 : memref<10000xi32, #tpu.memory_space<vmem>>)
      tpu.yield
    }) : () -> ()
    "tpu.region"() ({
      %run_scoped3A = tpu.sem_alloc : memref<!tpu.dma_semaphore, #tpu.memory_space<semaphore_mem>>
      %dma_start3A = arith.constant 0 : i32
      %dma_start3A_11 = tpu.memref_slice %arg3[%add3A, %dma_start3A] : memref<32x10000xi32, #tpu.memory_space<hbm>> -> memref<1x10000xi32, #tpu.memory_space<hbm>>
      %dma_start3A_12 = tpu.memref_squeeze %dma_start3A_11 : memref<1x10000xi32, #tpu.memory_space<hbm>> -> memref<10000xi32, #tpu.memory_space<hbm>>
      %dma_start3A_13 = arith.constant 0 : i32
      %dma_start3A_14 = tpu.memref_slice %arg3[%add3A, %dma_start3A_13] : memref<32x10000xi32, #tpu.memory_space<hbm>> -> memref<1x10000xi32, #tpu.memory_space<hbm>>
      %dma_start3A_15 = tpu.memref_squeeze %dma_start3A_14 : memref<1x10000xi32, #tpu.memory_space<hbm>> -> memref<10000xi32, #tpu.memory_space<hbm>>
      tpu.enqueue_dma source(%dma_start3A_15 : memref<10000xi32, #tpu.memory_space<hbm>>) target(%arg12 : memref<10000xi32, #tpu.memory_space<vmem>>) target_semaphore(%run_scoped3A : memref<!tpu.dma_semaphore, #tpu.memory_space<semaphore_mem>>)
      %dma_wait3A = arith.constant 0 : i32
      %dma_wait3A_16 = tpu.memref_slice %arg3[%add3A, %dma_wait3A] : memref<32x10000xi32, #tpu.memory_space<hbm>> -> memref<1x10000xi32, #tpu.memory_space<hbm>>
      %dma_wait3A_17 = tpu.memref_squeeze %dma_wait3A_16 : memref<1x10000xi32, #tpu.memory_space<hbm>> -> memref<10000xi32, #tpu.memory_space<hbm>>
      %dma_wait3A_18 = arith.constant 0 : i32
      %dma_wait3A_19 = tpu.memref_slice %arg3[%add3A, %dma_wait3A_18] : memref<32x10000xi32, #tpu.memory_space<hbm>> -> memref<1x10000xi32, #tpu.memory_space<hbm>>
      %dma_wait3A_20 = tpu.memref_squeeze %dma_wait3A_19 : memref<1x10000xi32, #tpu.memory_space<hbm>> -> memref<10000xi32, #tpu.memory_space<hbm>>
      tpu.wait_dma2 semaphore(%run_scoped3A : memref<!tpu.dma_semaphore, #tpu.memory_space<semaphore_mem>>) src(%dma_wait3A_20 : memref<10000xi32, #tpu.memory_space<hbm>>) dst(%arg12 : memref<10000xi32, #tpu.memory_space<vmem>>)
      tpu.yield
    }) : () -> ()
    "tpu.region"() ({
      %run_scoped3A = tpu.sem_alloc : memref<!tpu.dma_semaphore, #tpu.memory_space<semaphore_mem>>
      %dma_start3A = arith.constant 0 : i32
      %dma_start3A_11 = tpu.memref_slice %arg4[%add3A, %dma_start3A] : memref<32x10000xf32, #tpu.memory_space<hbm>> -> memref<1x10000xf32, #tpu.memory_space<hbm>>
      %dma_start3A_12 = tpu.memref_squeeze %dma_start3A_11 : memref<1x10000xf32, #tpu.memory_space<hbm>> -> memref<10000xf32, #tpu.memory_space<hbm>>
      %dma_start3A_13 = arith.constant 0 : i32
      %dma_start3A_14 = tpu.memref_slice %arg4[%add3A, %dma_start3A_13] : memref<32x10000xf32, #tpu.memory_space<hbm>> -> memref<1x10000xf32, #tpu.memory_space<hbm>>
      %dma_start3A_15 = tpu.memref_squeeze %dma_start3A_14 : memref<1x10000xf32, #tpu.memory_space<hbm>> -> memref<10000xf32, #tpu.memory_space<hbm>>
      tpu.enqueue_dma source(%dma_start3A_15 : memref<10000xf32, #tpu.memory_space<hbm>>) target(%arg13 : memref<10000xf32, #tpu.memory_space<vmem>>) target_semaphore(%run_scoped3A : memref<!tpu.dma_semaphore, #tpu.memory_space<semaphore_mem>>)
      %dma_wait3A = arith.constant 0 : i32
      %dma_wait3A_16 = tpu.memref_slice %arg4[%add3A, %dma_wait3A] : memref<32x10000xf32, #tpu.memory_space<hbm>> -> memref<1x10000xf32, #tpu.memory_space<hbm>>
      %dma_wait3A_17 = tpu.memref_squeeze %dma_wait3A_16 : memref<1x10000xf32, #tpu.memory_space<hbm>> -> memref<10000xf32, #tpu.memory_space<hbm>>
      %dma_wait3A_18 = arith.constant 0 : i32
      %dma_wait3A_19 = tpu.memref_slice %arg4[%add3A, %dma_wait3A_18] : memref<32x10000xf32, #tpu.memory_space<hbm>> -> memref<1x10000xf32, #tpu.memory_space<hbm>>
      %dma_wait3A_20 = tpu.memref_squeeze %dma_wait3A_19 : memref<1x10000xf32, #tpu.memory_space<hbm>> -> memref<10000xf32, #tpu.memory_space<hbm>>
      tpu.wait_dma2 semaphore(%run_scoped3A : memref<!tpu.dma_semaphore, #tpu.memory_space<semaphore_mem>>) src(%dma_wait3A_20 : memref<10000xf32, #tpu.memory_space<hbm>>) dst(%arg13 : memref<10000xf32, #tpu.memory_space<vmem>>)
      tpu.yield
    }) : () -> ()
    %broadcast_in_dim3A = arith.constant 0.000000e+00 : f32
    %broadcast_in_dim3A_1 = vector.broadcast %broadcast_in_dim3A : f32 to vector<16xf32>
    %scan3A = arith.constant 0 : i32
    %scan3A_2 = arith.constant 625 : i32
    %scan3A_3 = arith.addi %scan3A, %scan3A_2 : i32
    %scan3A_4 = arith.constant 1 : i32
    scf.for %scan3A_11 = %scan3A to %scan3A_3 step %scan3A_4  : i32 {
      %mul3A_12 = arith.constant 1 : i32
      %mul3A_13 = arith.muli %scan3A_11, %mul3A_12 : i32
      %add3A_14 = arith.constant 0 : i32
      %add3A_15 = arith.addi %add3A_14, %mul3A_13 : i32
      %mul3A_16 = arith.constant 16 : i32
      %mul3A_17 = arith.muli %add3A_15, %mul3A_16 : i32
      %swap3A = arith.index_cast %mul3A_17 : i32 to index
      %swap3A_18 = tpu.vector_load %arg15[%swap3A] {strides = array<i32>} : memref<10000xf32, #tpu.memory_space<vmem>>, vector<16xf32>,
      tpu.vector_store %arg15[%swap3A], %broadcast_in_dim3A_1 {strides = array<i32>} : memref<10000xf32, #tpu.memory_space<vmem>>, vector<16xf32>,
    }
    %scan3A_5 = arith.constant 625 : i32
    %scan3A_6 = arith.constant 0 : i32
    %scan3A_7 = arith.constant 625 : i32
    %scan3A_8 = arith.addi %scan3A_6, %scan3A_7 : i32
    %scan3A_9 = arith.constant 1 : i32
    scf.for %scan3A_11 = %scan3A_6 to %scan3A_8 step %scan3A_9  : i32 {
      %mul3A_12 = arith.constant 1 : i32
      %mul3A_13 = arith.muli %scan3A_11, %mul3A_12 : i32
      %add3A_14 = arith.constant 0 : i32
      %add3A_15 = arith.addi %add3A_14, %mul3A_13 : i32
      %mul3A_16 = arith.constant 16 : i32
      %mul3A_17 = arith.muli %add3A_15, %mul3A_16 : i32
      %get3A = arith.index_cast %mul3A_17 : i32 to index
      %get3A_18 = tpu.vector_load %arg11[%get3A] {strides = array<i32>} : memref<10000xi32, #tpu.memory_space<vmem>>, vector<16xi32>,
      %gather3A = tpu.vector_load_idx %arg9[%get3A_18] : memref<10000xf32, #tpu.memory_space<vmem>>[vector<16xi32>], vector<16xf32>,
      %get3A_19 = arith.index_cast %mul3A_17 : i32 to index
      %get3A_20 = tpu.vector_load %arg12[%get3A_19] {strides = array<i32>} : memref<10000xi32, #tpu.memory_space<vmem>>, vector<16xi32>,
      %gather3A_21 = tpu.vector_load_idx %arg10[%get3A_20] : memref<10000xf32, #tpu.memory_space<vmem>>[vector<16xi32>], vector<16xf32>,
      %add3A_22 = arith.addf %gather3A, %gather3A_21 : vector<16xf32>
      %get3A_23 = arith.index_cast %mul3A_17 : i32 to index
      %get3A_24 = tpu.vector_load %arg13[%get3A_23] {strides = array<i32>} : memref<10000xf32, #tpu.memory_space<vmem>>, vector<16xf32>,
      %add3A_25 = arith.addf %add3A_22, %get3A_24 : vector<16xf32>
      %gt3A = arith.constant 0.000000e+00 : f32
      %gt3A_26 = vector.broadcast %gt3A : f32 to vector<16xf32>
      %gt3A_27 = arith.cmpf ogt, %add3A_25, %gt3A_26 : vector<16xf32>
      %mul3A_28 = arith.constant 2.000000e-01 : f32
      %mul3A_29 = vector.broadcast %mul3A_28 : f32 to vector<16xf32>
      %mul3A_30 = arith.mulf %mul3A_29, %add3A_25 : vector<16xf32>
      %select_n3A = arith.select %gt3A_27, %add3A_25, %mul3A_30 : vector<16xi1>, vector<16xf32>
      %exp3A = math.exp %select_n3A : vector<16xf32>
      %swap3A = arith.index_cast %mul3A_17 : i32 to index
      %swap3A_31 = tpu.vector_load %arg14[%swap3A] {strides = array<i32>} : memref<10000xf32, #tpu.memory_space<vmem>>, vector<16xf32>,
      tpu.vector_store %arg14[%swap3A], %exp3A {strides = array<i32>} : memref<10000xf32, #tpu.memory_space<vmem>>, vector<16xf32>,
      %get3A_32 = arith.index_cast %mul3A_17 : i32 to index
      %get3A_33 = tpu.vector_load %arg12[%get3A_32] {strides = array<i32>} : memref<10000xi32, #tpu.memory_space<vmem>>, vector<16xi32>,
      tpu.vector_store_idx %arg15[%get3A_33], %exp3A {add = true} : memref<10000xf32, #tpu.memory_space<vmem>>[vector<16xi32>], vector<16xf32>,
    }
    %scan3A_10 = arith.constant 625 : i32
    "tpu.region"() ({
      %run_scoped3A = tpu.sem_alloc : memref<!tpu.dma_semaphore, #tpu.memory_space<semaphore_mem>>
      %dma_start3A = arith.constant 0 : i32
      %dma_start3A_11 = tpu.memref_slice %arg7[%add3A, %dma_start3A] : memref<32x10000xf32, #tpu.memory_space<hbm>> -> memref<1x10000xf32, #tpu.memory_space<hbm>>
      %dma_start3A_12 = tpu.memref_squeeze %dma_start3A_11 : memref<1x10000xf32, #tpu.memory_space<hbm>> -> memref<10000xf32, #tpu.memory_space<hbm>>
      %dma_start3A_13 = arith.constant 0 : i32
      %dma_start3A_14 = tpu.memref_slice %arg7[%add3A, %dma_start3A_13] : memref<32x10000xf32, #tpu.memory_space<hbm>> -> memref<1x10000xf32, #tpu.memory_space<hbm>>
      %dma_start3A_15 = tpu.memref_squeeze %dma_start3A_14 : memref<1x10000xf32, #tpu.memory_space<hbm>> -> memref<10000xf32, #tpu.memory_space<hbm>>
      tpu.enqueue_dma source(%arg14 : memref<10000xf32, #tpu.memory_space<vmem>>) target(%dma_start3A_15 : memref<10000xf32, #tpu.memory_space<hbm>>) target_semaphore(%run_scoped3A : memref<!tpu.dma_semaphore, #tpu.memory_space<semaphore_mem>>)
      %dma_wait3A = arith.constant 0 : i32
      %dma_wait3A_16 = tpu.memref_slice %arg7[%add3A, %dma_wait3A] : memref<32x10000xf32, #tpu.memory_space<hbm>> -> memref<1x10000xf32, #tpu.memory_space<hbm>>
      %dma_wait3A_17 = tpu.memref_squeeze %dma_wait3A_16 : memref<1x10000xf32, #tpu.memory_space<hbm>> -> memref<10000xf32, #tpu.memory_space<hbm>>
      %dma_wait3A_18 = arith.constant 0 : i32
      %dma_wait3A_19 = tpu.memref_slice %arg7[%add3A, %dma_wait3A_18] : memref<32x10000xf32, #tpu.memory_space<hbm>> -> memref<1x10000xf32, #tpu.memory_space<hbm>>
      %dma_wait3A_20 = tpu.memref_squeeze %dma_wait3A_19 : memref<1x10000xf32, #tpu.memory_space<hbm>> -> memref<10000xf32, #tpu.memory_space<hbm>>
      tpu.wait_dma2 semaphore(%run_scoped3A : memref<!tpu.dma_semaphore, #tpu.memory_space<semaphore_mem>>) src(%arg14 : memref<10000xf32, #tpu.memory_space<vmem>>) dst(%dma_wait3A_20 : memref<10000xf32, #tpu.memory_space<hbm>>)
      tpu.yield
    }) : () -> ()
    "tpu.region"() ({
      %run_scoped3A = tpu.sem_alloc : memref<!tpu.dma_semaphore, #tpu.memory_space<semaphore_mem>>
      %dma_start3A = arith.constant 0 : i32
      %dma_start3A_11 = tpu.memref_slice %arg8[%add3A, %dma_start3A] : memref<32x10000xf32, #tpu.memory_space<hbm>> -> memref<1x10000xf32, #tpu.memory_space<hbm>>
      %dma_start3A_12 = tpu.memref_squeeze %dma_start3A_11 : memref<1x10000xf32, #tpu.memory_space<hbm>> -> memref<10000xf32, #tpu.memory_space<hbm>>
      %dma_start3A_13 = arith.constant 0 : i32
      %dma_start3A_14 = tpu.memref_slice %arg8[%add3A, %dma_start3A_13] : memref<32x10000xf32, #tpu.memory_space<hbm>> -> memref<1x10000xf32, #tpu.memory_space<hbm>>
      %dma_start3A_15 = tpu.memref_squeeze %dma_start3A_14 : memref<1x10000xf32, #tpu.memory_space<hbm>> -> memref<10000xf32, #tpu.memory_space<hbm>>
      tpu.enqueue_dma source(%arg15 : memref<10000xf32, #tpu.memory_space<vmem>>) target(%dma_start3A_15 : memref<10000xf32, #tpu.memory_space<hbm>>) target_semaphore(%run_scoped3A : memref<!tpu.dma_semaphore, #tpu.memory_space<semaphore_mem>>)
      %dma_wait3A = arith.constant 0 : i32
      %dma_wait3A_16 = tpu.memref_slice %arg8[%add3A, %dma_wait3A] : memref<32x10000xf32, #tpu.memory_space<hbm>> -> memref<1x10000xf32, #tpu.memory_space<hbm>>
      %dma_wait3A_17 = tpu.memref_squeeze %dma_wait3A_16 : memref<1x10000xf32, #tpu.memory_space<hbm>> -> memref<10000xf32, #tpu.memory_space<hbm>>
      %dma_wait3A_18 = arith.constant 0 : i32
      %dma_wait3A_19 = tpu.memref_slice %arg8[%add3A, %dma_wait3A_18] : memref<32x10000xf32, #tpu.memory_space<hbm>> -> memref<1x10000xf32, #tpu.memory_space<hbm>>
      %dma_wait3A_20 = tpu.memref_squeeze %dma_wait3A_19 : memref<1x10000xf32, #tpu.memory_space<hbm>> -> memref<10000xf32, #tpu.memory_space<hbm>>
      tpu.wait_dma2 semaphore(%run_scoped3A : memref<!tpu.dma_semaphore, #tpu.memory_space<semaphore_mem>>) src(%arg15 : memref<10000xf32, #tpu.memory_space<vmem>>) dst(%dma_wait3A_20 : memref<10000xf32, #tpu.memory_space<hbm>>)
      tpu.yield
    }) : () -> ()
    return
  }
}

#map = affine_map<(d0, d1) -> (0, 0)>
#map1 = affine_map<(d0, d1) -> (0, 0, 0)>
#map2 = affine_map<(d0, d1) -> (0, 0, 0, 0)>
module attributes {stable_mosaic.version = 14 : i64} {
  func.func @_sc_edge_body(%arg0: i32, %arg1: i32, %arg2: memref<10000x128xf32, #tpu.memory_space<hbm>>, %arg3: memref<32x5x2000xi32, #tpu.memory_space<hbm>>, %arg4: memref<32x5x25x80xi32, #tpu.memory_space<hbm>>, %arg5: memref<32x5x2000xf32, #tpu.memory_space<hbm>>, %arg6: memref<2x10000x128xf32, #tpu.memory_space<hbm>>, %arg7: memref<2000xi32, #tpu.memory_space<vmem>>, %arg8: memref<25x80xi32, #tpu.memory_space<vmem>>, %arg9: memref<2016xf32, #tpu.memory_space<vmem>>, %arg10: memref<80x128xf32, #tpu.memory_space<vmem>>, %arg11: memref<80x128xf32, #tpu.memory_space<vmem>>, %arg12: memref<10000x128xf32, #tpu.memory_space<vmem_shared>>, %arg13: memref<!tpu.dma_semaphore, #tpu.memory_space<semaphore_mem>>, %arg14: memref<!tpu.dma_semaphore, #tpu.memory_space<semaphore_mem>>) attributes {dimension_semantics = [#tpu.dimension_semantics<core_parallel>, #tpu.dimension_semantics<subcore_parallel>], iteration_bounds = array<i64: 2, 16>, scalar_prefetch = 0 : i64, scratch_operands = 8 : i64, tpu.core_type = #tpu.core_type<sc_vector_subcore>, window_params = [{transform_indices = #map}, {transform_indices = #map1}, {transform_indices = #map2}, {transform_indices = #map1}, {transform_indices = #map1}]} {
    %mul3A = arith.constant 2 : i32
    %mul3A_0 = arith.muli %arg1, %mul3A : i32
    %add3A = arith.addi %mul3A_0, %arg0 : i32
    %broadcast_in_dim3A = arith.constant 0.000000e+00 : f32
    %broadcast_in_dim3A_1 = vector.broadcast %broadcast_in_dim3A : f32 to vector<16xf32>
    %scan3A = arith.constant 0 : i32
    %scan3A_2 = arith.constant 80 : i32
    %scan3A_3 = arith.addi %scan3A, %scan3A_2 : i32
    %scan3A_4 = arith.constant 1 : i32
    scf.for %scan3A_26 = %scan3A to %scan3A_3 step %scan3A_4  : i32 {
      %mul3A_27 = arith.constant 1 : i32
      %mul3A_28 = arith.muli %scan3A_26, %mul3A_27 : i32
      %add3A_29 = arith.constant 0 : i32
      %add3A_30 = arith.addi %add3A_29, %mul3A_28 : i32
      %swap3A = arith.index_cast %add3A_30 : i32 to index
      %swap3A_31 = arith.constant 0 : index
      %swap3A_32 = tpu.vector_load %arg10[%swap3A, %swap3A_31] {strides = array<i32>} : memref<80x128xf32, #tpu.memory_space<vmem>>, vector<16xf32>,
      tpu.vector_store %arg10[%swap3A, %swap3A_31], %broadcast_in_dim3A_1 {strides = array<i32>} : memref<80x128xf32, #tpu.memory_space<vmem>>, vector<16xf32>,
      %swap3A_33 = arith.index_cast %add3A_30 : i32 to index
      %swap3A_34 = arith.constant 16 : index
      %swap3A_35 = tpu.vector_load %arg10[%swap3A_33, %swap3A_34] {strides = array<i32>} : memref<80x128xf32, #tpu.memory_space<vmem>>, vector<16xf32>,
      tpu.vector_store %arg10[%swap3A_33, %swap3A_34], %broadcast_in_dim3A_1 {strides = array<i32>} : memref<80x128xf32, #tpu.memory_space<vmem>>, vector<16xf32>,
      %swap3A_36 = arith.index_cast %add3A_30 : i32 to index
      %swap3A_37 = arith.constant 32 : index
      %swap3A_38 = tpu.vector_load %arg10[%swap3A_36, %swap3A_37] {strides = array<i32>} : memref<80x128xf32, #tpu.memory_space<vmem>>, vector<16xf32>,
      tpu.vector_store %arg10[%swap3A_36, %swap3A_37], %broadcast_in_dim3A_1 {strides = array<i32>} : memref<80x128xf32, #tpu.memory_space<vmem>>, vector<16xf32>,
      %swap3A_39 = arith.index_cast %add3A_30 : i32 to index
      %swap3A_40 = arith.constant 48 : index
      %swap3A_41 = tpu.vector_load %arg10[%swap3A_39, %swap3A_40] {strides = array<i32>} : memref<80x128xf32, #tpu.memory_space<vmem>>, vector<16xf32>,
      tpu.vector_store %arg10[%swap3A_39, %swap3A_40], %broadcast_in_dim3A_1 {strides = array<i32>} : memref<80x128xf32, #tpu.memory_space<vmem>>, vector<16xf32>,
      %swap3A_42 = arith.index_cast %add3A_30 : i32 to index
      %swap3A_43 = arith.constant 64 : index
      %swap3A_44 = tpu.vector_load %arg10[%swap3A_42, %swap3A_43] {strides = array<i32>} : memref<80x128xf32, #tpu.memory_space<vmem>>, vector<16xf32>,
      tpu.vector_store %arg10[%swap3A_42, %swap3A_43], %broadcast_in_dim3A_1 {strides = array<i32>} : memref<80x128xf32, #tpu.memory_space<vmem>>, vector<16xf32>,
      %swap3A_45 = arith.index_cast %add3A_30 : i32 to index
      %swap3A_46 = arith.constant 80 : index
      %swap3A_47 = tpu.vector_load %arg10[%swap3A_45, %swap3A_46] {strides = array<i32>} : memref<80x128xf32, #tpu.memory_space<vmem>>, vector<16xf32>,
      tpu.vector_store %arg10[%swap3A_45, %swap3A_46], %broadcast_in_dim3A_1 {strides = array<i32>} : memref<80x128xf32, #tpu.memory_space<vmem>>, vector<16xf32>,
      %swap3A_48 = arith.index_cast %add3A_30 : i32 to index
      %swap3A_49 = arith.constant 96 : index
      %swap3A_50 = tpu.vector_load %arg10[%swap3A_48, %swap3A_49] {strides = array<i32>} : memref<80x128xf32, #tpu.memory_space<vmem>>, vector<16xf32>,
      tpu.vector_store %arg10[%swap3A_48, %swap3A_49], %broadcast_in_dim3A_1 {strides = array<i32>} : memref<80x128xf32, #tpu.memory_space<vmem>>, vector<16xf32>,
      %swap3A_51 = arith.index_cast %add3A_30 : i32 to index
      %swap3A_52 = arith.constant 112 : index
      %swap3A_53 = tpu.vector_load %arg10[%swap3A_51, %swap3A_52] {strides = array<i32>} : memref<80x128xf32, #tpu.memory_space<vmem>>, vector<16xf32>,
      tpu.vector_store %arg10[%swap3A_51, %swap3A_52], %broadcast_in_dim3A_1 {strides = array<i32>} : memref<80x128xf32, #tpu.memory_space<vmem>>, vector<16xf32>,
    }
    %scan3A_5 = arith.constant 80 : i32
    %scan3A_6 = arith.constant 0 : i32
    %scan3A_7 = arith.constant 7 : i32
    %scan3A_8 = arith.addi %scan3A_6, %scan3A_7 : i32
    %scan3A_9 = arith.constant 1 : i32
    scf.for %scan3A_26 = %scan3A_6 to %scan3A_8 step %scan3A_9  : i32 {
      %mul3A_27 = arith.constant 1 : i32
      %mul3A_28 = arith.muli %scan3A_26, %mul3A_27 : i32
      %add3A_29 = arith.constant 0 : i32
      %add3A_30 = arith.addi %add3A_29, %mul3A_28 : i32
      %mul3A_31 = arith.constant 625 : i32
      %mul3A_32 = arith.muli %arg1, %mul3A_31 : i32
      %mul3A_33 = arith.constant 80 : i32
      %mul3A_34 = arith.muli %add3A_30, %mul3A_33 : i32
      %add3A_35 = arith.addi %mul3A_32, %mul3A_34 : i32
      "tpu.region"() ({
        %run_scoped3A = tpu.sem_alloc : memref<!tpu.dma_semaphore, #tpu.memory_space<semaphore_mem>>
        %dma_start3A = arith.constant 0 : i32
        %dma_start3A_36 = tpu.memref_slice %arg12[%add3A_35, %dma_start3A] : memref<10000x128xf32, #tpu.memory_space<vmem_shared>> -> memref<80x128xf32, #tpu.memory_space<vmem_shared>>
        %dma_start3A_37 = arith.constant 0 : i32
        %dma_start3A_38 = tpu.memref_slice %arg12[%add3A_35, %dma_start3A_37] : memref<10000x128xf32, #tpu.memory_space<vmem_shared>> -> memref<80x128xf32, #tpu.memory_space<vmem_shared>>
        tpu.enqueue_dma source(%arg10 : memref<80x128xf32, #tpu.memory_space<vmem>>) target(%dma_start3A_38 : memref<80x128xf32, #tpu.memory_space<vmem_shared>>) target_semaphore(%run_scoped3A : memref<!tpu.dma_semaphore, #tpu.memory_space<semaphore_mem>>)
        %dma_wait3A = arith.constant 0 : i32
        %dma_wait3A_39 = tpu.memref_slice %arg12[%add3A_35, %dma_wait3A] : memref<10000x128xf32, #tpu.memory_space<vmem_shared>> -> memref<80x128xf32, #tpu.memory_space<vmem_shared>>
        %dma_wait3A_40 = arith.constant 0 : i32
        %dma_wait3A_41 = tpu.memref_slice %arg12[%add3A_35, %dma_wait3A_40] : memref<10000x128xf32, #tpu.memory_space<vmem_shared>> -> memref<80x128xf32, #tpu.memory_space<vmem_shared>>
        tpu.wait_dma2 semaphore(%run_scoped3A : memref<!tpu.dma_semaphore, #tpu.memory_space<semaphore_mem>>) src(%arg10 : memref<80x128xf32, #tpu.memory_space<vmem>>) dst(%dma_wait3A_41 : memref<80x128xf32, #tpu.memory_space<vmem_shared>>)
        tpu.yield
      }) : () -> ()
    }
    %scan3A_10 = arith.constant 7 : i32
    %mul3A_11 = arith.constant 625 : i32
    %mul3A_12 = arith.muli %arg1, %mul3A_11 : i32
    %add3A_13 = arith.constant 625 : i32
    %add3A_14 = arith.addi %mul3A_12, %add3A_13 : i32
    %sub3A = arith.constant 65 : i32
    %sub3A_15 = arith.subi %add3A_14, %sub3A : i32
    "tpu.region"() ({
      %run_scoped3A = tpu.sem_alloc : memref<!tpu.dma_semaphore, #tpu.memory_space<semaphore_mem>>
      %dma_start3A = arith.constant 0 : i32
      %dma_start3A_26 = arith.constant 0 : i32
      %dma_start3A_27 = tpu.memref_slice %arg10[%dma_start3A, %dma_start3A_26] : memref<80x128xf32, #tpu.memory_space<vmem>> -> memref<65x128xf32, #tpu.memory_space<vmem>>
      %dma_start3A_28 = arith.constant 0 : i32
      %dma_start3A_29 = tpu.memref_slice %arg12[%sub3A_15, %dma_start3A_28] : memref<10000x128xf32, #tpu.memory_space<vmem_shared>> -> memref<65x128xf32, #tpu.memory_space<vmem_shared>>
      %dma_start3A_30 = arith.constant 0 : i32
      %dma_start3A_31 = tpu.memref_slice %arg12[%sub3A_15, %dma_start3A_30] : memref<10000x128xf32, #tpu.memory_space<vmem_shared>> -> memref<65x128xf32, #tpu.memory_space<vmem_shared>>
      %dma_start3A_32 = arith.constant 0 : i32
      %dma_start3A_33 = arith.constant 0 : i32
      %dma_start3A_34 = tpu.memref_slice %arg10[%dma_start3A_32, %dma_start3A_33] : memref<80x128xf32, #tpu.memory_space<vmem>> -> memref<65x128xf32, #tpu.memory_space<vmem>>
      tpu.enqueue_dma source(%dma_start3A_34 : memref<65x128xf32, #tpu.memory_space<vmem>>) target(%dma_start3A_31 : memref<65x128xf32, #tpu.memory_space<vmem_shared>>) target_semaphore(%run_scoped3A : memref<!tpu.dma_semaphore, #tpu.memory_space<semaphore_mem>>)
      %dma_wait3A = arith.constant 0 : i32
      %dma_wait3A_35 = arith.constant 0 : i32
      %dma_wait3A_36 = tpu.memref_slice %arg10[%dma_wait3A, %dma_wait3A_35] : memref<80x128xf32, #tpu.memory_space<vmem>> -> memref<65x128xf32, #tpu.memory_space<vmem>>
      %dma_wait3A_37 = arith.constant 0 : i32
      %dma_wait3A_38 = tpu.memref_slice %arg12[%sub3A_15, %dma_wait3A_37] : memref<10000x128xf32, #tpu.memory_space<vmem_shared>> -> memref<65x128xf32, #tpu.memory_space<vmem_shared>>
      %dma_wait3A_39 = arith.constant 0 : i32
      %dma_wait3A_40 = tpu.memref_slice %arg12[%sub3A_15, %dma_wait3A_39] : memref<10000x128xf32, #tpu.memory_space<vmem_shared>> -> memref<65x128xf32, #tpu.memory_space<vmem_shared>>
      %dma_wait3A_41 = arith.constant 0 : i32
      %dma_wait3A_42 = arith.constant 0 : i32
      %dma_wait3A_43 = tpu.memref_slice %arg10[%dma_wait3A_41, %dma_wait3A_42] : memref<80x128xf32, #tpu.memory_space<vmem>> -> memref<65x128xf32, #tpu.memory_space<vmem>>
      tpu.wait_dma2 semaphore(%run_scoped3A : memref<!tpu.dma_semaphore, #tpu.memory_space<semaphore_mem>>) src(%dma_wait3A_43 : memref<65x128xf32, #tpu.memory_space<vmem>>) dst(%dma_wait3A_40 : memref<65x128xf32, #tpu.memory_space<vmem_shared>>)
      tpu.yield
    }) : () -> ()
    %barrier3A = arith.constant 0 : index
    tpu.barrier barrier_id(%barrier3A)
    %scan3A_16 = arith.constant 0 : i32
    %scan3A_17 = arith.constant 5 : i32
    %scan3A_18 = arith.addi %scan3A_16, %scan3A_17 : i32
    %scan3A_19 = arith.constant 1 : i32
    scf.for %scan3A_26 = %scan3A_16 to %scan3A_18 step %scan3A_19  : i32 {
      %mul3A_27 = arith.constant 1 : i32
      %mul3A_28 = arith.muli %scan3A_26, %mul3A_27 : i32
      %add3A_29 = arith.constant 0 : i32
      %add3A_30 = arith.addi %add3A_29, %mul3A_28 : i32
      "tpu.region"() ({
        %run_scoped3A_49 = tpu.sem_alloc : memref<!tpu.dma_semaphore, #tpu.memory_space<semaphore_mem>>
        %dma_start3A_50 = arith.constant 0 : i32
        %dma_start3A_51 = arith.constant 0 : i32
        %dma_start3A_52 = tpu.memref_slice %arg3[%add3A, %dma_start3A_50, %dma_start3A_51] : memref<32x5x2000xi32, #tpu.memory_space<hbm>> -> memref<1x5x2000xi32, #tpu.memory_space<hbm>>
        %dma_start3A_53 = tpu.memref_squeeze %dma_start3A_52 : memref<1x5x2000xi32, #tpu.memory_space<hbm>> -> memref<5x2000xi32, #tpu.memory_space<hbm>>
        %dma_start3A_54 = arith.constant 0 : i32
        %dma_start3A_55 = tpu.memref_slice %dma_start3A_53[%add3A_30, %dma_start3A_54] : memref<5x2000xi32, #tpu.memory_space<hbm>> -> memref<1x2000xi32, #tpu.memory_space<hbm>>
        %dma_start3A_56 = tpu.memref_squeeze %dma_start3A_55 : memref<1x2000xi32, #tpu.memory_space<hbm>> -> memref<2000xi32, #tpu.memory_space<hbm>>
        %dma_start3A_57 = arith.constant 0 : i32
        %dma_start3A_58 = arith.constant 0 : i32
        %dma_start3A_59 = tpu.memref_slice %arg3[%add3A, %dma_start3A_57, %dma_start3A_58] : memref<32x5x2000xi32, #tpu.memory_space<hbm>> -> memref<1x5x2000xi32, #tpu.memory_space<hbm>>
        %dma_start3A_60 = tpu.memref_squeeze %dma_start3A_59 : memref<1x5x2000xi32, #tpu.memory_space<hbm>> -> memref<5x2000xi32, #tpu.memory_space<hbm>>
        %dma_start3A_61 = arith.constant 0 : i32
        %dma_start3A_62 = tpu.memref_slice %dma_start3A_60[%add3A_30, %dma_start3A_61] : memref<5x2000xi32, #tpu.memory_space<hbm>> -> memref<1x2000xi32, #tpu.memory_space<hbm>>
        %dma_start3A_63 = tpu.memref_squeeze %dma_start3A_62 : memref<1x2000xi32, #tpu.memory_space<hbm>> -> memref<2000xi32, #tpu.memory_space<hbm>>
        tpu.enqueue_dma source(%dma_start3A_63 : memref<2000xi32, #tpu.memory_space<hbm>>) target(%arg7 : memref<2000xi32, #tpu.memory_space<vmem>>) target_semaphore(%run_scoped3A_49 : memref<!tpu.dma_semaphore, #tpu.memory_space<semaphore_mem>>)
        %dma_wait3A_64 = arith.constant 0 : i32
        %dma_wait3A_65 = arith.constant 0 : i32
        %dma_wait3A_66 = tpu.memref_slice %arg3[%add3A, %dma_wait3A_64, %dma_wait3A_65] : memref<32x5x2000xi32, #tpu.memory_space<hbm>> -> memref<1x5x2000xi32, #tpu.memory_space<hbm>>
        %dma_wait3A_67 = tpu.memref_squeeze %dma_wait3A_66 : memref<1x5x2000xi32, #tpu.memory_space<hbm>> -> memref<5x2000xi32, #tpu.memory_space<hbm>>
        %dma_wait3A_68 = arith.constant 0 : i32
        %dma_wait3A_69 = tpu.memref_slice %dma_wait3A_67[%add3A_30, %dma_wait3A_68] : memref<5x2000xi32, #tpu.memory_space<hbm>> -> memref<1x2000xi32, #tpu.memory_space<hbm>>
        %dma_wait3A_70 = tpu.memref_squeeze %dma_wait3A_69 : memref<1x2000xi32, #tpu.memory_space<hbm>> -> memref<2000xi32, #tpu.memory_space<hbm>>
        %dma_wait3A_71 = arith.constant 0 : i32
        %dma_wait3A_72 = arith.constant 0 : i32
        %dma_wait3A_73 = tpu.memref_slice %arg3[%add3A, %dma_wait3A_71, %dma_wait3A_72] : memref<32x5x2000xi32, #tpu.memory_space<hbm>> -> memref<1x5x2000xi32, #tpu.memory_space<hbm>>
        %dma_wait3A_74 = tpu.memref_squeeze %dma_wait3A_73 : memref<1x5x2000xi32, #tpu.memory_space<hbm>> -> memref<5x2000xi32, #tpu.memory_space<hbm>>
        %dma_wait3A_75 = arith.constant 0 : i32
        %dma_wait3A_76 = tpu.memref_slice %dma_wait3A_74[%add3A_30, %dma_wait3A_75] : memref<5x2000xi32, #tpu.memory_space<hbm>> -> memref<1x2000xi32, #tpu.memory_space<hbm>>
        %dma_wait3A_77 = tpu.memref_squeeze %dma_wait3A_76 : memref<1x2000xi32, #tpu.memory_space<hbm>> -> memref<2000xi32, #tpu.memory_space<hbm>>
        tpu.wait_dma2 semaphore(%run_scoped3A_49 : memref<!tpu.dma_semaphore, #tpu.memory_space<semaphore_mem>>) src(%dma_wait3A_77 : memref<2000xi32, #tpu.memory_space<hbm>>) dst(%arg7 : memref<2000xi32, #tpu.memory_space<vmem>>)
        tpu.yield
      }) : () -> ()
      "tpu.region"() ({
        %run_scoped3A_49 = tpu.sem_alloc : memref<!tpu.dma_semaphore, #tpu.memory_space<semaphore_mem>>
        %dma_start3A_50 = arith.constant 0 : i32
        %dma_start3A_51 = arith.constant 0 : i32
        %dma_start3A_52 = arith.constant 0 : i32
        %dma_start3A_53 = tpu.memref_slice %arg4[%add3A, %dma_start3A_50, %dma_start3A_51, %dma_start3A_52] : memref<32x5x25x80xi32, #tpu.memory_space<hbm>> -> memref<1x5x25x80xi32, #tpu.memory_space<hbm>>
        %dma_start3A_54 = tpu.memref_squeeze %dma_start3A_53 : memref<1x5x25x80xi32, #tpu.memory_space<hbm>> -> memref<5x25x80xi32, #tpu.memory_space<hbm>>
        %dma_start3A_55 = arith.constant 0 : i32
        %dma_start3A_56 = arith.constant 0 : i32
        %dma_start3A_57 = tpu.memref_slice %dma_start3A_54[%add3A_30, %dma_start3A_55, %dma_start3A_56] : memref<5x25x80xi32, #tpu.memory_space<hbm>> -> memref<1x25x80xi32, #tpu.memory_space<hbm>>
        %dma_start3A_58 = tpu.memref_squeeze %dma_start3A_57 : memref<1x25x80xi32, #tpu.memory_space<hbm>> -> memref<25x80xi32, #tpu.memory_space<hbm>>
        %dma_start3A_59 = arith.constant 0 : i32
        %dma_start3A_60 = arith.constant 0 : i32
        %dma_start3A_61 = arith.constant 0 : i32
        %dma_start3A_62 = tpu.memref_slice %arg4[%add3A, %dma_start3A_59, %dma_start3A_60, %dma_start3A_61] : memref<32x5x25x80xi32, #tpu.memory_space<hbm>> -> memref<1x5x25x80xi32, #tpu.memory_space<hbm>>
        %dma_start3A_63 = tpu.memref_squeeze %dma_start3A_62 : memref<1x5x25x80xi32, #tpu.memory_space<hbm>> -> memref<5x25x80xi32, #tpu.memory_space<hbm>>
        %dma_start3A_64 = arith.constant 0 : i32
        %dma_start3A_65 = arith.constant 0 : i32
        %dma_start3A_66 = tpu.memref_slice %dma_start3A_63[%add3A_30, %dma_start3A_64, %dma_start3A_65] : memref<5x25x80xi32, #tpu.memory_space<hbm>> -> memref<1x25x80xi32, #tpu.memory_space<hbm>>
        %dma_start3A_67 = tpu.memref_squeeze %dma_start3A_66 : memref<1x25x80xi32, #tpu.memory_space<hbm>> -> memref<25x80xi32, #tpu.memory_space<hbm>>
        tpu.enqueue_dma source(%dma_start3A_67 : memref<25x80xi32, #tpu.memory_space<hbm>>) target(%arg8 : memref<25x80xi32, #tpu.memory_space<vmem>>) target_semaphore(%run_scoped3A_49 : memref<!tpu.dma_semaphore, #tpu.memory_space<semaphore_mem>>)
        %dma_wait3A_68 = arith.constant 0 : i32
        %dma_wait3A_69 = arith.constant 0 : i32
        %dma_wait3A_70 = arith.constant 0 : i32
        %dma_wait3A_71 = tpu.memref_slice %arg4[%add3A, %dma_wait3A_68, %dma_wait3A_69, %dma_wait3A_70] : memref<32x5x25x80xi32, #tpu.memory_space<hbm>> -> memref<1x5x25x80xi32, #tpu.memory_space<hbm>>
        %dma_wait3A_72 = tpu.memref_squeeze %dma_wait3A_71 : memref<1x5x25x80xi32, #tpu.memory_space<hbm>> -> memref<5x25x80xi32, #tpu.memory_space<hbm>>
        %dma_wait3A_73 = arith.constant 0 : i32
        %dma_wait3A_74 = arith.constant 0 : i32
        %dma_wait3A_75 = tpu.memref_slice %dma_wait3A_72[%add3A_30, %dma_wait3A_73, %dma_wait3A_74] : memref<5x25x80xi32, #tpu.memory_space<hbm>> -> memref<1x25x80xi32, #tpu.memory_space<hbm>>
        %dma_wait3A_76 = tpu.memref_squeeze %dma_wait3A_75 : memref<1x25x80xi32, #tpu.memory_space<hbm>> -> memref<25x80xi32, #tpu.memory_space<hbm>>
        %dma_wait3A_77 = arith.constant 0 : i32
        %dma_wait3A_78 = arith.constant 0 : i32
        %dma_wait3A_79 = arith.constant 0 : i32
        %dma_wait3A_80 = tpu.memref_slice %arg4[%add3A, %dma_wait3A_77, %dma_wait3A_78, %dma_wait3A_79] : memref<32x5x25x80xi32, #tpu.memory_space<hbm>> -> memref<1x5x25x80xi32, #tpu.memory_space<hbm>>
        %dma_wait3A_81 = tpu.memref_squeeze %dma_wait3A_80 : memref<1x5x25x80xi32, #tpu.memory_space<hbm>> -> memref<5x25x80xi32, #tpu.memory_space<hbm>>
        %dma_wait3A_82 = arith.constant 0 : i32
        %dma_wait3A_83 = arith.constant 0 : i32
        %dma_wait3A_84 = tpu.memref_slice %dma_wait3A_81[%add3A_30, %dma_wait3A_82, %dma_wait3A_83] : memref<5x25x80xi32, #tpu.memory_space<hbm>> -> memref<1x25x80xi32, #tpu.memory_space<hbm>>
        %dma_wait3A_85 = tpu.memref_squeeze %dma_wait3A_84 : memref<1x25x80xi32, #tpu.memory_space<hbm>> -> memref<25x80xi32, #tpu.memory_space<hbm>>
        tpu.wait_dma2 semaphore(%run_scoped3A_49 : memref<!tpu.dma_semaphore, #tpu.memory_space<semaphore_mem>>) src(%dma_wait3A_85 : memref<25x80xi32, #tpu.memory_space<hbm>>) dst(%arg8 : memref<25x80xi32, #tpu.memory_space<vmem>>)
        tpu.yield
      }) : () -> ()
      "tpu.region"() ({
        %run_scoped3A_49 = tpu.sem_alloc : memref<!tpu.dma_semaphore, #tpu.memory_space<semaphore_mem>>
        %dma_start3A_50 = arith.constant 0 : i32
        %dma_start3A_51 = tpu.memref_slice %arg9[%dma_start3A_50] : memref<2016xf32, #tpu.memory_space<vmem>> -> memref<2000xf32, #tpu.memory_space<vmem>>
        %dma_start3A_52 = arith.constant 0 : i32
        %dma_start3A_53 = arith.constant 0 : i32
        %dma_start3A_54 = tpu.memref_slice %arg5[%add3A, %dma_start3A_52, %dma_start3A_53] : memref<32x5x2000xf32, #tpu.memory_space<hbm>> -> memref<1x5x2000xf32, #tpu.memory_space<hbm>>
        %dma_start3A_55 = tpu.memref_squeeze %dma_start3A_54 : memref<1x5x2000xf32, #tpu.memory_space<hbm>> -> memref<5x2000xf32, #tpu.memory_space<hbm>>
        %dma_start3A_56 = arith.constant 0 : i32
        %dma_start3A_57 = tpu.memref_slice %dma_start3A_55[%add3A_30, %dma_start3A_56] : memref<5x2000xf32, #tpu.memory_space<hbm>> -> memref<1x2000xf32, #tpu.memory_space<hbm>>
        %dma_start3A_58 = tpu.memref_squeeze %dma_start3A_57 : memref<1x2000xf32, #tpu.memory_space<hbm>> -> memref<2000xf32, #tpu.memory_space<hbm>>
        %dma_start3A_59 = arith.constant 0 : i32
        %dma_start3A_60 = tpu.memref_slice %arg9[%dma_start3A_59] : memref<2016xf32, #tpu.memory_space<vmem>> -> memref<2000xf32, #tpu.memory_space<vmem>>
        %dma_start3A_61 = arith.constant 0 : i32
        %dma_start3A_62 = arith.constant 0 : i32
        %dma_start3A_63 = tpu.memref_slice %arg5[%add3A, %dma_start3A_61, %dma_start3A_62] : memref<32x5x2000xf32, #tpu.memory_space<hbm>> -> memref<1x5x2000xf32, #tpu.memory_space<hbm>>
        %dma_start3A_64 = tpu.memref_squeeze %dma_start3A_63 : memref<1x5x2000xf32, #tpu.memory_space<hbm>> -> memref<5x2000xf32, #tpu.memory_space<hbm>>
        %dma_start3A_65 = arith.constant 0 : i32
        %dma_start3A_66 = tpu.memref_slice %dma_start3A_64[%add3A_30, %dma_start3A_65] : memref<5x2000xf32, #tpu.memory_space<hbm>> -> memref<1x2000xf32, #tpu.memory_space<hbm>>
        %dma_start3A_67 = tpu.memref_squeeze %dma_start3A_66 : memref<1x2000xf32, #tpu.memory_space<hbm>> -> memref<2000xf32, #tpu.memory_space<hbm>>
        tpu.enqueue_dma source(%dma_start3A_67 : memref<2000xf32, #tpu.memory_space<hbm>>) target(%dma_start3A_60 : memref<2000xf32, #tpu.memory_space<vmem>>) target_semaphore(%run_scoped3A_49 : memref<!tpu.dma_semaphore, #tpu.memory_space<semaphore_mem>>)
        %dma_wait3A_68 = arith.constant 0 : i32
        %dma_wait3A_69 = tpu.memref_slice %arg9[%dma_wait3A_68] : memref<2016xf32, #tpu.memory_space<vmem>> -> memref<2000xf32, #tpu.memory_space<vmem>>
        %dma_wait3A_70 = arith.constant 0 : i32
        %dma_wait3A_71 = arith.constant 0 : i32
        %dma_wait3A_72 = tpu.memref_slice %arg5[%add3A, %dma_wait3A_70, %dma_wait3A_71] : memref<32x5x2000xf32, #tpu.memory_space<hbm>> -> memref<1x5x2000xf32, #tpu.memory_space<hbm>>
        %dma_wait3A_73 = tpu.memref_squeeze %dma_wait3A_72 : memref<1x5x2000xf32, #tpu.memory_space<hbm>> -> memref<5x2000xf32, #tpu.memory_space<hbm>>
        %dma_wait3A_74 = arith.constant 0 : i32
        %dma_wait3A_75 = tpu.memref_slice %dma_wait3A_73[%add3A_30, %dma_wait3A_74] : memref<5x2000xf32, #tpu.memory_space<hbm>> -> memref<1x2000xf32, #tpu.memory_space<hbm>>
        %dma_wait3A_76 = tpu.memref_squeeze %dma_wait3A_75 : memref<1x2000xf32, #tpu.memory_space<hbm>> -> memref<2000xf32, #tpu.memory_space<hbm>>
        %dma_wait3A_77 = arith.constant 0 : i32
        %dma_wait3A_78 = tpu.memref_slice %arg9[%dma_wait3A_77] : memref<2016xf32, #tpu.memory_space<vmem>> -> memref<2000xf32, #tpu.memory_space<vmem>>
        %dma_wait3A_79 = arith.constant 0 : i32
        %dma_wait3A_80 = arith.constant 0 : i32
        %dma_wait3A_81 = tpu.memref_slice %arg5[%add3A, %dma_wait3A_79, %dma_wait3A_80] : memref<32x5x2000xf32, #tpu.memory_space<hbm>> -> memref<1x5x2000xf32, #tpu.memory_space<hbm>>
        %dma_wait3A_82 = tpu.memref_squeeze %dma_wait3A_81 : memref<1x5x2000xf32, #tpu.memory_space<hbm>> -> memref<5x2000xf32, #tpu.memory_space<hbm>>
        %dma_wait3A_83 = arith.constant 0 : i32
        %dma_wait3A_84 = tpu.memref_slice %dma_wait3A_82[%add3A_30, %dma_wait3A_83] : memref<5x2000xf32, #tpu.memory_space<hbm>> -> memref<1x2000xf32, #tpu.memory_space<hbm>>
        %dma_wait3A_85 = tpu.memref_squeeze %dma_wait3A_84 : memref<1x2000xf32, #tpu.memory_space<hbm>> -> memref<2000xf32, #tpu.memory_space<hbm>>
        tpu.wait_dma2 semaphore(%run_scoped3A_49 : memref<!tpu.dma_semaphore, #tpu.memory_space<semaphore_mem>>) src(%dma_wait3A_85 : memref<2000xf32, #tpu.memory_space<hbm>>) dst(%dma_wait3A_78 : memref<2000xf32, #tpu.memory_space<vmem>>)
        tpu.yield
      }) : () -> ()
      %dma_start3A = arith.constant 0 : i32
      %dma_start3A_31 = tpu.memref_slice %arg7[%dma_start3A] : memref<2000xi32, #tpu.memory_space<vmem>> -> memref<80xi32, #tpu.memory_space<vmem>>
      %dma_start3A_32 = arith.constant 0 : i32
      %dma_start3A_33 = arith.constant 0 : i32
      %dma_start3A_34 = tpu.memref_slice %arg2[%dma_start3A_32, %dma_start3A_33] : memref<10000x128xf32, #tpu.memory_space<hbm>> -> memref<10000x128xf32, #tpu.memory_space<hbm>>
      tpu.enqueue_indirect_dma source(%dma_start3A_34 : memref<10000x128xf32, #tpu.memory_space<hbm>>) target(%arg10 : memref<80x128xf32, #tpu.memory_space<vmem>>) offsets(%dma_start3A_31 : memref<80xi32, #tpu.memory_space<vmem>>) semaphore(%arg13 : memref<!tpu.dma_semaphore, #tpu.memory_space<semaphore_mem>>)
      %scan3A_35 = arith.constant 0 : i32
      %scan3A_36 = arith.constant 12 : i32
      %scan3A_37 = arith.addi %scan3A_35, %scan3A_36 : i32
      %scan3A_38 = arith.constant 1 : i32
      scf.for %scan3A_49 = %scan3A_35 to %scan3A_37 step %scan3A_38  : i32 {
        %mul3A_50 = arith.constant 1 : i32
        %mul3A_51 = arith.muli %scan3A_49, %mul3A_50 : i32
        %add3A_52 = arith.constant 0 : i32
        %add3A_53 = arith.addi %add3A_52, %mul3A_51 : i32
        %mul3A_54 = arith.constant 2 : i32
        %mul3A_55 = arith.muli %mul3A_54, %add3A_53 : i32
        %add3A_56 = arith.constant 1 : i32
        %add3A_57 = arith.addi %mul3A_55, %add3A_56 : i32
        %mul3A_58 = arith.constant 80 : i32
        %mul3A_59 = arith.muli %add3A_57, %mul3A_58 : i32
        %dma_start3A_60 = tpu.memref_slice %arg7[%mul3A_59] : memref<2000xi32, #tpu.memory_space<vmem>> -> memref<80xi32, #tpu.memory_space<vmem>>
        %dma_start3A_61 = arith.constant 0 : i32
        %dma_start3A_62 = arith.constant 0 : i32
        %dma_start3A_63 = tpu.memref_slice %arg2[%dma_start3A_61, %dma_start3A_62] : memref<10000x128xf32, #tpu.memory_space<hbm>> -> memref<10000x128xf32, #tpu.memory_space<hbm>>
        tpu.enqueue_indirect_dma source(%dma_start3A_63 : memref<10000x128xf32, #tpu.memory_space<hbm>>) target(%arg11 : memref<80x128xf32, #tpu.memory_space<vmem>>) offsets(%dma_start3A_60 : memref<80xi32, #tpu.memory_space<vmem>>) semaphore(%arg14 : memref<!tpu.dma_semaphore, #tpu.memory_space<semaphore_mem>>)
        %mul3A_64 = arith.constant 80 : i32
        %mul3A_65 = arith.muli %mul3A_55, %mul3A_64 : i32
        %dma_wait3A_66 = tpu.memref_slice %arg7[%mul3A_65] : memref<2000xi32, #tpu.memory_space<vmem>> -> memref<80xi32, #tpu.memory_space<vmem>>
        %dma_wait3A_67 = arith.constant 0 : i32
        %dma_wait3A_68 = arith.constant 0 : i32
        %dma_wait3A_69 = tpu.memref_slice %arg2[%dma_wait3A_67, %dma_wait3A_68] : memref<10000x128xf32, #tpu.memory_space<hbm>> -> memref<10000x128xf32, #tpu.memory_space<hbm>>
        tpu.wait_indirect_dma semaphore(%arg13 : memref<!tpu.dma_semaphore, #tpu.memory_space<semaphore_mem>>) src(%dma_wait3A_69 : memref<10000x128xf32, #tpu.memory_space<hbm>>) dst(%arg10 : memref<80x128xf32, #tpu.memory_space<vmem>>)
        %mul3A_70 = arith.constant 80 : i32
        %mul3A_71 = arith.muli %mul3A_55, %mul3A_70 : i32
        %scan3A_72 = arith.constant 0 : i32
        %scan3A_73 = arith.constant 80 : i32
        %scan3A_74 = arith.addi %scan3A_72, %scan3A_73 : i32
        %scan3A_75 = arith.constant 1 : i32
        scf.for %scan3A_102 = %scan3A_72 to %scan3A_74 step %scan3A_75  : i32 {
          %mul3A_103 = arith.constant 1 : i32
          %mul3A_104 = arith.muli %scan3A_102, %mul3A_103 : i32
          %add3A_105 = arith.constant 0 : i32
          %add3A_106 = arith.addi %add3A_105, %mul3A_104 : i32
          %add3A_107 = arith.addi %mul3A_71, %add3A_106 : i32
          %get3A = arith.index_cast %add3A_107 : i32 to index
          %get3A_108 = tpu.vector_load %arg9[%get3A] {strides = array<i32>} : memref<2016xf32, #tpu.memory_space<vmem>>, vector<16xf32>,
          %slice3A = vector.extract_strided_slice %get3A_108 {offsets = [0], sizes = [1], strides = [1]} : vector<16xf32> to vector<1xf32>
          %squeeze3A = vector.extract %slice3A[0] : f32 from vector<1xf32>
          %get3A_109 = arith.index_cast %add3A_106 : i32 to index
          %get3A_110 = arith.constant 0 : index
          %get3A_111 = tpu.vector_load %arg10[%get3A_109, %get3A_110] {strides = array<i32>} : memref<80x128xf32, #tpu.memory_space<vmem>>, vector<16xf32>,
          %mul3A_112 = vector.broadcast %squeeze3A : f32 to vector<16xf32>
          %mul3A_113 = arith.mulf %get3A_111, %mul3A_112 : vector<16xf32>
          %swap3A = arith.index_cast %add3A_106 : i32 to index
          %swap3A_114 = arith.constant 0 : index
          %swap3A_115 = tpu.vector_load %arg10[%swap3A, %swap3A_114] {strides = array<i32>} : memref<80x128xf32, #tpu.memory_space<vmem>>, vector<16xf32>,
          tpu.vector_store %arg10[%swap3A, %swap3A_114], %mul3A_113 {strides = array<i32>} : memref<80x128xf32, #tpu.memory_space<vmem>>, vector<16xf32>,
          %get3A_116 = arith.index_cast %add3A_106 : i32 to index
          %get3A_117 = arith.constant 16 : index
          %get3A_118 = tpu.vector_load %arg10[%get3A_116, %get3A_117] {strides = array<i32>} : memref<80x128xf32, #tpu.memory_space<vmem>>, vector<16xf32>,
          %mul3A_119 = vector.broadcast %squeeze3A : f32 to vector<16xf32>
          %mul3A_120 = arith.mulf %get3A_118, %mul3A_119 : vector<16xf32>
          %swap3A_121 = arith.index_cast %add3A_106 : i32 to index
          %swap3A_122 = arith.constant 16 : index
          %swap3A_123 = tpu.vector_load %arg10[%swap3A_121, %swap3A_122] {strides = array<i32>} : memref<80x128xf32, #tpu.memory_space<vmem>>, vector<16xf32>,
          tpu.vector_store %arg10[%swap3A_121, %swap3A_122], %mul3A_120 {strides = array<i32>} : memref<80x128xf32, #tpu.memory_space<vmem>>, vector<16xf32>,
          %get3A_124 = arith.index_cast %add3A_106 : i32 to index
          %get3A_125 = arith.constant 32 : index
          %get3A_126 = tpu.vector_load %arg10[%get3A_124, %get3A_125] {strides = array<i32>} : memref<80x128xf32, #tpu.memory_space<vmem>>, vector<16xf32>,
          %mul3A_127 = vector.broadcast %squeeze3A : f32 to vector<16xf32>
          %mul3A_128 = arith.mulf %get3A_126, %mul3A_127 : vector<16xf32>
          %swap3A_129 = arith.index_cast %add3A_106 : i32 to index
          %swap3A_130 = arith.constant 32 : index
          %swap3A_131 = tpu.vector_load %arg10[%swap3A_129, %swap3A_130] {strides = array<i32>} : memref<80x128xf32, #tpu.memory_space<vmem>>, vector<16xf32>,
          tpu.vector_store %arg10[%swap3A_129, %swap3A_130], %mul3A_128 {strides = array<i32>} : memref<80x128xf32, #tpu.memory_space<vmem>>, vector<16xf32>,
          %get3A_132 = arith.index_cast %add3A_106 : i32 to index
          %get3A_133 = arith.constant 48 : index
          %get3A_134 = tpu.vector_load %arg10[%get3A_132, %get3A_133] {strides = array<i32>} : memref<80x128xf32, #tpu.memory_space<vmem>>, vector<16xf32>,
          %mul3A_135 = vector.broadcast %squeeze3A : f32 to vector<16xf32>
          %mul3A_136 = arith.mulf %get3A_134, %mul3A_135 : vector<16xf32>
          %swap3A_137 = arith.index_cast %add3A_106 : i32 to index
          %swap3A_138 = arith.constant 48 : index
          %swap3A_139 = tpu.vector_load %arg10[%swap3A_137, %swap3A_138] {strides = array<i32>} : memref<80x128xf32, #tpu.memory_space<vmem>>, vector<16xf32>,
          tpu.vector_store %arg10[%swap3A_137, %swap3A_138], %mul3A_136 {strides = array<i32>} : memref<80x128xf32, #tpu.memory_space<vmem>>, vector<16xf32>,
          %get3A_140 = arith.index_cast %add3A_106 : i32 to index
          %get3A_141 = arith.constant 64 : index
          %get3A_142 = tpu.vector_load %arg10[%get3A_140, %get3A_141] {strides = array<i32>} : memref<80x128xf32, #tpu.memory_space<vmem>>, vector<16xf32>,
          %mul3A_143 = vector.broadcast %squeeze3A : f32 to vector<16xf32>
          %mul3A_144 = arith.mulf %get3A_142, %mul3A_143 : vector<16xf32>
          %swap3A_145 = arith.index_cast %add3A_106 : i32 to index
          %swap3A_146 = arith.constant 64 : index
          %swap3A_147 = tpu.vector_load %arg10[%swap3A_145, %swap3A_146] {strides = array<i32>} : memref<80x128xf32, #tpu.memory_space<vmem>>, vector<16xf32>,
          tpu.vector_store %arg10[%swap3A_145, %swap3A_146], %mul3A_144 {strides = array<i32>} : memref<80x128xf32, #tpu.memory_space<vmem>>, vector<16xf32>,
          %get3A_148 = arith.index_cast %add3A_106 : i32 to index
          %get3A_149 = arith.constant 80 : index
          %get3A_150 = tpu.vector_load %arg10[%get3A_148, %get3A_149] {strides = array<i32>} : memref<80x128xf32, #tpu.memory_space<vmem>>, vector<16xf32>,
          %mul3A_151 = vector.broadcast %squeeze3A : f32 to vector<16xf32>
          %mul3A_152 = arith.mulf %get3A_150, %mul3A_151 : vector<16xf32>
          %swap3A_153 = arith.index_cast %add3A_106 : i32 to index
          %swap3A_154 = arith.constant 80 : index
          %swap3A_155 = tpu.vector_load %arg10[%swap3A_153, %swap3A_154] {strides = array<i32>} : memref<80x128xf32, #tpu.memory_space<vmem>>, vector<16xf32>,
          tpu.vector_store %arg10[%swap3A_153, %swap3A_154], %mul3A_152 {strides = array<i32>} : memref<80x128xf32, #tpu.memory_space<vmem>>, vector<16xf32>,
          %get3A_156 = arith.index_cast %add3A_106 : i32 to index
          %get3A_157 = arith.constant 96 : index
          %get3A_158 = tpu.vector_load %arg10[%get3A_156, %get3A_157] {strides = array<i32>} : memref<80x128xf32, #tpu.memory_space<vmem>>, vector<16xf32>,
          %mul3A_159 = vector.broadcast %squeeze3A : f32 to vector<16xf32>
          %mul3A_160 = arith.mulf %get3A_158, %mul3A_159 : vector<16xf32>
          %swap3A_161 = arith.index_cast %add3A_106 : i32 to index
          %swap3A_162 = arith.constant 96 : index
          %swap3A_163 = tpu.vector_load %arg10[%swap3A_161, %swap3A_162] {strides = array<i32>} : memref<80x128xf32, #tpu.memory_space<vmem>>, vector<16xf32>,
          tpu.vector_store %arg10[%swap3A_161, %swap3A_162], %mul3A_160 {strides = array<i32>} : memref<80x128xf32, #tpu.memory_space<vmem>>, vector<16xf32>,
          %get3A_164 = arith.index_cast %add3A_106 : i32 to index
          %get3A_165 = arith.constant 112 : index
          %get3A_166 = tpu.vector_load %arg10[%get3A_164, %get3A_165] {strides = array<i32>} : memref<80x128xf32, #tpu.memory_space<vmem>>, vector<16xf32>,
          %mul3A_167 = vector.broadcast %squeeze3A : f32 to vector<16xf32>
          %mul3A_168 = arith.mulf %get3A_166, %mul3A_167 : vector<16xf32>
          %swap3A_169 = arith.index_cast %add3A_106 : i32 to index
          %swap3A_170 = arith.constant 112 : index
          %swap3A_171 = tpu.vector_load %arg10[%swap3A_169, %swap3A_170] {strides = array<i32>} : memref<80x128xf32, #tpu.memory_space<vmem>>, vector<16xf32>,
          tpu.vector_store %arg10[%swap3A_169, %swap3A_170], %mul3A_168 {strides = array<i32>} : memref<80x128xf32, #tpu.memory_space<vmem>>, vector<16xf32>,
        }
        %scan3A_76 = arith.constant 80 : i32
        "tpu.region"() ({
          %run_scoped3A_102 = tpu.sem_alloc : memref<!tpu.dma_semaphore, #tpu.memory_space<semaphore_mem>>
          %dma_start3A_103 = arith.constant 0 : i32
          %dma_start3A_104 = tpu.memref_slice %arg8[%mul3A_55, %dma_start3A_103] : memref<25x80xi32, #tpu.memory_space<vmem>> -> memref<1x80xi32, #tpu.memory_space<vmem>>
          %dma_start3A_105 = tpu.memref_squeeze %dma_start3A_104 : memref<1x80xi32, #tpu.memory_space<vmem>> -> memref<80xi32, #tpu.memory_space<vmem>>
          %dma_start3A_106 = arith.constant 0 : i32
          %dma_start3A_107 = arith.constant 0 : i32
          %dma_start3A_108 = tpu.memref_slice %arg12[%dma_start3A_106, %dma_start3A_107] : memref<10000x128xf32, #tpu.memory_space<vmem_shared>> -> memref<10000x128xf32, #tpu.memory_space<vmem_shared>>
          tpu.enqueue_indirect_dma source(%arg10 : memref<80x128xf32, #tpu.memory_space<vmem>>) target(%dma_start3A_108 : memref<10000x128xf32, #tpu.memory_space<vmem_shared>>) offsets(%dma_start3A_105 : memref<80xi32, #tpu.memory_space<vmem>>) semaphore(%run_scoped3A_102 : memref<!tpu.dma_semaphore, #tpu.memory_space<semaphore_mem>>) {add = true}
          %dma_wait3A_109 = arith.constant 0 : i32
          %dma_wait3A_110 = tpu.memref_slice %arg8[%mul3A_55, %dma_wait3A_109] : memref<25x80xi32, #tpu.memory_space<vmem>> -> memref<1x80xi32, #tpu.memory_space<vmem>>
          %dma_wait3A_111 = tpu.memref_squeeze %dma_wait3A_110 : memref<1x80xi32, #tpu.memory_space<vmem>> -> memref<80xi32, #tpu.memory_space<vmem>>
          %dma_wait3A_112 = arith.constant 0 : i32
          %dma_wait3A_113 = arith.constant 0 : i32
          %dma_wait3A_114 = tpu.memref_slice %arg12[%dma_wait3A_112, %dma_wait3A_113] : memref<10000x128xf32, #tpu.memory_space<vmem_shared>> -> memref<10000x128xf32, #tpu.memory_space<vmem_shared>>
          tpu.wait_indirect_dma semaphore(%run_scoped3A_102 : memref<!tpu.dma_semaphore, #tpu.memory_space<semaphore_mem>>) src(%arg10 : memref<80x128xf32, #tpu.memory_space<vmem>>) dst(%dma_wait3A_114 : memref<10000x128xf32, #tpu.memory_space<vmem_shared>>)
          tpu.yield
        }) : () -> ()
        %add3A_77 = arith.constant 2 : i32
        %add3A_78 = arith.addi %mul3A_55, %add3A_77 : i32
        %mul3A_79 = arith.constant 80 : i32
        %mul3A_80 = arith.muli %add3A_78, %mul3A_79 : i32
        %dma_start3A_81 = tpu.memref_slice %arg7[%mul3A_80] : memref<2000xi32, #tpu.memory_space<vmem>> -> memref<80xi32, #tpu.memory_space<vmem>>
        %dma_start3A_82 = arith.constant 0 : i32
        %dma_start3A_83 = arith.constant 0 : i32
        %dma_start3A_84 = tpu.memref_slice %arg2[%dma_start3A_82, %dma_start3A_83] : memref<10000x128xf32, #tpu.memory_space<hbm>> -> memref<10000x128xf32, #tpu.memory_space<hbm>>
        tpu.enqueue_indirect_dma source(%dma_start3A_84 : memref<10000x128xf32, #tpu.memory_space<hbm>>) target(%arg10 : memref<80x128xf32, #tpu.memory_space<vmem>>) offsets(%dma_start3A_81 : memref<80xi32, #tpu.memory_space<vmem>>) semaphore(%arg13 : memref<!tpu.dma_semaphore, #tpu.memory_space<semaphore_mem>>)
        %add3A_85 = arith.constant 1 : i32
        %add3A_86 = arith.addi %mul3A_55, %add3A_85 : i32
        %mul3A_87 = arith.constant 80 : i32
        %mul3A_88 = arith.muli %add3A_86, %mul3A_87 : i32
        %dma_wait3A_89 = tpu.memref_slice %arg7[%mul3A_88] : memref<2000xi32, #tpu.memory_space<vmem>> -> memref<80xi32, #tpu.memory_space<vmem>>
        %dma_wait3A_90 = arith.constant 0 : i32
        %dma_wait3A_91 = arith.constant 0 : i32
        %dma_wait3A_92 = tpu.memref_slice %arg2[%dma_wait3A_90, %dma_wait3A_91] : memref<10000x128xf32, #tpu.memory_space<hbm>> -> memref<10000x128xf32, #tpu.memory_space<hbm>>
        tpu.wait_indirect_dma semaphore(%arg14 : memref<!tpu.dma_semaphore, #tpu.memory_space<semaphore_mem>>) src(%dma_wait3A_92 : memref<10000x128xf32, #tpu.memory_space<hbm>>) dst(%arg11 : memref<80x128xf32, #tpu.memory_space<vmem>>)
        %add3A_93 = arith.constant 1 : i32
        %add3A_94 = arith.addi %mul3A_55, %add3A_93 : i32
        %mul3A_95 = arith.constant 80 : i32
        %mul3A_96 = arith.muli %add3A_94, %mul3A_95 : i32
        %scan3A_97 = arith.constant 0 : i32
        %scan3A_98 = arith.constant 80 : i32
        %scan3A_99 = arith.addi %scan3A_97, %scan3A_98 : i32
        %scan3A_100 = arith.constant 1 : i32
        scf.for %scan3A_102 = %scan3A_97 to %scan3A_99 step %scan3A_100  : i32 {
          %mul3A_103 = arith.constant 1 : i32
          %mul3A_104 = arith.muli %scan3A_102, %mul3A_103 : i32
          %add3A_105 = arith.constant 0 : i32
          %add3A_106 = arith.addi %add3A_105, %mul3A_104 : i32
          %add3A_107 = arith.addi %mul3A_96, %add3A_106 : i32
          %get3A = arith.index_cast %add3A_107 : i32 to index
          %get3A_108 = tpu.vector_load %arg9[%get3A] {strides = array<i32>} : memref<2016xf32, #tpu.memory_space<vmem>>, vector<16xf32>,
          %slice3A = vector.extract_strided_slice %get3A_108 {offsets = [0], sizes = [1], strides = [1]} : vector<16xf32> to vector<1xf32>
          %squeeze3A = vector.extract %slice3A[0] : f32 from vector<1xf32>
          %get3A_109 = arith.index_cast %add3A_106 : i32 to index
          %get3A_110 = arith.constant 0 : index
          %get3A_111 = tpu.vector_load %arg11[%get3A_109, %get3A_110] {strides = array<i32>} : memref<80x128xf32, #tpu.memory_space<vmem>>, vector<16xf32>,
          %mul3A_112 = vector.broadcast %squeeze3A : f32 to vector<16xf32>
          %mul3A_113 = arith.mulf %get3A_111, %mul3A_112 : vector<16xf32>
          %swap3A = arith.index_cast %add3A_106 : i32 to index
          %swap3A_114 = arith.constant 0 : index
          %swap3A_115 = tpu.vector_load %arg11[%swap3A, %swap3A_114] {strides = array<i32>} : memref<80x128xf32, #tpu.memory_space<vmem>>, vector<16xf32>,
          tpu.vector_store %arg11[%swap3A, %swap3A_114], %mul3A_113 {strides = array<i32>} : memref<80x128xf32, #tpu.memory_space<vmem>>, vector<16xf32>,
          %get3A_116 = arith.index_cast %add3A_106 : i32 to index
          %get3A_117 = arith.constant 16 : index
          %get3A_118 = tpu.vector_load %arg11[%get3A_116, %get3A_117] {strides = array<i32>} : memref<80x128xf32, #tpu.memory_space<vmem>>, vector<16xf32>,
          %mul3A_119 = vector.broadcast %squeeze3A : f32 to vector<16xf32>
          %mul3A_120 = arith.mulf %get3A_118, %mul3A_119 : vector<16xf32>
          %swap3A_121 = arith.index_cast %add3A_106 : i32 to index
          %swap3A_122 = arith.constant 16 : index
          %swap3A_123 = tpu.vector_load %arg11[%swap3A_121, %swap3A_122] {strides = array<i32>} : memref<80x128xf32, #tpu.memory_space<vmem>>, vector<16xf32>,
          tpu.vector_store %arg11[%swap3A_121, %swap3A_122], %mul3A_120 {strides = array<i32>} : memref<80x128xf32, #tpu.memory_space<vmem>>, vector<16xf32>,
          %get3A_124 = arith.index_cast %add3A_106 : i32 to index
          %get3A_125 = arith.constant 32 : index
          %get3A_126 = tpu.vector_load %arg11[%get3A_124, %get3A_125] {strides = array<i32>} : memref<80x128xf32, #tpu.memory_space<vmem>>, vector<16xf32>,
          %mul3A_127 = vector.broadcast %squeeze3A : f32 to vector<16xf32>
          %mul3A_128 = arith.mulf %get3A_126, %mul3A_127 : vector<16xf32>
          %swap3A_129 = arith.index_cast %add3A_106 : i32 to index
          %swap3A_130 = arith.constant 32 : index
          %swap3A_131 = tpu.vector_load %arg11[%swap3A_129, %swap3A_130] {strides = array<i32>} : memref<80x128xf32, #tpu.memory_space<vmem>>, vector<16xf32>,
          tpu.vector_store %arg11[%swap3A_129, %swap3A_130], %mul3A_128 {strides = array<i32>} : memref<80x128xf32, #tpu.memory_space<vmem>>, vector<16xf32>,
          %get3A_132 = arith.index_cast %add3A_106 : i32 to index
          %get3A_133 = arith.constant 48 : index
          %get3A_134 = tpu.vector_load %arg11[%get3A_132, %get3A_133] {strides = array<i32>} : memref<80x128xf32, #tpu.memory_space<vmem>>, vector<16xf32>,
          %mul3A_135 = vector.broadcast %squeeze3A : f32 to vector<16xf32>
          %mul3A_136 = arith.mulf %get3A_134, %mul3A_135 : vector<16xf32>
          %swap3A_137 = arith.index_cast %add3A_106 : i32 to index
          %swap3A_138 = arith.constant 48 : index
          %swap3A_139 = tpu.vector_load %arg11[%swap3A_137, %swap3A_138] {strides = array<i32>} : memref<80x128xf32, #tpu.memory_space<vmem>>, vector<16xf32>,
          tpu.vector_store %arg11[%swap3A_137, %swap3A_138], %mul3A_136 {strides = array<i32>} : memref<80x128xf32, #tpu.memory_space<vmem>>, vector<16xf32>,
          %get3A_140 = arith.index_cast %add3A_106 : i32 to index
          %get3A_141 = arith.constant 64 : index
          %get3A_142 = tpu.vector_load %arg11[%get3A_140, %get3A_141] {strides = array<i32>} : memref<80x128xf32, #tpu.memory_space<vmem>>, vector<16xf32>,
          %mul3A_143 = vector.broadcast %squeeze3A : f32 to vector<16xf32>
          %mul3A_144 = arith.mulf %get3A_142, %mul3A_143 : vector<16xf32>
          %swap3A_145 = arith.index_cast %add3A_106 : i32 to index
          %swap3A_146 = arith.constant 64 : index
          %swap3A_147 = tpu.vector_load %arg11[%swap3A_145, %swap3A_146] {strides = array<i32>} : memref<80x128xf32, #tpu.memory_space<vmem>>, vector<16xf32>,
          tpu.vector_store %arg11[%swap3A_145, %swap3A_146], %mul3A_144 {strides = array<i32>} : memref<80x128xf32, #tpu.memory_space<vmem>>, vector<16xf32>,
          %get3A_148 = arith.index_cast %add3A_106 : i32 to index
          %get3A_149 = arith.constant 80 : index
          %get3A_150 = tpu.vector_load %arg11[%get3A_148, %get3A_149] {strides = array<i32>} : memref<80x128xf32, #tpu.memory_space<vmem>>, vector<16xf32>,
          %mul3A_151 = vector.broadcast %squeeze3A : f32 to vector<16xf32>
          %mul3A_152 = arith.mulf %get3A_150, %mul3A_151 : vector<16xf32>
          %swap3A_153 = arith.index_cast %add3A_106 : i32 to index
          %swap3A_154 = arith.constant 80 : index
          %swap3A_155 = tpu.vector_load %arg11[%swap3A_153, %swap3A_154] {strides = array<i32>} : memref<80x128xf32, #tpu.memory_space<vmem>>, vector<16xf32>,
          tpu.vector_store %arg11[%swap3A_153, %swap3A_154], %mul3A_152 {strides = array<i32>} : memref<80x128xf32, #tpu.memory_space<vmem>>, vector<16xf32>,
          %get3A_156 = arith.index_cast %add3A_106 : i32 to index
          %get3A_157 = arith.constant 96 : index
          %get3A_158 = tpu.vector_load %arg11[%get3A_156, %get3A_157] {strides = array<i32>} : memref<80x128xf32, #tpu.memory_space<vmem>>, vector<16xf32>,
          %mul3A_159 = vector.broadcast %squeeze3A : f32 to vector<16xf32>
          %mul3A_160 = arith.mulf %get3A_158, %mul3A_159 : vector<16xf32>
          %swap3A_161 = arith.index_cast %add3A_106 : i32 to index
          %swap3A_162 = arith.constant 96 : index
          %swap3A_163 = tpu.vector_load %arg11[%swap3A_161, %swap3A_162] {strides = array<i32>} : memref<80x128xf32, #tpu.memory_space<vmem>>, vector<16xf32>,
          tpu.vector_store %arg11[%swap3A_161, %swap3A_162], %mul3A_160 {strides = array<i32>} : memref<80x128xf32, #tpu.memory_space<vmem>>, vector<16xf32>,
          %get3A_164 = arith.index_cast %add3A_106 : i32 to index
          %get3A_165 = arith.constant 112 : index
          %get3A_166 = tpu.vector_load %arg11[%get3A_164, %get3A_165] {strides = array<i32>} : memref<80x128xf32, #tpu.memory_space<vmem>>, vector<16xf32>,
          %mul3A_167 = vector.broadcast %squeeze3A : f32 to vector<16xf32>
          %mul3A_168 = arith.mulf %get3A_166, %mul3A_167 : vector<16xf32>
          %swap3A_169 = arith.index_cast %add3A_106 : i32 to index
          %swap3A_170 = arith.constant 112 : index
          %swap3A_171 = tpu.vector_load %arg11[%swap3A_169, %swap3A_170] {strides = array<i32>} : memref<80x128xf32, #tpu.memory_space<vmem>>, vector<16xf32>,
          tpu.vector_store %arg11[%swap3A_169, %swap3A_170], %mul3A_168 {strides = array<i32>} : memref<80x128xf32, #tpu.memory_space<vmem>>, vector<16xf32>,
        }
        %scan3A_101 = arith.constant 80 : i32
        "tpu.region"() ({
          %run_scoped3A_102 = tpu.sem_alloc : memref<!tpu.dma_semaphore, #tpu.memory_space<semaphore_mem>>
          %dma_start3A_103 = arith.constant 0 : i32
          %dma_start3A_104 = tpu.memref_slice %arg8[%add3A_94, %dma_start3A_103] : memref<25x80xi32, #tpu.memory_space<vmem>> -> memref<1x80xi32, #tpu.memory_space<vmem>>
          %dma_start3A_105 = tpu.memref_squeeze %dma_start3A_104 : memref<1x80xi32, #tpu.memory_space<vmem>> -> memref<80xi32, #tpu.memory_space<vmem>>
          %dma_start3A_106 = arith.constant 0 : i32
          %dma_start3A_107 = arith.constant 0 : i32
          %dma_start3A_108 = tpu.memref_slice %arg12[%dma_start3A_106, %dma_start3A_107] : memref<10000x128xf32, #tpu.memory_space<vmem_shared>> -> memref<10000x128xf32, #tpu.memory_space<vmem_shared>>
          tpu.enqueue_indirect_dma source(%arg11 : memref<80x128xf32, #tpu.memory_space<vmem>>) target(%dma_start3A_108 : memref<10000x128xf32, #tpu.memory_space<vmem_shared>>) offsets(%dma_start3A_105 : memref<80xi32, #tpu.memory_space<vmem>>) semaphore(%run_scoped3A_102 : memref<!tpu.dma_semaphore, #tpu.memory_space<semaphore_mem>>) {add = true}
          %dma_wait3A_109 = arith.constant 0 : i32
          %dma_wait3A_110 = tpu.memref_slice %arg8[%add3A_94, %dma_wait3A_109] : memref<25x80xi32, #tpu.memory_space<vmem>> -> memref<1x80xi32, #tpu.memory_space<vmem>>
          %dma_wait3A_111 = tpu.memref_squeeze %dma_wait3A_110 : memref<1x80xi32, #tpu.memory_space<vmem>> -> memref<80xi32, #tpu.memory_space<vmem>>
          %dma_wait3A_112 = arith.constant 0 : i32
          %dma_wait3A_113 = arith.constant 0 : i32
          %dma_wait3A_114 = tpu.memref_slice %arg12[%dma_wait3A_112, %dma_wait3A_113] : memref<10000x128xf32, #tpu.memory_space<vmem_shared>> -> memref<10000x128xf32, #tpu.memory_space<vmem_shared>>
          tpu.wait_indirect_dma semaphore(%run_scoped3A_102 : memref<!tpu.dma_semaphore, #tpu.memory_space<semaphore_mem>>) src(%arg11 : memref<80x128xf32, #tpu.memory_space<vmem>>) dst(%dma_wait3A_114 : memref<10000x128xf32, #tpu.memory_space<vmem_shared>>)
          tpu.yield
        }) : () -> ()
      }
      %scan3A_39 = arith.constant 12 : i32
      %dma_wait3A = arith.constant 1920 : i32
      %dma_wait3A_40 = tpu.memref_slice %arg7[%dma_wait3A] : memref<2000xi32, #tpu.memory_space<vmem>> -> memref<80xi32, #tpu.memory_space<vmem>>
      %dma_wait3A_41 = arith.constant 0 : i32
      %dma_wait3A_42 = arith.constant 0 : i32
      %dma_wait3A_43 = tpu.memref_slice %arg2[%dma_wait3A_41, %dma_wait3A_42] : memref<10000x128xf32, #tpu.memory_space<hbm>> -> memref<10000x128xf32, #tpu.memory_space<hbm>>
      tpu.wait_indirect_dma semaphore(%arg13 : memref<!tpu.dma_semaphore, #tpu.memory_space<semaphore_mem>>) src(%dma_wait3A_43 : memref<10000x128xf32, #tpu.memory_space<hbm>>) dst(%arg10 : memref<80x128xf32, #tpu.memory_space<vmem>>)
      %scan3A_44 = arith.constant 0 : i32
      %scan3A_45 = arith.constant 80 : i32
      %scan3A_46 = arith.addi %scan3A_44, %scan3A_45 : i32
      %scan3A_47 = arith.constant 1 : i32
      scf.for %scan3A_49 = %scan3A_44 to %scan3A_46 step %scan3A_47  : i32 {
        %mul3A_50 = arith.constant 1 : i32
        %mul3A_51 = arith.muli %scan3A_49, %mul3A_50 : i32
        %add3A_52 = arith.constant 0 : i32
        %add3A_53 = arith.addi %add3A_52, %mul3A_51 : i32
        %add3A_54 = arith.constant 1920 : i32
        %add3A_55 = arith.addi %add3A_54, %add3A_53 : i32
        %get3A = arith.index_cast %add3A_55 : i32 to index
        %get3A_56 = tpu.vector_load %arg9[%get3A] {strides = array<i32>} : memref<2016xf32, #tpu.memory_space<vmem>>, vector<16xf32>,
        %slice3A = vector.extract_strided_slice %get3A_56 {offsets = [0], sizes = [1], strides = [1]} : vector<16xf32> to vector<1xf32>
        %squeeze3A = vector.extract %slice3A[0] : f32 from vector<1xf32>
        %get3A_57 = arith.index_cast %add3A_53 : i32 to index
        %get3A_58 = arith.constant 0 : index
        %get3A_59 = tpu.vector_load %arg10[%get3A_57, %get3A_58] {strides = array<i32>} : memref<80x128xf32, #tpu.memory_space<vmem>>, vector<16xf32>,
        %mul3A_60 = vector.broadcast %squeeze3A : f32 to vector<16xf32>
        %mul3A_61 = arith.mulf %get3A_59, %mul3A_60 : vector<16xf32>
        %swap3A = arith.index_cast %add3A_53 : i32 to index
        %swap3A_62 = arith.constant 0 : index
        %swap3A_63 = tpu.vector_load %arg10[%swap3A, %swap3A_62] {strides = array<i32>} : memref<80x128xf32, #tpu.memory_space<vmem>>, vector<16xf32>,
        tpu.vector_store %arg10[%swap3A, %swap3A_62], %mul3A_61 {strides = array<i32>} : memref<80x128xf32, #tpu.memory_space<vmem>>, vector<16xf32>,
        %get3A_64 = arith.index_cast %add3A_53 : i32 to index
        %get3A_65 = arith.constant 16 : index
        %get3A_66 = tpu.vector_load %arg10[%get3A_64, %get3A_65] {strides = array<i32>} : memref<80x128xf32, #tpu.memory_space<vmem>>, vector<16xf32>,
        %mul3A_67 = vector.broadcast %squeeze3A : f32 to vector<16xf32>
        %mul3A_68 = arith.mulf %get3A_66, %mul3A_67 : vector<16xf32>
        %swap3A_69 = arith.index_cast %add3A_53 : i32 to index
        %swap3A_70 = arith.constant 16 : index
        %swap3A_71 = tpu.vector_load %arg10[%swap3A_69, %swap3A_70] {strides = array<i32>} : memref<80x128xf32, #tpu.memory_space<vmem>>, vector<16xf32>,
        tpu.vector_store %arg10[%swap3A_69, %swap3A_70], %mul3A_68 {strides = array<i32>} : memref<80x128xf32, #tpu.memory_space<vmem>>, vector<16xf32>,
        %get3A_72 = arith.index_cast %add3A_53 : i32 to index
        %get3A_73 = arith.constant 32 : index
        %get3A_74 = tpu.vector_load %arg10[%get3A_72, %get3A_73] {strides = array<i32>} : memref<80x128xf32, #tpu.memory_space<vmem>>, vector<16xf32>,
        %mul3A_75 = vector.broadcast %squeeze3A : f32 to vector<16xf32>
        %mul3A_76 = arith.mulf %get3A_74, %mul3A_75 : vector<16xf32>
        %swap3A_77 = arith.index_cast %add3A_53 : i32 to index
        %swap3A_78 = arith.constant 32 : index
        %swap3A_79 = tpu.vector_load %arg10[%swap3A_77, %swap3A_78] {strides = array<i32>} : memref<80x128xf32, #tpu.memory_space<vmem>>, vector<16xf32>,
        tpu.vector_store %arg10[%swap3A_77, %swap3A_78], %mul3A_76 {strides = array<i32>} : memref<80x128xf32, #tpu.memory_space<vmem>>, vector<16xf32>,
        %get3A_80 = arith.index_cast %add3A_53 : i32 to index
        %get3A_81 = arith.constant 48 : index
        %get3A_82 = tpu.vector_load %arg10[%get3A_80, %get3A_81] {strides = array<i32>} : memref<80x128xf32, #tpu.memory_space<vmem>>, vector<16xf32>,
        %mul3A_83 = vector.broadcast %squeeze3A : f32 to vector<16xf32>
        %mul3A_84 = arith.mulf %get3A_82, %mul3A_83 : vector<16xf32>
        %swap3A_85 = arith.index_cast %add3A_53 : i32 to index
        %swap3A_86 = arith.constant 48 : index
        %swap3A_87 = tpu.vector_load %arg10[%swap3A_85, %swap3A_86] {strides = array<i32>} : memref<80x128xf32, #tpu.memory_space<vmem>>, vector<16xf32>,
        tpu.vector_store %arg10[%swap3A_85, %swap3A_86], %mul3A_84 {strides = array<i32>} : memref<80x128xf32, #tpu.memory_space<vmem>>, vector<16xf32>,
        %get3A_88 = arith.index_cast %add3A_53 : i32 to index
        %get3A_89 = arith.constant 64 : index
        %get3A_90 = tpu.vector_load %arg10[%get3A_88, %get3A_89] {strides = array<i32>} : memref<80x128xf32, #tpu.memory_space<vmem>>, vector<16xf32>,
        %mul3A_91 = vector.broadcast %squeeze3A : f32 to vector<16xf32>
        %mul3A_92 = arith.mulf %get3A_90, %mul3A_91 : vector<16xf32>
        %swap3A_93 = arith.index_cast %add3A_53 : i32 to index
        %swap3A_94 = arith.constant 64 : index
        %swap3A_95 = tpu.vector_load %arg10[%swap3A_93, %swap3A_94] {strides = array<i32>} : memref<80x128xf32, #tpu.memory_space<vmem>>, vector<16xf32>,
        tpu.vector_store %arg10[%swap3A_93, %swap3A_94], %mul3A_92 {strides = array<i32>} : memref<80x128xf32, #tpu.memory_space<vmem>>, vector<16xf32>,
        %get3A_96 = arith.index_cast %add3A_53 : i32 to index
        %get3A_97 = arith.constant 80 : index
        %get3A_98 = tpu.vector_load %arg10[%get3A_96, %get3A_97] {strides = array<i32>} : memref<80x128xf32, #tpu.memory_space<vmem>>, vector<16xf32>,
        %mul3A_99 = vector.broadcast %squeeze3A : f32 to vector<16xf32>
        %mul3A_100 = arith.mulf %get3A_98, %mul3A_99 : vector<16xf32>
        %swap3A_101 = arith.index_cast %add3A_53 : i32 to index
        %swap3A_102 = arith.constant 80 : index
        %swap3A_103 = tpu.vector_load %arg10[%swap3A_101, %swap3A_102] {strides = array<i32>} : memref<80x128xf32, #tpu.memory_space<vmem>>, vector<16xf32>,
        tpu.vector_store %arg10[%swap3A_101, %swap3A_102], %mul3A_100 {strides = array<i32>} : memref<80x128xf32, #tpu.memory_space<vmem>>, vector<16xf32>,
        %get3A_104 = arith.index_cast %add3A_53 : i32 to index
        %get3A_105 = arith.constant 96 : index
        %get3A_106 = tpu.vector_load %arg10[%get3A_104, %get3A_105] {strides = array<i32>} : memref<80x128xf32, #tpu.memory_space<vmem>>, vector<16xf32>,
        %mul3A_107 = vector.broadcast %squeeze3A : f32 to vector<16xf32>
        %mul3A_108 = arith.mulf %get3A_106, %mul3A_107 : vector<16xf32>
        %swap3A_109 = arith.index_cast %add3A_53 : i32 to index
        %swap3A_110 = arith.constant 96 : index
        %swap3A_111 = tpu.vector_load %arg10[%swap3A_109, %swap3A_110] {strides = array<i32>} : memref<80x128xf32, #tpu.memory_space<vmem>>, vector<16xf32>,
        tpu.vector_store %arg10[%swap3A_109, %swap3A_110], %mul3A_108 {strides = array<i32>} : memref<80x128xf32, #tpu.memory_space<vmem>>, vector<16xf32>,
        %get3A_112 = arith.index_cast %add3A_53 : i32 to index
        %get3A_113 = arith.constant 112 : index
        %get3A_114 = tpu.vector_load %arg10[%get3A_112, %get3A_113] {strides = array<i32>} : memref<80x128xf32, #tpu.memory_space<vmem>>, vector<16xf32>,
        %mul3A_115 = vector.broadcast %squeeze3A : f32 to vector<16xf32>
        %mul3A_116 = arith.mulf %get3A_114, %mul3A_115 : vector<16xf32>
        %swap3A_117 = arith.index_cast %add3A_53 : i32 to index
        %swap3A_118 = arith.constant 112 : index
        %swap3A_119 = tpu.vector_load %arg10[%swap3A_117, %swap3A_118] {strides = array<i32>} : memref<80x128xf32, #tpu.memory_space<vmem>>, vector<16xf32>,
        tpu.vector_store %arg10[%swap3A_117, %swap3A_118], %mul3A_116 {strides = array<i32>} : memref<80x128xf32, #tpu.memory_space<vmem>>, vector<16xf32>,
      }
      %scan3A_48 = arith.constant 80 : i32
      %run_scoped3A = arith.constant 24 : i32
      "tpu.region"() ({
        %run_scoped3A_49 = tpu.sem_alloc : memref<!tpu.dma_semaphore, #tpu.memory_space<semaphore_mem>>
        %dma_start3A_50 = arith.constant 0 : i32
        %dma_start3A_51 = tpu.memref_slice %arg8[%run_scoped3A, %dma_start3A_50] : memref<25x80xi32, #tpu.memory_space<vmem>> -> memref<1x80xi32, #tpu.memory_space<vmem>>
        %dma_start3A_52 = tpu.memref_squeeze %dma_start3A_51 : memref<1x80xi32, #tpu.memory_space<vmem>> -> memref<80xi32, #tpu.memory_space<vmem>>
        %dma_start3A_53 = arith.constant 0 : i32
        %dma_start3A_54 = arith.constant 0 : i32
        %dma_start3A_55 = tpu.memref_slice %arg12[%dma_start3A_53, %dma_start3A_54] : memref<10000x128xf32, #tpu.memory_space<vmem_shared>> -> memref<10000x128xf32, #tpu.memory_space<vmem_shared>>
        tpu.enqueue_indirect_dma source(%arg10 : memref<80x128xf32, #tpu.memory_space<vmem>>) target(%dma_start3A_55 : memref<10000x128xf32, #tpu.memory_space<vmem_shared>>) offsets(%dma_start3A_52 : memref<80xi32, #tpu.memory_space<vmem>>) semaphore(%run_scoped3A_49 : memref<!tpu.dma_semaphore, #tpu.memory_space<semaphore_mem>>) {add = true}
        %dma_wait3A_56 = arith.constant 0 : i32
        %dma_wait3A_57 = tpu.memref_slice %arg8[%run_scoped3A, %dma_wait3A_56] : memref<25x80xi32, #tpu.memory_space<vmem>> -> memref<1x80xi32, #tpu.memory_space<vmem>>
        %dma_wait3A_58 = tpu.memref_squeeze %dma_wait3A_57 : memref<1x80xi32, #tpu.memory_space<vmem>> -> memref<80xi32, #tpu.memory_space<vmem>>
        %dma_wait3A_59 = arith.constant 0 : i32
        %dma_wait3A_60 = arith.constant 0 : i32
        %dma_wait3A_61 = tpu.memref_slice %arg12[%dma_wait3A_59, %dma_wait3A_60] : memref<10000x128xf32, #tpu.memory_space<vmem_shared>> -> memref<10000x128xf32, #tpu.memory_space<vmem_shared>>
        tpu.wait_indirect_dma semaphore(%run_scoped3A_49 : memref<!tpu.dma_semaphore, #tpu.memory_space<semaphore_mem>>) src(%arg10 : memref<80x128xf32, #tpu.memory_space<vmem>>) dst(%dma_wait3A_61 : memref<10000x128xf32, #tpu.memory_space<vmem_shared>>)
        tpu.yield
      }) : () -> ()
    }
    %scan3A_20 = arith.constant 5 : i32
    %barrier3A_21 = arith.constant 0 : index
    tpu.barrier barrier_id(%barrier3A_21)
    %mul3A_22 = arith.constant 625 : i32
    %mul3A_23 = arith.muli %arg1, %mul3A_22 : i32
    %mul3A_24 = arith.constant 625 : i32
    %mul3A_25 = arith.muli %arg1, %mul3A_24 : i32
    "tpu.region"() ({
      %run_scoped3A = tpu.sem_alloc : memref<!tpu.dma_semaphore, #tpu.memory_space<semaphore_mem>>
      %dma_start3A = arith.constant 0 : i32
      %dma_start3A_26 = arith.constant 0 : i32
      %dma_start3A_27 = tpu.memref_slice %arg6[%arg0, %dma_start3A, %dma_start3A_26] : memref<2x10000x128xf32, #tpu.memory_space<hbm>> -> memref<1x10000x128xf32, #tpu.memory_space<hbm>>
      %dma_start3A_28 = tpu.memref_squeeze %dma_start3A_27 : memref<1x10000x128xf32, #tpu.memory_space<hbm>> -> memref<10000x128xf32, #tpu.memory_space<hbm>>
      %dma_start3A_29 = arith.constant 0 : i32
      %dma_start3A_30 = tpu.memref_slice %dma_start3A_28[%mul3A_25, %dma_start3A_29] : memref<10000x128xf32, #tpu.memory_space<hbm>> -> memref<625x128xf32, #tpu.memory_space<hbm>>
      %dma_start3A_31 = arith.constant 0 : i32
      %dma_start3A_32 = tpu.memref_slice %arg12[%mul3A_23, %dma_start3A_31] : memref<10000x128xf32, #tpu.memory_space<vmem_shared>> -> memref<625x128xf32, #tpu.memory_space<vmem_shared>>
      tpu.enqueue_dma source(%dma_start3A_32 : memref<625x128xf32, #tpu.memory_space<vmem_shared>>) target(%dma_start3A_30 : memref<625x128xf32, #tpu.memory_space<hbm>>) target_semaphore(%run_scoped3A : memref<!tpu.dma_semaphore, #tpu.memory_space<semaphore_mem>>)
      %dma_wait3A = arith.constant 0 : i32
      %dma_wait3A_33 = arith.constant 0 : i32
      %dma_wait3A_34 = tpu.memref_slice %arg6[%arg0, %dma_wait3A, %dma_wait3A_33] : memref<2x10000x128xf32, #tpu.memory_space<hbm>> -> memref<1x10000x128xf32, #tpu.memory_space<hbm>>
      %dma_wait3A_35 = tpu.memref_squeeze %dma_wait3A_34 : memref<1x10000x128xf32, #tpu.memory_space<hbm>> -> memref<10000x128xf32, #tpu.memory_space<hbm>>
      %dma_wait3A_36 = arith.constant 0 : i32
      %dma_wait3A_37 = tpu.memref_slice %dma_wait3A_35[%mul3A_25, %dma_wait3A_36] : memref<10000x128xf32, #tpu.memory_space<hbm>> -> memref<625x128xf32, #tpu.memory_space<hbm>>
      %dma_wait3A_38 = arith.constant 0 : i32
      %dma_wait3A_39 = tpu.memref_slice %arg12[%mul3A_23, %dma_wait3A_38] : memref<10000x128xf32, #tpu.memory_space<vmem_shared>> -> memref<625x128xf32, #tpu.memory_space<vmem_shared>>
      tpu.wait_dma2 semaphore(%run_scoped3A : memref<!tpu.dma_semaphore, #tpu.memory_space<semaphore_mem>>) src(%dma_wait3A_39 : memref<625x128xf32, #tpu.memory_space<vmem_shared>>) dst(%dma_wait3A_37 : memref<625x128xf32, #tpu.memory_space<hbm>>)
      tpu.yield
    }) : () -> ()
    return
  }
}

#map = affine_map<(d0, d1) -> (0, 0)>
#map1 = affine_map<(d0, d1) -> (0)>
module attributes {stable_mosaic.version = 14 : i64} {
  func.func @_sc_scalar0_body(%arg0: i32, %arg1: i32, %arg2: memref<32x10000xi32, #tpu.memory_space<hbm>>, %arg3: memref<32x10000xi32, #tpu.memory_space<hbm>>, %arg4: memref<32x10000xf32, #tpu.memory_space<hbm>>, %arg5: memref<32x10000xf32, #tpu.memory_space<hbm>>, %arg6: memref<10000xf32, #tpu.memory_space<hbm>>, %arg7: memref<10000xf32, #tpu.memory_space<hbm>>, %arg8: memref<32x10000xf32, #tpu.memory_space<hbm>>, %arg9: memref<32x10000xf32, #tpu.memory_space<hbm>>, %arg10: memref<32x10000xf32, #tpu.memory_space<hbm>>, %arg11: memref<32x10000xf32, #tpu.memory_space<hbm>>, %arg12: memref<32x10000xf32, #tpu.memory_space<hbm>>, %arg13: memref<10000xf32, #tpu.memory_space<vmem>>, %arg14: memref<10000xf32, #tpu.memory_space<vmem>>, %arg15: memref<10000xi32, #tpu.memory_space<vmem>>, %arg16: memref<10000xi32, #tpu.memory_space<vmem>>, %arg17: memref<10000xf32, #tpu.memory_space<vmem>>, %arg18: memref<10000xf32, #tpu.memory_space<vmem>>, %arg19: memref<10000xf32, #tpu.memory_space<vmem>>, %arg20: memref<10000xf32, #tpu.memory_space<vmem>>, %arg21: memref<10000xf32, #tpu.memory_space<vmem>>, %arg22: memref<10000xf32, #tpu.memory_space<vmem>>, %arg23: memref<10000xf32, #tpu.memory_space<vmem>>) attributes {dimension_semantics = [#tpu.dimension_semantics<core_parallel>, #tpu.dimension_semantics<subcore_parallel>], iteration_bounds = array<i64: 2, 16>, scalar_prefetch = 0 : i64, scratch_operands = 11 : i64, tpu.core_type = #tpu.core_type<sc_vector_subcore>, window_params = [{transform_indices = #map}, {transform_indices = #map}, {transform_indices = #map}, {transform_indices = #map}, {transform_indices = #map1}, {transform_indices = #map1}, {transform_indices = #map}, {transform_indices = #map}, {transform_indices = #map}, {transform_indices = #map}, {transform_indices = #map}]} {
    %mul3A = arith.constant 2 : i32
    %mul3A_0 = arith.muli %arg1, %mul3A : i32
    %add3A = arith.addi %mul3A_0, %arg0 : i32
    "tpu.region"() ({
      %run_scoped3A = tpu.sem_alloc : memref<!tpu.dma_semaphore, #tpu.memory_space<semaphore_mem>>
      tpu.enqueue_dma source(%arg6 : memref<10000xf32, #tpu.memory_space<hbm>>) target(%arg13 : memref<10000xf32, #tpu.memory_space<vmem>>) target_semaphore(%run_scoped3A : memref<!tpu.dma_semaphore, #tpu.memory_space<semaphore_mem>>)
      tpu.wait_dma2 semaphore(%run_scoped3A : memref<!tpu.dma_semaphore, #tpu.memory_space<semaphore_mem>>) src(%arg6 : memref<10000xf32, #tpu.memory_space<hbm>>) dst(%arg13 : memref<10000xf32, #tpu.memory_space<vmem>>)
      tpu.yield
    }) : () -> ()
    "tpu.region"() ({
      %run_scoped3A = tpu.sem_alloc : memref<!tpu.dma_semaphore, #tpu.memory_space<semaphore_mem>>
      tpu.enqueue_dma source(%arg7 : memref<10000xf32, #tpu.memory_space<hbm>>) target(%arg14 : memref<10000xf32, #tpu.memory_space<vmem>>) target_semaphore(%run_scoped3A : memref<!tpu.dma_semaphore, #tpu.memory_space<semaphore_mem>>)
      tpu.wait_dma2 semaphore(%run_scoped3A : memref<!tpu.dma_semaphore, #tpu.memory_space<semaphore_mem>>) src(%arg7 : memref<10000xf32, #tpu.memory_space<hbm>>) dst(%arg14 : memref<10000xf32, #tpu.memory_space<vmem>>)
      tpu.yield
    }) : () -> ()
    "tpu.region"() ({
      %run_scoped3A = tpu.sem_alloc : memref<!tpu.dma_semaphore, #tpu.memory_space<semaphore_mem>>
      %dma_start3A = arith.constant 0 : i32
      %dma_start3A_13 = tpu.memref_slice %arg2[%add3A, %dma_start3A] : memref<32x10000xi32, #tpu.memory_space<hbm>> -> memref<1x10000xi32, #tpu.memory_space<hbm>>
      %dma_start3A_14 = tpu.memref_squeeze %dma_start3A_13 : memref<1x10000xi32, #tpu.memory_space<hbm>> -> memref<10000xi32, #tpu.memory_space<hbm>>
      %dma_start3A_15 = arith.constant 0 : i32
      %dma_start3A_16 = tpu.memref_slice %arg2[%add3A, %dma_start3A_15] : memref<32x10000xi32, #tpu.memory_space<hbm>> -> memref<1x10000xi32, #tpu.memory_space<hbm>>
      %dma_start3A_17 = tpu.memref_squeeze %dma_start3A_16 : memref<1x10000xi32, #tpu.memory_space<hbm>> -> memref<10000xi32, #tpu.memory_space<hbm>>
      tpu.enqueue_dma source(%dma_start3A_17 : memref<10000xi32, #tpu.memory_space<hbm>>) target(%arg15 : memref<10000xi32, #tpu.memory_space<vmem>>) target_semaphore(%run_scoped3A : memref<!tpu.dma_semaphore, #tpu.memory_space<semaphore_mem>>)
      %dma_wait3A = arith.constant 0 : i32
      %dma_wait3A_18 = tpu.memref_slice %arg2[%add3A, %dma_wait3A] : memref<32x10000xi32, #tpu.memory_space<hbm>> -> memref<1x10000xi32, #tpu.memory_space<hbm>>
      %dma_wait3A_19 = tpu.memref_squeeze %dma_wait3A_18 : memref<1x10000xi32, #tpu.memory_space<hbm>> -> memref<10000xi32, #tpu.memory_space<hbm>>
      %dma_wait3A_20 = arith.constant 0 : i32
      %dma_wait3A_21 = tpu.memref_slice %arg2[%add3A, %dma_wait3A_20] : memref<32x10000xi32, #tpu.memory_space<hbm>> -> memref<1x10000xi32, #tpu.memory_space<hbm>>
      %dma_wait3A_22 = tpu.memref_squeeze %dma_wait3A_21 : memref<1x10000xi32, #tpu.memory_space<hbm>> -> memref<10000xi32, #tpu.memory_space<hbm>>
      tpu.wait_dma2 semaphore(%run_scoped3A : memref<!tpu.dma_semaphore, #tpu.memory_space<semaphore_mem>>) src(%dma_wait3A_22 : memref<10000xi32, #tpu.memory_space<hbm>>) dst(%arg15 : memref<10000xi32, #tpu.memory_space<vmem>>)
      tpu.yield
    }) : () -> ()
    "tpu.region"() ({
      %run_scoped3A = tpu.sem_alloc : memref<!tpu.dma_semaphore, #tpu.memory_space<semaphore_mem>>
      %dma_start3A = arith.constant 0 : i32
      %dma_start3A_13 = tpu.memref_slice %arg3[%add3A, %dma_start3A] : memref<32x10000xi32, #tpu.memory_space<hbm>> -> memref<1x10000xi32, #tpu.memory_space<hbm>>
      %dma_start3A_14 = tpu.memref_squeeze %dma_start3A_13 : memref<1x10000xi32, #tpu.memory_space<hbm>> -> memref<10000xi32, #tpu.memory_space<hbm>>
      %dma_start3A_15 = arith.constant 0 : i32
      %dma_start3A_16 = tpu.memref_slice %arg3[%add3A, %dma_start3A_15] : memref<32x10000xi32, #tpu.memory_space<hbm>> -> memref<1x10000xi32, #tpu.memory_space<hbm>>
      %dma_start3A_17 = tpu.memref_squeeze %dma_start3A_16 : memref<1x10000xi32, #tpu.memory_space<hbm>> -> memref<10000xi32, #tpu.memory_space<hbm>>
      tpu.enqueue_dma source(%dma_start3A_17 : memref<10000xi32, #tpu.memory_space<hbm>>) target(%arg16 : memref<10000xi32, #tpu.memory_space<vmem>>) target_semaphore(%run_scoped3A : memref<!tpu.dma_semaphore, #tpu.memory_space<semaphore_mem>>)
      %dma_wait3A = arith.constant 0 : i32
      %dma_wait3A_18 = tpu.memref_slice %arg3[%add3A, %dma_wait3A] : memref<32x10000xi32, #tpu.memory_space<hbm>> -> memref<1x10000xi32, #tpu.memory_space<hbm>>
      %dma_wait3A_19 = tpu.memref_squeeze %dma_wait3A_18 : memref<1x10000xi32, #tpu.memory_space<hbm>> -> memref<10000xi32, #tpu.memory_space<hbm>>
      %dma_wait3A_20 = arith.constant 0 : i32
      %dma_wait3A_21 = tpu.memref_slice %arg3[%add3A, %dma_wait3A_20] : memref<32x10000xi32, #tpu.memory_space<hbm>> -> memref<1x10000xi32, #tpu.memory_space<hbm>>
      %dma_wait3A_22 = tpu.memref_squeeze %dma_wait3A_21 : memref<1x10000xi32, #tpu.memory_space<hbm>> -> memref<10000xi32, #tpu.memory_space<hbm>>
      tpu.wait_dma2 semaphore(%run_scoped3A : memref<!tpu.dma_semaphore, #tpu.memory_space<semaphore_mem>>) src(%dma_wait3A_22 : memref<10000xi32, #tpu.memory_space<hbm>>) dst(%arg16 : memref<10000xi32, #tpu.memory_space<vmem>>)
      tpu.yield
    }) : () -> ()
    "tpu.region"() ({
      %run_scoped3A = tpu.sem_alloc : memref<!tpu.dma_semaphore, #tpu.memory_space<semaphore_mem>>
      %dma_start3A = arith.constant 0 : i32
      %dma_start3A_13 = tpu.memref_slice %arg4[%add3A, %dma_start3A] : memref<32x10000xf32, #tpu.memory_space<hbm>> -> memref<1x10000xf32, #tpu.memory_space<hbm>>
      %dma_start3A_14 = tpu.memref_squeeze %dma_start3A_13 : memref<1x10000xf32, #tpu.memory_space<hbm>> -> memref<10000xf32, #tpu.memory_space<hbm>>
      %dma_start3A_15 = arith.constant 0 : i32
      %dma_start3A_16 = tpu.memref_slice %arg4[%add3A, %dma_start3A_15] : memref<32x10000xf32, #tpu.memory_space<hbm>> -> memref<1x10000xf32, #tpu.memory_space<hbm>>
      %dma_start3A_17 = tpu.memref_squeeze %dma_start3A_16 : memref<1x10000xf32, #tpu.memory_space<hbm>> -> memref<10000xf32, #tpu.memory_space<hbm>>
      tpu.enqueue_dma source(%dma_start3A_17 : memref<10000xf32, #tpu.memory_space<hbm>>) target(%arg17 : memref<10000xf32, #tpu.memory_space<vmem>>) target_semaphore(%run_scoped3A : memref<!tpu.dma_semaphore, #tpu.memory_space<semaphore_mem>>)
      %dma_wait3A = arith.constant 0 : i32
      %dma_wait3A_18 = tpu.memref_slice %arg4[%add3A, %dma_wait3A] : memref<32x10000xf32, #tpu.memory_space<hbm>> -> memref<1x10000xf32, #tpu.memory_space<hbm>>
      %dma_wait3A_19 = tpu.memref_squeeze %dma_wait3A_18 : memref<1x10000xf32, #tpu.memory_space<hbm>> -> memref<10000xf32, #tpu.memory_space<hbm>>
      %dma_wait3A_20 = arith.constant 0 : i32
      %dma_wait3A_21 = tpu.memref_slice %arg4[%add3A, %dma_wait3A_20] : memref<32x10000xf32, #tpu.memory_space<hbm>> -> memref<1x10000xf32, #tpu.memory_space<hbm>>
      %dma_wait3A_22 = tpu.memref_squeeze %dma_wait3A_21 : memref<1x10000xf32, #tpu.memory_space<hbm>> -> memref<10000xf32, #tpu.memory_space<hbm>>
      tpu.wait_dma2 semaphore(%run_scoped3A : memref<!tpu.dma_semaphore, #tpu.memory_space<semaphore_mem>>) src(%dma_wait3A_22 : memref<10000xf32, #tpu.memory_space<hbm>>) dst(%arg17 : memref<10000xf32, #tpu.memory_space<vmem>>)
      tpu.yield
    }) : () -> ()
    "tpu.region"() ({
      %run_scoped3A = tpu.sem_alloc : memref<!tpu.dma_semaphore, #tpu.memory_space<semaphore_mem>>
      %dma_start3A = arith.constant 0 : i32
      %dma_start3A_13 = tpu.memref_slice %arg5[%add3A, %dma_start3A] : memref<32x10000xf32, #tpu.memory_space<hbm>> -> memref<1x10000xf32, #tpu.memory_space<hbm>>
      %dma_start3A_14 = tpu.memref_squeeze %dma_start3A_13 : memref<1x10000xf32, #tpu.memory_space<hbm>> -> memref<10000xf32, #tpu.memory_space<hbm>>
      %dma_start3A_15 = arith.constant 0 : i32
      %dma_start3A_16 = tpu.memref_slice %arg5[%add3A, %dma_start3A_15] : memref<32x10000xf32, #tpu.memory_space<hbm>> -> memref<1x10000xf32, #tpu.memory_space<hbm>>
      %dma_start3A_17 = tpu.memref_squeeze %dma_start3A_16 : memref<1x10000xf32, #tpu.memory_space<hbm>> -> memref<10000xf32, #tpu.memory_space<hbm>>
      tpu.enqueue_dma source(%dma_start3A_17 : memref<10000xf32, #tpu.memory_space<hbm>>) target(%arg18 : memref<10000xf32, #tpu.memory_space<vmem>>) target_semaphore(%run_scoped3A : memref<!tpu.dma_semaphore, #tpu.memory_space<semaphore_mem>>)
      %dma_wait3A = arith.constant 0 : i32
      %dma_wait3A_18 = tpu.memref_slice %arg5[%add3A, %dma_wait3A] : memref<32x10000xf32, #tpu.memory_space<hbm>> -> memref<1x10000xf32, #tpu.memory_space<hbm>>
      %dma_wait3A_19 = tpu.memref_squeeze %dma_wait3A_18 : memref<1x10000xf32, #tpu.memory_space<hbm>> -> memref<10000xf32, #tpu.memory_space<hbm>>
      %dma_wait3A_20 = arith.constant 0 : i32
      %dma_wait3A_21 = tpu.memref_slice %arg5[%add3A, %dma_wait3A_20] : memref<32x10000xf32, #tpu.memory_space<hbm>> -> memref<1x10000xf32, #tpu.memory_space<hbm>>
      %dma_wait3A_22 = tpu.memref_squeeze %dma_wait3A_21 : memref<1x10000xf32, #tpu.memory_space<hbm>> -> memref<10000xf32, #tpu.memory_space<hbm>>
      tpu.wait_dma2 semaphore(%run_scoped3A : memref<!tpu.dma_semaphore, #tpu.memory_space<semaphore_mem>>) src(%dma_wait3A_22 : memref<10000xf32, #tpu.memory_space<hbm>>) dst(%arg18 : memref<10000xf32, #tpu.memory_space<vmem>>)
      tpu.yield
    }) : () -> ()
    %broadcast_in_dim3A = arith.constant 0.000000e+00 : f32
    %broadcast_in_dim3A_1 = vector.broadcast %broadcast_in_dim3A : f32 to vector<16xf32>
    %scan3A = arith.constant 0 : i32
    %scan3A_2 = arith.constant 625 : i32
    %scan3A_3 = arith.addi %scan3A, %scan3A_2 : i32
    %scan3A_4 = arith.constant 1 : i32
    scf.for %scan3A_13 = %scan3A to %scan3A_3 step %scan3A_4  : i32 {
      %mul3A_14 = arith.constant 1 : i32
      %mul3A_15 = arith.muli %scan3A_13, %mul3A_14 : i32
      %add3A_16 = arith.constant 0 : i32
      %add3A_17 = arith.addi %add3A_16, %mul3A_15 : i32
      %mul3A_18 = arith.constant 16 : i32
      %mul3A_19 = arith.muli %add3A_17, %mul3A_18 : i32
      %swap3A = arith.index_cast %mul3A_19 : i32 to index
      %swap3A_20 = tpu.vector_load %arg20[%swap3A] {strides = array<i32>} : memref<10000xf32, #tpu.memory_space<vmem>>, vector<16xf32>,
      tpu.vector_store %arg20[%swap3A], %broadcast_in_dim3A_1 {strides = array<i32>} : memref<10000xf32, #tpu.memory_space<vmem>>, vector<16xf32>,
      %swap3A_21 = arith.index_cast %mul3A_19 : i32 to index
      %swap3A_22 = tpu.vector_load %arg21[%swap3A_21] {strides = array<i32>} : memref<10000xf32, #tpu.memory_space<vmem>>, vector<16xf32>,
      tpu.vector_store %arg21[%swap3A_21], %broadcast_in_dim3A_1 {strides = array<i32>} : memref<10000xf32, #tpu.memory_space<vmem>>, vector<16xf32>,
      %swap3A_23 = arith.index_cast %mul3A_19 : i32 to index
      %swap3A_24 = tpu.vector_load %arg22[%swap3A_23] {strides = array<i32>} : memref<10000xf32, #tpu.memory_space<vmem>>, vector<16xf32>,
      tpu.vector_store %arg22[%swap3A_23], %broadcast_in_dim3A_1 {strides = array<i32>} : memref<10000xf32, #tpu.memory_space<vmem>>, vector<16xf32>,
      %swap3A_25 = arith.index_cast %mul3A_19 : i32 to index
      %swap3A_26 = tpu.vector_load %arg23[%swap3A_25] {strides = array<i32>} : memref<10000xf32, #tpu.memory_space<vmem>>, vector<16xf32>,
      tpu.vector_store %arg23[%swap3A_25], %broadcast_in_dim3A_1 {strides = array<i32>} : memref<10000xf32, #tpu.memory_space<vmem>>, vector<16xf32>,
    }
    %scan3A_5 = arith.constant 625 : i32
    %broadcast_in_dim3A_6 = arith.constant 1.000000e+00 : f32
    %broadcast_in_dim3A_7 = vector.broadcast %broadcast_in_dim3A_6 : f32 to vector<16xf32>
    %scan3A_8 = arith.constant 0 : i32
    %scan3A_9 = arith.constant 625 : i32
    %scan3A_10 = arith.addi %scan3A_8, %scan3A_9 : i32
    %scan3A_11 = arith.constant 1 : i32
    scf.for %scan3A_13 = %scan3A_8 to %scan3A_10 step %scan3A_11  : i32 {
      %mul3A_14 = arith.constant 1 : i32
      %mul3A_15 = arith.muli %scan3A_13, %mul3A_14 : i32
      %add3A_16 = arith.constant 0 : i32
      %add3A_17 = arith.addi %add3A_16, %mul3A_15 : i32
      %mul3A_18 = arith.constant 16 : i32
      %mul3A_19 = arith.muli %add3A_17, %mul3A_18 : i32
      %get3A = arith.index_cast %mul3A_19 : i32 to index
      %get3A_20 = tpu.vector_load %arg15[%get3A] {strides = array<i32>} : memref<10000xi32, #tpu.memory_space<vmem>>, vector<16xi32>,
      %get3A_21 = arith.index_cast %mul3A_19 : i32 to index
      %get3A_22 = tpu.vector_load %arg16[%get3A_21] {strides = array<i32>} : memref<10000xi32, #tpu.memory_space<vmem>>, vector<16xi32>,
      %get3A_23 = arith.index_cast %mul3A_19 : i32 to index
      %get3A_24 = tpu.vector_load %arg17[%get3A_23] {strides = array<i32>} : memref<10000xf32, #tpu.memory_space<vmem>>, vector<16xf32>,
      %gather3A = tpu.vector_load_idx %arg13[%get3A_20] : memref<10000xf32, #tpu.memory_space<vmem>>[vector<16xi32>], vector<16xf32>,
      %gather3A_25 = tpu.vector_load_idx %arg14[%get3A_22] : memref<10000xf32, #tpu.memory_space<vmem>>[vector<16xi32>], vector<16xf32>,
      %add3A_26 = arith.addf %gather3A, %gather3A_25 : vector<16xf32>
      %add3A_27 = arith.addf %add3A_26, %get3A_24 : vector<16xf32>
      %gt3A = arith.constant 0.000000e+00 : f32
      %gt3A_28 = vector.broadcast %gt3A : f32 to vector<16xf32>
      %gt3A_29 = arith.cmpf ogt, %add3A_27, %gt3A_28 : vector<16xf32>
      %mul3A_30 = arith.constant 2.000000e-01 : f32
      %mul3A_31 = vector.broadcast %mul3A_30 : f32 to vector<16xf32>
      %mul3A_32 = arith.mulf %mul3A_31, %add3A_27 : vector<16xf32>
      %select_n3A = arith.select %gt3A_29, %add3A_27, %mul3A_32 : vector<16xi1>, vector<16xf32>
      %exp3A = math.exp %select_n3A : vector<16xf32>
      %swap3A = arith.index_cast %mul3A_19 : i32 to index
      %swap3A_33 = tpu.vector_load %arg19[%swap3A] {strides = array<i32>} : memref<10000xf32, #tpu.memory_space<vmem>>, vector<16xf32>,
      tpu.vector_store %arg19[%swap3A], %exp3A {strides = array<i32>} : memref<10000xf32, #tpu.memory_space<vmem>>, vector<16xf32>,
      tpu.vector_store_idx %arg20[%get3A_22], %exp3A {add = true} : memref<10000xf32, #tpu.memory_space<vmem>>[vector<16xi32>], vector<16xf32>,
      tpu.vector_store_idx %arg21[%get3A_22], %broadcast_in_dim3A_7 {add = true} : memref<10000xf32, #tpu.memory_space<vmem>>[vector<16xi32>], vector<16xf32>,
      tpu.vector_store_idx %arg22[%get3A_22], %get3A_24 {add = true} : memref<10000xf32, #tpu.memory_space<vmem>>[vector<16xi32>], vector<16xf32>,
      %get3A_34 = arith.index_cast %mul3A_19 : i32 to index
      %get3A_35 = tpu.vector_load %arg18[%get3A_34] {strides = array<i32>} : memref<10000xf32, #tpu.memory_space<vmem>>, vector<16xf32>,
      tpu.vector_store_idx %arg23[%get3A_22], %get3A_35 {add = true} : memref<10000xf32, #tpu.memory_space<vmem>>[vector<16xi32>], vector<16xf32>,
    }
    %scan3A_12 = arith.constant 625 : i32
    "tpu.region"() ({
      %run_scoped3A = tpu.sem_alloc : memref<!tpu.dma_semaphore, #tpu.memory_space<semaphore_mem>>
      %dma_start3A = arith.constant 0 : i32
      %dma_start3A_13 = tpu.memref_slice %arg8[%add3A, %dma_start3A] : memref<32x10000xf32, #tpu.memory_space<hbm>> -> memref<1x10000xf32, #tpu.memory_space<hbm>>
      %dma_start3A_14 = tpu.memref_squeeze %dma_start3A_13 : memref<1x10000xf32, #tpu.memory_space<hbm>> -> memref<10000xf32, #tpu.memory_space<hbm>>
      %dma_start3A_15 = arith.constant 0 : i32
      %dma_start3A_16 = tpu.memref_slice %arg8[%add3A, %dma_start3A_15] : memref<32x10000xf32, #tpu.memory_space<hbm>> -> memref<1x10000xf32, #tpu.memory_space<hbm>>
      %dma_start3A_17 = tpu.memref_squeeze %dma_start3A_16 : memref<1x10000xf32, #tpu.memory_space<hbm>> -> memref<10000xf32, #tpu.memory_space<hbm>>
      tpu.enqueue_dma source(%arg19 : memref<10000xf32, #tpu.memory_space<vmem>>) target(%dma_start3A_17 : memref<10000xf32, #tpu.memory_space<hbm>>) target_semaphore(%run_scoped3A : memref<!tpu.dma_semaphore, #tpu.memory_space<semaphore_mem>>)
      %dma_wait3A = arith.constant 0 : i32
      %dma_wait3A_18 = tpu.memref_slice %arg8[%add3A, %dma_wait3A] : memref<32x10000xf32, #tpu.memory_space<hbm>> -> memref<1x10000xf32, #tpu.memory_space<hbm>>
      %dma_wait3A_19 = tpu.memref_squeeze %dma_wait3A_18 : memref<1x10000xf32, #tpu.memory_space<hbm>> -> memref<10000xf32, #tpu.memory_space<hbm>>
      %dma_wait3A_20 = arith.constant 0 : i32
      %dma_wait3A_21 = tpu.memref_slice %arg8[%add3A, %dma_wait3A_20] : memref<32x10000xf32, #tpu.memory_space<hbm>> -> memref<1x10000xf32, #tpu.memory_space<hbm>>
      %dma_wait3A_22 = tpu.memref_squeeze %dma_wait3A_21 : memref<1x10000xf32, #tpu.memory_space<hbm>> -> memref<10000xf32, #tpu.memory_space<hbm>>
      tpu.wait_dma2 semaphore(%run_scoped3A : memref<!tpu.dma_semaphore, #tpu.memory_space<semaphore_mem>>) src(%arg19 : memref<10000xf32, #tpu.memory_space<vmem>>) dst(%dma_wait3A_22 : memref<10000xf32, #tpu.memory_space<hbm>>)
      tpu.yield
    }) : () -> ()
    "tpu.region"() ({
      %run_scoped3A = tpu.sem_alloc : memref<!tpu.dma_semaphore, #tpu.memory_space<semaphore_mem>>
      %dma_start3A = arith.constant 0 : i32
      %dma_start3A_13 = tpu.memref_slice %arg9[%add3A, %dma_start3A] : memref<32x10000xf32, #tpu.memory_space<hbm>> -> memref<1x10000xf32, #tpu.memory_space<hbm>>
      %dma_start3A_14 = tpu.memref_squeeze %dma_start3A_13 : memref<1x10000xf32, #tpu.memory_space<hbm>> -> memref<10000xf32, #tpu.memory_space<hbm>>
      %dma_start3A_15 = arith.constant 0 : i32
      %dma_start3A_16 = tpu.memref_slice %arg9[%add3A, %dma_start3A_15] : memref<32x10000xf32, #tpu.memory_space<hbm>> -> memref<1x10000xf32, #tpu.memory_space<hbm>>
      %dma_start3A_17 = tpu.memref_squeeze %dma_start3A_16 : memref<1x10000xf32, #tpu.memory_space<hbm>> -> memref<10000xf32, #tpu.memory_space<hbm>>
      tpu.enqueue_dma source(%arg20 : memref<10000xf32, #tpu.memory_space<vmem>>) target(%dma_start3A_17 : memref<10000xf32, #tpu.memory_space<hbm>>) target_semaphore(%run_scoped3A : memref<!tpu.dma_semaphore, #tpu.memory_space<semaphore_mem>>)
      %dma_wait3A = arith.constant 0 : i32
      %dma_wait3A_18 = tpu.memref_slice %arg9[%add3A, %dma_wait3A] : memref<32x10000xf32, #tpu.memory_space<hbm>> -> memref<1x10000xf32, #tpu.memory_space<hbm>>
      %dma_wait3A_19 = tpu.memref_squeeze %dma_wait3A_18 : memref<1x10000xf32, #tpu.memory_space<hbm>> -> memref<10000xf32, #tpu.memory_space<hbm>>
      %dma_wait3A_20 = arith.constant 0 : i32
      %dma_wait3A_21 = tpu.memref_slice %arg9[%add3A, %dma_wait3A_20] : memref<32x10000xf32, #tpu.memory_space<hbm>> -> memref<1x10000xf32, #tpu.memory_space<hbm>>
      %dma_wait3A_22 = tpu.memref_squeeze %dma_wait3A_21 : memref<1x10000xf32, #tpu.memory_space<hbm>> -> memref<10000xf32, #tpu.memory_space<hbm>>
      tpu.wait_dma2 semaphore(%run_scoped3A : memref<!tpu.dma_semaphore, #tpu.memory_space<semaphore_mem>>) src(%arg20 : memref<10000xf32, #tpu.memory_space<vmem>>) dst(%dma_wait3A_22 : memref<10000xf32, #tpu.memory_space<hbm>>)
      tpu.yield
    }) : () -> ()
    "tpu.region"() ({
      %run_scoped3A = tpu.sem_alloc : memref<!tpu.dma_semaphore, #tpu.memory_space<semaphore_mem>>
      %dma_start3A = arith.constant 0 : i32
      %dma_start3A_13 = tpu.memref_slice %arg10[%add3A, %dma_start3A] : memref<32x10000xf32, #tpu.memory_space<hbm>> -> memref<1x10000xf32, #tpu.memory_space<hbm>>
      %dma_start3A_14 = tpu.memref_squeeze %dma_start3A_13 : memref<1x10000xf32, #tpu.memory_space<hbm>> -> memref<10000xf32, #tpu.memory_space<hbm>>
      %dma_start3A_15 = arith.constant 0 : i32
      %dma_start3A_16 = tpu.memref_slice %arg10[%add3A, %dma_start3A_15] : memref<32x10000xf32, #tpu.memory_space<hbm>> -> memref<1x10000xf32, #tpu.memory_space<hbm>>
      %dma_start3A_17 = tpu.memref_squeeze %dma_start3A_16 : memref<1x10000xf32, #tpu.memory_space<hbm>> -> memref<10000xf32, #tpu.memory_space<hbm>>
      tpu.enqueue_dma source(%arg21 : memref<10000xf32, #tpu.memory_space<vmem>>) target(%dma_start3A_17 : memref<10000xf32, #tpu.memory_space<hbm>>) target_semaphore(%run_scoped3A : memref<!tpu.dma_semaphore, #tpu.memory_space<semaphore_mem>>)
      %dma_wait3A = arith.constant 0 : i32
      %dma_wait3A_18 = tpu.memref_slice %arg10[%add3A, %dma_wait3A] : memref<32x10000xf32, #tpu.memory_space<hbm>> -> memref<1x10000xf32, #tpu.memory_space<hbm>>
      %dma_wait3A_19 = tpu.memref_squeeze %dma_wait3A_18 : memref<1x10000xf32, #tpu.memory_space<hbm>> -> memref<10000xf32, #tpu.memory_space<hbm>>
      %dma_wait3A_20 = arith.constant 0 : i32
      %dma_wait3A_21 = tpu.memref_slice %arg10[%add3A, %dma_wait3A_20] : memref<32x10000xf32, #tpu.memory_space<hbm>> -> memref<1x10000xf32, #tpu.memory_space<hbm>>
      %dma_wait3A_22 = tpu.memref_squeeze %dma_wait3A_21 : memref<1x10000xf32, #tpu.memory_space<hbm>> -> memref<10000xf32, #tpu.memory_space<hbm>>
      tpu.wait_dma2 semaphore(%run_scoped3A : memref<!tpu.dma_semaphore, #tpu.memory_space<semaphore_mem>>) src(%arg21 : memref<10000xf32, #tpu.memory_space<vmem>>) dst(%dma_wait3A_22 : memref<10000xf32, #tpu.memory_space<hbm>>)
      tpu.yield
    }) : () -> ()
    "tpu.region"() ({
      %run_scoped3A = tpu.sem_alloc : memref<!tpu.dma_semaphore, #tpu.memory_space<semaphore_mem>>
      %dma_start3A = arith.constant 0 : i32
      %dma_start3A_13 = tpu.memref_slice %arg11[%add3A, %dma_start3A] : memref<32x10000xf32, #tpu.memory_space<hbm>> -> memref<1x10000xf32, #tpu.memory_space<hbm>>
      %dma_start3A_14 = tpu.memref_squeeze %dma_start3A_13 : memref<1x10000xf32, #tpu.memory_space<hbm>> -> memref<10000xf32, #tpu.memory_space<hbm>>
      %dma_start3A_15 = arith.constant 0 : i32
      %dma_start3A_16 = tpu.memref_slice %arg11[%add3A, %dma_start3A_15] : memref<32x10000xf32, #tpu.memory_space<hbm>> -> memref<1x10000xf32, #tpu.memory_space<hbm>>
      %dma_start3A_17 = tpu.memref_squeeze %dma_start3A_16 : memref<1x10000xf32, #tpu.memory_space<hbm>> -> memref<10000xf32, #tpu.memory_space<hbm>>
      tpu.enqueue_dma source(%arg22 : memref<10000xf32, #tpu.memory_space<vmem>>) target(%dma_start3A_17 : memref<10000xf32, #tpu.memory_space<hbm>>) target_semaphore(%run_scoped3A : memref<!tpu.dma_semaphore, #tpu.memory_space<semaphore_mem>>)
      %dma_wait3A = arith.constant 0 : i32
      %dma_wait3A_18 = tpu.memref_slice %arg11[%add3A, %dma_wait3A] : memref<32x10000xf32, #tpu.memory_space<hbm>> -> memref<1x10000xf32, #tpu.memory_space<hbm>>
      %dma_wait3A_19 = tpu.memref_squeeze %dma_wait3A_18 : memref<1x10000xf32, #tpu.memory_space<hbm>> -> memref<10000xf32, #tpu.memory_space<hbm>>
      %dma_wait3A_20 = arith.constant 0 : i32
      %dma_wait3A_21 = tpu.memref_slice %arg11[%add3A, %dma_wait3A_20] : memref<32x10000xf32, #tpu.memory_space<hbm>> -> memref<1x10000xf32, #tpu.memory_space<hbm>>
      %dma_wait3A_22 = tpu.memref_squeeze %dma_wait3A_21 : memref<1x10000xf32, #tpu.memory_space<hbm>> -> memref<10000xf32, #tpu.memory_space<hbm>>
      tpu.wait_dma2 semaphore(%run_scoped3A : memref<!tpu.dma_semaphore, #tpu.memory_space<semaphore_mem>>) src(%arg22 : memref<10000xf32, #tpu.memory_space<vmem>>) dst(%dma_wait3A_22 : memref<10000xf32, #tpu.memory_space<hbm>>)
      tpu.yield
    }) : () -> ()
    "tpu.region"() ({
      %run_scoped3A = tpu.sem_alloc : memref<!tpu.dma_semaphore, #tpu.memory_space<semaphore_mem>>
      %dma_start3A = arith.constant 0 : i32
      %dma_start3A_13 = tpu.memref_slice %arg12[%add3A, %dma_start3A] : memref<32x10000xf32, #tpu.memory_space<hbm>> -> memref<1x10000xf32, #tpu.memory_space<hbm>>
      %dma_start3A_14 = tpu.memref_squeeze %dma_start3A_13 : memref<1x10000xf32, #tpu.memory_space<hbm>> -> memref<10000xf32, #tpu.memory_space<hbm>>
      %dma_start3A_15 = arith.constant 0 : i32
      %dma_start3A_16 = tpu.memref_slice %arg12[%add3A, %dma_start3A_15] : memref<32x10000xf32, #tpu.memory_space<hbm>> -> memref<1x10000xf32, #tpu.memory_space<hbm>>
      %dma_start3A_17 = tpu.memref_squeeze %dma_start3A_16 : memref<1x10000xf32, #tpu.memory_space<hbm>> -> memref<10000xf32, #tpu.memory_space<hbm>>
      tpu.enqueue_dma source(%arg23 : memref<10000xf32, #tpu.memory_space<vmem>>) target(%dma_start3A_17 : memref<10000xf32, #tpu.memory_space<hbm>>) target_semaphore(%run_scoped3A : memref<!tpu.dma_semaphore, #tpu.memory_space<semaphore_mem>>)
      %dma_wait3A = arith.constant 0 : i32
      %dma_wait3A_18 = tpu.memref_slice %arg12[%add3A, %dma_wait3A] : memref<32x10000xf32, #tpu.memory_space<hbm>> -> memref<1x10000xf32, #tpu.memory_space<hbm>>
      %dma_wait3A_19 = tpu.memref_squeeze %dma_wait3A_18 : memref<1x10000xf32, #tpu.memory_space<hbm>> -> memref<10000xf32, #tpu.memory_space<hbm>>
      %dma_wait3A_20 = arith.constant 0 : i32
      %dma_wait3A_21 = tpu.memref_slice %arg12[%add3A, %dma_wait3A_20] : memref<32x10000xf32, #tpu.memory_space<hbm>> -> memref<1x10000xf32, #tpu.memory_space<hbm>>
      %dma_wait3A_22 = tpu.memref_squeeze %dma_wait3A_21 : memref<1x10000xf32, #tpu.memory_space<hbm>> -> memref<10000xf32, #tpu.memory_space<hbm>>
      tpu.wait_dma2 semaphore(%run_scoped3A : memref<!tpu.dma_semaphore, #tpu.memory_space<semaphore_mem>>) src(%arg23 : memref<10000xf32, #tpu.memory_space<vmem>>) dst(%dma_wait3A_22 : memref<10000xf32, #tpu.memory_space<hbm>>)
      tpu.yield
    }) : () -> ()
    return
  }
}

module attributes {stable_mosaic.version = 14 : i64} {
  func.func @_escore_body(%arg0: i32, %arg1: memref<5000x128xf32, #tpu.memory_space<vmem>>, %arg2: memref<16x128xf32, #tpu.memory_space<vmem>>, %arg3: memref<128xf32, #tpu.memory_space<vmem>>, %arg4: memref<16x128xf32, #tpu.memory_space<vmem>>, %arg5: memref<128xf32, #tpu.memory_space<vmem>>, %arg6: memref<5000x8xf32, #tpu.memory_space<vmem>>, %arg7: memref<5000x8xf32, #tpu.memory_space<vmem>>) attributes {dimension_semantics = [#tpu.dimension_semantics<arbitrary>], iteration_bounds = array<i64: 8>, scalar_prefetch = 0 : i64, scratch_operands = 0 : i64, tpu.core_type = #tpu.core_type<tc>, window_params = [{transform_indices = @transform_0, window_bounds = array<i64: 5000, 128>}, {pipeline_mode = #tpu.pipeline_mode<synchronous>, transform_indices = @transform_1, window_bounds = array<i64: 16, 128>}, {pipeline_mode = #tpu.pipeline_mode<synchronous>, transform_indices = @transform_2, window_bounds = array<i64: 128>}, {pipeline_mode = #tpu.pipeline_mode<synchronous>, transform_indices = @transform_3, window_bounds = array<i64: 16, 128>}, {pipeline_mode = #tpu.pipeline_mode<synchronous>, transform_indices = @transform_4, window_bounds = array<i64: 128>}, {transform_indices = @transform_5, window_bounds = array<i64: 5000, 8>}, {transform_indices = @transform_6, window_bounds = array<i64: 5000, 8>}]} {
    %get3A = arith.constant 0 : index
    %get3A_0 = arith.constant 0 : index
    %get3A_1 = vector.load %arg2[%get3A, %get3A_0] : memref<16x128xf32, #tpu.memory_space<vmem>>, vector<16x128xf32>
    %concatenate3A = tpu.concatenate %get3A_1, %get3A_1, %get3A_1, %get3A_1, %get3A_1, %get3A_1, %get3A_1, %get3A_1 in 0 : vector<16x128xf32>, vector<16x128xf32>, vector<16x128xf32>, vector<16x128xf32>, vector<16x128xf32>, vector<16x128xf32>, vector<16x128xf32>, vector<16x128xf32> -> vector<128x128xf32>
    %get3A_2 = arith.constant 0 : index
    %get3A_3 = vector.load %arg3[%get3A_2] : memref<128xf32, #tpu.memory_space<vmem>>, vector<128xf32>
    %broadcast_in_dim3A = vector.shape_cast %get3A_3 : vector<128xf32> to vector<1x128xf32>
    %mul3A = vector.broadcast %broadcast_in_dim3A : vector<1x128xf32> to vector<128x128xf32>
    %mul3A_4 = arith.mulf %concatenate3A, %mul3A : vector<128x128xf32>
    %reduce_sum3A = arith.constant dense<0.000000e+00> : vector<128xf32>
    %reduce_sum3A_5 = vector.multi_reduction <add>, %mul3A_4, %reduce_sum3A [1] : vector<128x128xf32> to vector<128xf32>
    %get3A_6 = arith.constant 0 : index
    %get3A_7 = arith.constant 0 : index
    %get3A_8 = vector.load %arg4[%get3A_6, %get3A_7] : memref<16x128xf32, #tpu.memory_space<vmem>>, vector<16x128xf32>
    %concatenate3A_9 = tpu.concatenate %get3A_8, %get3A_8, %get3A_8, %get3A_8, %get3A_8, %get3A_8, %get3A_8, %get3A_8 in 0 : vector<16x128xf32>, vector<16x128xf32>, vector<16x128xf32>, vector<16x128xf32>, vector<16x128xf32>, vector<16x128xf32>, vector<16x128xf32>, vector<16x128xf32> -> vector<128x128xf32>
    %get3A_10 = arith.constant 0 : index
    %get3A_11 = vector.load %arg5[%get3A_10] : memref<128xf32, #tpu.memory_space<vmem>>, vector<128xf32>
    %broadcast_in_dim3A_12 = vector.shape_cast %get3A_11 : vector<128xf32> to vector<1x128xf32>
    %mul3A_13 = vector.broadcast %broadcast_in_dim3A_12 : vector<1x128xf32> to vector<128x128xf32>
    %mul3A_14 = arith.mulf %concatenate3A_9, %mul3A_13 : vector<128x128xf32>
    %reduce_sum3A_15 = arith.constant dense<0.000000e+00> : vector<128xf32>
    %reduce_sum3A_16 = vector.multi_reduction <add>, %mul3A_14, %reduce_sum3A_15 [1] : vector<128x128xf32> to vector<128xf32>
    %iota3A = tpu.iota {dimensions = array<i32: 0>} : vector<128x8xi32>
    %jit3A = arith.constant 16 : i32
    %div3A = vector.broadcast %jit3A : i32 to vector<128x8xi32>
    %div3A_17 = arith.divsi %iota3A, %div3A : vector<128x8xi32>
    %sign3A = arith.constant 0 : i32
    %sign3A_18 = vector.broadcast %sign3A : i32 to vector<128x8xi32>
    %sign3A_19 = arith.cmpi sgt, %iota3A, %sign3A_18 : vector<128x8xi32>
    %sign3A_20 = arith.extui %sign3A_19 : vector<128x8xi1> to vector<128x8xi32>
    %sign3A_21 = arith.constant 0 : i32
    %sign3A_22 = vector.broadcast %sign3A_21 : i32 to vector<128x8xi32>
    %sign3A_23 = arith.cmpi slt, %iota3A, %sign3A_22 : vector<128x8xi32>
    %sign3A_24 = arith.extui %sign3A_23 : vector<128x8xi1> to vector<128x8xi32>
    %sign3A_25 = arith.subi %sign3A_20, %sign3A_24 : vector<128x8xi32>
    %sign3A_26 = arith.constant 0 : i32
    %sign3A_27 = arith.cmpi sgt, %jit3A, %sign3A_26 : i32
    %sign3A_28 = arith.extui %sign3A_27 : i1 to i32
    %sign3A_29 = arith.constant 0 : i32
    %sign3A_30 = arith.cmpi slt, %jit3A, %sign3A_29 : i32
    %sign3A_31 = arith.extui %sign3A_30 : i1 to i32
    %sign3A_32 = arith.subi %sign3A_28, %sign3A_31 : i32
    %ne3A = vector.broadcast %sign3A_32 : i32 to vector<128x8xi32>
    %ne3A_33 = arith.cmpi ne, %sign3A_25, %ne3A : vector<128x8xi32>
    %rem3A = vector.broadcast %jit3A : i32 to vector<128x8xi32>
    %rem3A_34 = arith.remsi %iota3A, %rem3A : vector<128x8xi32>
    %ne3A_35 = arith.constant 0 : i32
    %ne3A_36 = vector.broadcast %ne3A_35 : i32 to vector<128x8xi32>
    %ne3A_37 = arith.cmpi ne, %rem3A_34, %ne3A_36 : vector<128x8xi32>
    %and3A = arith.andi %ne3A_33, %ne3A_37 : vector<128x8xi1>
    %sub3A = arith.constant 1 : i32
    %sub3A_38 = vector.broadcast %sub3A : i32 to vector<128x8xi32>
    %sub3A_39 = arith.subi %div3A_17, %sub3A_38 : vector<128x8xi32>
    %select_n3A = arith.select %and3A, %sub3A_39, %div3A_17 : vector<128x8xi1>, vector<128x8xi32>
    %iota3A_40 = tpu.iota {dimensions = array<i32: 1>} : vector<128x8xi32>
    %eq3A = arith.cmpi eq, %select_n3A, %iota3A_40 : vector<128x8xi32>
    %convert_element_type3A = arith.extui %eq3A : vector<128x8xi1> to vector<128x8xi32>
    %convert_element_type3A_41 = arith.sitofp %convert_element_type3A : vector<128x8xi32> to vector<128x8xf32>
    %broadcast_in_dim3A_42 = vector.shape_cast %reduce_sum3A_5 : vector<128xf32> to vector<128x1xf32>
    %mul3A_43 = vector.broadcast %broadcast_in_dim3A_42 : vector<128x1xf32> to vector<128x8xf32>
    %mul3A_44 = arith.mulf %convert_element_type3A_41, %mul3A_43 : vector<128x8xf32>
    %broadcast_in_dim3A_45 = vector.shape_cast %reduce_sum3A_16 : vector<128xf32> to vector<128x1xf32>
    %mul3A_46 = vector.broadcast %broadcast_in_dim3A_45 : vector<128x1xf32> to vector<128x8xf32>
    %mul3A_47 = arith.mulf %convert_element_type3A_41, %mul3A_46 : vector<128x8xf32>
    %concatenate3A_48 = tpu.concatenate %mul3A_44, %mul3A_47 in 1 : vector<128x8xf32>, vector<128x8xf32> -> vector<128x16xf32>
    %get3A_49 = arith.constant 0 : index
    %get3A_50 = arith.constant 0 : index
    %get3A_51 = vector.load %arg1[%get3A_49, %get3A_50] : memref<5000x128xf32, #tpu.memory_space<vmem>>, vector<5000x128xf32>
    %dot_general3A = arith.constant dense<0.000000e+00> : vector<5000x16xf32>
    %dot_general3A_52 = tpu.matmul %get3A_51, %concatenate3A_48, %dot_general3A {dimension_numbers = #tpu.dot_dimension_numbers<[1], [0], [0], [1], [0, 0, 1, 1], [], []>, transpose_lhs_hint = false} : vector<5000x128xf32>, vector<128x16xf32>, vector<5000x16xf32> -> vector<5000x16xf32>
    %slice3A = vector.extract_strided_slice %dot_general3A_52 {offsets = [0, 0], sizes = [5000, 8], strides = [1, 1]} : vector<5000x16xf32> to vector<5000x8xf32>
    %swap3A = arith.constant 0 : index
    %swap3A_53 = arith.constant 0 : index
    %swap3A_54 = vector.load %arg6[%swap3A, %swap3A_53] : memref<5000x8xf32, #tpu.memory_space<vmem>>, vector<5000x8xf32>
    tpu.vector_store %arg6[%swap3A, %swap3A_53], %slice3A {strides = array<i32>} : memref<5000x8xf32, #tpu.memory_space<vmem>>, vector<5000x8xf32>,
    %slice3A_55 = vector.extract_strided_slice %dot_general3A_52 {offsets = [0, 8], sizes = [5000, 8], strides = [1, 1]} : vector<5000x16xf32> to vector<5000x8xf32>
    %swap3A_56 = arith.constant 0 : index
    %swap3A_57 = arith.constant 0 : index
    %swap3A_58 = vector.load %arg7[%swap3A_56, %swap3A_57] : memref<5000x8xf32, #tpu.memory_space<vmem>>, vector<5000x8xf32>
    tpu.vector_store %arg7[%swap3A_56, %swap3A_57], %slice3A_55 {strides = array<i32>} : memref<5000x8xf32, #tpu.memory_space<vmem>>, vector<5000x8xf32>,
    return
  }
  func.func @transform_0(%arg0: i32) -> (i32, i32) {
    %c0_i32 = arith.constant 0 : i32
    %c0_i32_0 = arith.constant 0 : i32
    return %arg0, %c0_i32 : i32, i32
  }
  func.func @transform_1(%arg0: i32) -> (i32, i32) {
    %c0_i32 = arith.constant 0 : i32
    %c0_i32_0 = arith.constant 0 : i32
    %c0_i32_1 = arith.constant 0 : i32
    return %c0_i32, %c0_i32_0 : i32, i32
  }
  func.func @transform_2(%arg0: i32) -> i32 {
    %c0_i32 = arith.constant 0 : i32
    %c0_i32_0 = arith.constant 0 : i32
    return %c0_i32 : i32
  }
  func.func @transform_3(%arg0: i32) -> (i32, i32) {
    %c0_i32 = arith.constant 0 : i32
    %c0_i32_0 = arith.constant 0 : i32
    %c0_i32_1 = arith.constant 0 : i32
    return %c0_i32, %c0_i32_0 : i32, i32
  }
  func.func @transform_4(%arg0: i32) -> i32 {
    %c0_i32 = arith.constant 0 : i32
    %c0_i32_0 = arith.constant 0 : i32
    return %c0_i32 : i32
  }
  func.func @transform_5(%arg0: i32) -> (i32, i32) {
    %c0_i32 = arith.constant 0 : i32
    %c0_i32_0 = arith.constant 0 : i32
    return %arg0, %c0_i32 : i32, i32
  }
  func.func @transform_6(%arg0: i32) -> (i32, i32) {
    %c0_i32 = arith.constant 0 : i32
    %c0_i32_0 = arith.constant 0 : i32
    return %arg0, %c0_i32 : i32, i32
  }
}

module attributes {stable_mosaic.version = 14 : i64} {
  func.func @_prep_body(%arg0: memref<10000x128xf32, #tpu.memory_space<vmem>>, %arg1: memref<128x128xf32, #tpu.memory_space<vmem>>, %arg2: memref<128xf32, #tpu.memory_space<vmem>>, %arg3: memref<128xf32, #tpu.memory_space<vmem>>, %arg4: memref<10000x128xf32, #tpu.memory_space<vmem>>, %arg5: memref<10000xf32, #tpu.memory_space<vmem>>, %arg6: memref<10000xf32, #tpu.memory_space<vmem>>) attributes {dimension_semantics = [], scalar_prefetch = 0 : i64, scratch_operands = 0 : i64, tpu.core_type = #tpu.core_type<tc>} {
    %get3A = arith.constant 0 : index
    %get3A_0 = arith.constant 0 : index
    %get3A_1 = vector.load %arg0[%get3A, %get3A_0] : memref<10000x128xf32, #tpu.memory_space<vmem>>, vector<10000x128xf32>
    %get3A_2 = arith.constant 0 : index
    %get3A_3 = arith.constant 0 : index
    %get3A_4 = vector.load %arg1[%get3A_2, %get3A_3] : memref<128x128xf32, #tpu.memory_space<vmem>>, vector<128x128xf32>
    %dot_general3A = arith.constant dense<0.000000e+00> : vector<10000x128xf32>
    %dot_general3A_5 = tpu.matmul %get3A_1, %get3A_4, %dot_general3A {dimension_numbers = #tpu.dot_dimension_numbers<[1], [0], [0], [1], [0, 0, 1, 1], [], []>, transpose_lhs_hint = false} : vector<10000x128xf32>, vector<128x128xf32>, vector<10000x128xf32> -> vector<10000x128xf32>
    %swap3A = arith.constant 0 : index
    %swap3A_6 = arith.constant 0 : index
    %swap3A_7 = vector.load %arg4[%swap3A, %swap3A_6] : memref<10000x128xf32, #tpu.memory_space<vmem>>, vector<10000x128xf32>
    tpu.vector_store %arg4[%swap3A, %swap3A_6], %dot_general3A_5 {strides = array<i32>} : memref<10000x128xf32, #tpu.memory_space<vmem>>, vector<10000x128xf32>,
    %get3A_8 = arith.constant 0 : index
    %get3A_9 = vector.load %arg2[%get3A_8] : memref<128xf32, #tpu.memory_space<vmem>>, vector<128xf32>
    %broadcast_in_dim3A = vector.shape_cast %get3A_9 : vector<128xf32> to vector<1x128xf32>
    %mul3A = vector.broadcast %broadcast_in_dim3A : vector<1x128xf32> to vector<10000x128xf32>
    %mul3A_10 = arith.mulf %dot_general3A_5, %mul3A : vector<10000x128xf32>
    %reduce_sum3A = arith.constant dense<0.000000e+00> : vector<10000xf32>
    %reduce_sum3A_11 = vector.multi_reduction <add>, %mul3A_10, %reduce_sum3A [1] : vector<10000x128xf32> to vector<10000xf32>
    %swap3A_12 = arith.constant 0 : index
    %swap3A_13 = vector.load %arg5[%swap3A_12] : memref<10000xf32, #tpu.memory_space<vmem>>, vector<10000xf32>
    tpu.vector_store %arg5[%swap3A_12], %reduce_sum3A_11 {strides = array<i32>} : memref<10000xf32, #tpu.memory_space<vmem>>, vector<10000xf32>,
    %get3A_14 = arith.constant 0 : index
    %get3A_15 = vector.load %arg3[%get3A_14] : memref<128xf32, #tpu.memory_space<vmem>>, vector<128xf32>
    %broadcast_in_dim3A_16 = vector.shape_cast %get3A_15 : vector<128xf32> to vector<1x128xf32>
    %mul3A_17 = vector.broadcast %broadcast_in_dim3A_16 : vector<1x128xf32> to vector<10000x128xf32>
    %mul3A_18 = arith.mulf %dot_general3A_5, %mul3A_17 : vector<10000x128xf32>
    %reduce_sum3A_19 = arith.constant dense<0.000000e+00> : vector<10000xf32>
    %reduce_sum3A_20 = vector.multi_reduction <add>, %mul3A_18, %reduce_sum3A_19 [1] : vector<10000x128xf32> to vector<10000xf32>
    %swap3A_21 = arith.constant 0 : index
    %swap3A_22 = vector.load %arg6[%swap3A_21] : memref<10000xf32, #tpu.memory_space<vmem>>, vector<10000xf32>
    tpu.vector_store %arg6[%swap3A_21], %reduce_sum3A_20 {strides = array<i32>} : memref<10000xf32, #tpu.memory_space<vmem>>, vector<10000xf32>,
    return
  }
}

module attributes {stable_mosaic.version = 14 : i64} {
  func.func @_mid_body(%arg0: memref<2x10000x128xf32, #tpu.memory_space<vmem>>, %arg1: memref<32x10000xf32, #tpu.memory_space<vmem>>, %arg2: memref<32x10000xf32, #tpu.memory_space<vmem>>, %arg3: memref<32x10000xf32, #tpu.memory_space<vmem>>, %arg4: memref<10000x128xf32, #tpu.memory_space<vmem>>, %arg5: memref<10000xf32, #tpu.memory_space<vmem>>, %arg6: memref<10000xf32, #tpu.memory_space<vmem>>, %arg7: memref<128xf32, #tpu.memory_space<vmem>>, %arg8: memref<128x128xf32, #tpu.memory_space<vmem>>, %arg9: memref<128xf32, #tpu.memory_space<vmem>>, %arg10: memref<128xf32, #tpu.memory_space<vmem>>, %arg11: memref<10000x128xf32, #tpu.memory_space<vmem>>, %arg12: memref<10000xf32, #tpu.memory_space<vmem>>, %arg13: memref<10000xf32, #tpu.memory_space<vmem>>, %arg14: memref<10000xf32, #tpu.memory_space<vmem>>) attributes {dimension_semantics = [], scalar_prefetch = 0 : i64, scratch_operands = 0 : i64, tpu.core_type = #tpu.core_type<tc>} {
    %get3A = arith.constant 0 : index
    %get3A_0 = arith.constant 0 : index
    %get3A_1 = vector.load %arg1[%get3A, %get3A_0] : memref<32x10000xf32, #tpu.memory_space<vmem>>, vector<32x10000xf32>
    %reduce_sum3A = arith.constant dense<0.000000e+00> : vector<10000xf32>
    %reduce_sum3A_2 = vector.multi_reduction <add>, %get3A_1, %reduce_sum3A [0] : vector<32x10000xf32> to vector<10000xf32>
    %get3A_3 = arith.constant 0 : index
    %get3A_4 = arith.constant 0 : index
    %get3A_5 = vector.load %arg2[%get3A_3, %get3A_4] : memref<32x10000xf32, #tpu.memory_space<vmem>>, vector<32x10000xf32>
    %reduce_sum3A_6 = arith.constant dense<0.000000e+00> : vector<10000xf32>
    %reduce_sum3A_7 = vector.multi_reduction <add>, %get3A_5, %reduce_sum3A_6 [0] : vector<32x10000xf32> to vector<10000xf32>
    %get3A_8 = arith.constant 0 : index
    %get3A_9 = arith.constant 0 : index
    %get3A_10 = vector.load %arg3[%get3A_8, %get3A_9] : memref<32x10000xf32, #tpu.memory_space<vmem>>, vector<32x10000xf32>
    %reduce_sum3A_11 = arith.constant dense<0.000000e+00> : vector<10000xf32>
    %reduce_sum3A_12 = vector.multi_reduction <add>, %get3A_10, %reduce_sum3A_11 [0] : vector<32x10000xf32> to vector<10000xf32>
    %get3A_13 = arith.constant 0 : index
    %get3A_14 = arith.constant 0 : index
    %get3A_15 = arith.constant 0 : index
    %get3A_16 = vector.load %arg0[%get3A_13, %get3A_14, %get3A_15] : memref<2x10000x128xf32, #tpu.memory_space<vmem>>, vector<1x10000x128xf32>
    %get3A_17 = vector.shape_cast %get3A_16 : vector<1x10000x128xf32> to vector<10000x128xf32>
    %get3A_18 = arith.constant 1 : index
    %get3A_19 = arith.constant 0 : index
    %get3A_20 = arith.constant 0 : index
    %get3A_21 = vector.load %arg0[%get3A_18, %get3A_19, %get3A_20] : memref<2x10000x128xf32, #tpu.memory_space<vmem>>, vector<1x10000x128xf32>
    %get3A_22 = vector.shape_cast %get3A_21 : vector<1x10000x128xf32> to vector<10000x128xf32>
    %add3A = arith.addf %get3A_17, %get3A_22 : vector<10000x128xf32>
    %get3A_23 = arith.constant 0 : index
    %get3A_24 = vector.load %arg5[%get3A_23] : memref<10000xf32, #tpu.memory_space<vmem>>, vector<10000xf32>
    %get3A_25 = arith.constant 0 : index
    %get3A_26 = vector.load %arg6[%get3A_25] : memref<10000xf32, #tpu.memory_space<vmem>>, vector<10000xf32>
    %add3A_27 = arith.addf %get3A_24, %get3A_26 : vector<10000xf32>
    %max3A = arith.constant 1.000000e+00 : f32
    %max3A_28 = vector.broadcast %max3A : f32 to vector<10000xf32>
    %max3A_29 = arith.maximumf %reduce_sum3A_7, %max3A_28 : vector<10000xf32>
    %div3A = arith.divf %reduce_sum3A_12, %max3A_29 : vector<10000xf32>
    %add3A_30 = arith.addf %add3A_27, %div3A : vector<10000xf32>
    %gt3A = arith.constant 0.000000e+00 : f32
    %gt3A_31 = vector.broadcast %gt3A : f32 to vector<10000xf32>
    %gt3A_32 = arith.cmpf ogt, %add3A_30, %gt3A_31 : vector<10000xf32>
    %mul3A = arith.constant 2.000000e-01 : f32
    %mul3A_33 = vector.broadcast %mul3A : f32 to vector<10000xf32>
    %mul3A_34 = arith.mulf %mul3A_33, %add3A_30 : vector<10000xf32>
    %select_n3A = arith.select %gt3A_32, %add3A_30, %mul3A_34 : vector<10000xi1>, vector<10000xf32>
    %exp3A = math.exp %select_n3A : vector<10000xf32>
    %get3A_35 = arith.constant 0 : index
    %get3A_36 = arith.constant 0 : index
    %get3A_37 = vector.load %arg4[%get3A_35, %get3A_36] : memref<10000x128xf32, #tpu.memory_space<vmem>>, vector<10000x128xf32>
    %broadcast_in_dim3A = vector.shape_cast %exp3A : vector<10000xf32> to vector<10000x1xf32>
    %mul3A_38 = vector.broadcast %broadcast_in_dim3A : vector<10000x1xf32> to vector<10000x128xf32>
    %mul3A_39 = arith.mulf %mul3A_38, %get3A_37 : vector<10000x128xf32>
    %add3A_40 = arith.addf %add3A, %mul3A_39 : vector<10000x128xf32>
    %add3A_41 = arith.addf %reduce_sum3A_2, %exp3A : vector<10000xf32>
    %add3A_42 = arith.constant 1.000000e-16 : f32
    %add3A_43 = vector.broadcast %add3A_42 : f32 to vector<10000xf32>
    %add3A_44 = arith.addf %add3A_41, %add3A_43 : vector<10000xf32>
    %broadcast_in_dim3A_45 = vector.shape_cast %add3A_44 : vector<10000xf32> to vector<10000x1xf32>
    %div3A_46 = vector.broadcast %broadcast_in_dim3A_45 : vector<10000x1xf32> to vector<10000x128xf32>
    %div3A_47 = arith.divf %add3A_40, %div3A_46 : vector<10000x128xf32>
    %get3A_48 = arith.constant 0 : index
    %get3A_49 = vector.load %arg7[%get3A_48] : memref<128xf32, #tpu.memory_space<vmem>>, vector<128xf32>
    %broadcast_in_dim3A_50 = vector.shape_cast %get3A_49 : vector<128xf32> to vector<1x128xf32>
    %add3A_51 = vector.broadcast %broadcast_in_dim3A_50 : vector<1x128xf32> to vector<10000x128xf32>
    %add3A_52 = arith.addf %div3A_47, %add3A_51 : vector<10000x128xf32>
    %max3A_53 = arith.constant 0.000000e+00 : f32
    %max3A_54 = vector.broadcast %max3A_53 : f32 to vector<10000x128xf32>
    %max3A_55 = arith.maximumf %add3A_52, %max3A_54 : vector<10000x128xf32>
    %get3A_56 = arith.constant 0 : index
    %get3A_57 = arith.constant 0 : index
    %get3A_58 = vector.load %arg8[%get3A_56, %get3A_57] : memref<128x128xf32, #tpu.memory_space<vmem>>, vector<128x128xf32>
    %dot_general3A = arith.constant dense<0.000000e+00> : vector<10000x128xf32>
    %dot_general3A_59 = tpu.matmul %max3A_55, %get3A_58, %dot_general3A {dimension_numbers = #tpu.dot_dimension_numbers<[1], [0], [0], [1], [0, 0, 1, 1], [], []>, transpose_lhs_hint = false} : vector<10000x128xf32>, vector<128x128xf32>, vector<10000x128xf32> -> vector<10000x128xf32>
    %swap3A = arith.constant 0 : index
    %swap3A_60 = arith.constant 0 : index
    %swap3A_61 = vector.load %arg11[%swap3A, %swap3A_60] : memref<10000x128xf32, #tpu.memory_space<vmem>>, vector<10000x128xf32>
    tpu.vector_store %arg11[%swap3A, %swap3A_60], %dot_general3A_59 {strides = array<i32>} : memref<10000x128xf32, #tpu.memory_space<vmem>>, vector<10000x128xf32>,
    %get3A_62 = arith.constant 0 : index
    %get3A_63 = vector.load %arg9[%get3A_62] : memref<128xf32, #tpu.memory_space<vmem>>, vector<128xf32>
    %broadcast_in_dim3A_64 = vector.shape_cast %get3A_63 : vector<128xf32> to vector<1x128xf32>
    %mul3A_65 = vector.broadcast %broadcast_in_dim3A_64 : vector<1x128xf32> to vector<10000x128xf32>
    %mul3A_66 = arith.mulf %dot_general3A_59, %mul3A_65 : vector<10000x128xf32>
    %reduce_sum3A_67 = arith.constant dense<0.000000e+00> : vector<10000xf32>
    %reduce_sum3A_68 = vector.multi_reduction <add>, %mul3A_66, %reduce_sum3A_67 [1] : vector<10000x128xf32> to vector<10000xf32>
    %swap3A_69 = arith.constant 0 : index
    %swap3A_70 = vector.load %arg12[%swap3A_69] : memref<10000xf32, #tpu.memory_space<vmem>>, vector<10000xf32>
    tpu.vector_store %arg12[%swap3A_69], %reduce_sum3A_68 {strides = array<i32>} : memref<10000xf32, #tpu.memory_space<vmem>>, vector<10000xf32>,
    %get3A_71 = arith.constant 0 : index
    %get3A_72 = vector.load %arg10[%get3A_71] : memref<128xf32, #tpu.memory_space<vmem>>, vector<128xf32>
    %broadcast_in_dim3A_73 = vector.shape_cast %get3A_72 : vector<128xf32> to vector<1x128xf32>
    %mul3A_74 = vector.broadcast %broadcast_in_dim3A_73 : vector<1x128xf32> to vector<10000x128xf32>
    %mul3A_75 = arith.mulf %dot_general3A_59, %mul3A_74 : vector<10000x128xf32>
    %reduce_sum3A_76 = arith.constant dense<0.000000e+00> : vector<10000xf32>
    %reduce_sum3A_77 = vector.multi_reduction <add>, %mul3A_75, %reduce_sum3A_76 [1] : vector<10000x128xf32> to vector<10000xf32>
    %swap3A_78 = arith.constant 0 : index
    %swap3A_79 = vector.load %arg13[%swap3A_78] : memref<10000xf32, #tpu.memory_space<vmem>>, vector<10000xf32>
    tpu.vector_store %arg13[%swap3A_78], %reduce_sum3A_77 {strides = array<i32>} : memref<10000xf32, #tpu.memory_space<vmem>>, vector<10000xf32>,
    %swap3A_80 = arith.constant 0 : index
    %swap3A_81 = vector.load %arg14[%swap3A_80] : memref<10000xf32, #tpu.memory_space<vmem>>, vector<10000xf32>
    tpu.vector_store %arg14[%swap3A_80], %reduce_sum3A_7 {strides = array<i32>} : memref<10000xf32, #tpu.memory_space<vmem>>, vector<10000xf32>,
    return
  }
}

module attributes {stable_mosaic.version = 14 : i64} {
  func.func @_final_body(%arg0: memref<2x10000x128xf32, #tpu.memory_space<vmem>>, %arg1: memref<32x10000xf32, #tpu.memory_space<vmem>>, %arg2: memref<32x10000xf32, #tpu.memory_space<vmem>>, %arg3: memref<10000xf32, #tpu.memory_space<vmem>>, %arg4: memref<10000x128xf32, #tpu.memory_space<vmem>>, %arg5: memref<10000xf32, #tpu.memory_space<vmem>>, %arg6: memref<10000xf32, #tpu.memory_space<vmem>>, %arg7: memref<128xf32, #tpu.memory_space<vmem>>, %arg8: memref<10000xi32, #tpu.memory_space<vmem>>, %arg9: memref<128x1xf32, #tpu.memory_space<vmem>>, %arg10: memref<1xf32, #tpu.memory_space<vmem>>, %arg11: memref<128x128xf32, #tpu.memory_space<vmem>>, %arg12: memref<128xf32, #tpu.memory_space<vmem>>, %arg13: memref<64x128xf32, #tpu.memory_space<vmem>>) attributes {dimension_semantics = [], scalar_prefetch = 0 : i64, scratch_operands = 0 : i64, tpu.core_type = #tpu.core_type<tc>} {
    %get3A = arith.constant 0 : index
    %get3A_0 = arith.constant 0 : index
    %get3A_1 = vector.load %arg1[%get3A, %get3A_0] : memref<32x10000xf32, #tpu.memory_space<vmem>>, vector<32x10000xf32>
    %reduce_sum3A = arith.constant dense<0.000000e+00> : vector<10000xf32>
    %reduce_sum3A_2 = vector.multi_reduction <add>, %get3A_1, %reduce_sum3A [0] : vector<32x10000xf32> to vector<10000xf32>
    %get3A_3 = arith.constant 0 : index
    %get3A_4 = arith.constant 0 : index
    %get3A_5 = vector.load %arg2[%get3A_3, %get3A_4] : memref<32x10000xf32, #tpu.memory_space<vmem>>, vector<32x10000xf32>
    %reduce_sum3A_6 = arith.constant dense<0.000000e+00> : vector<10000xf32>
    %reduce_sum3A_7 = vector.multi_reduction <add>, %get3A_5, %reduce_sum3A_6 [0] : vector<32x10000xf32> to vector<10000xf32>
    %get3A_8 = arith.constant 0 : index
    %get3A_9 = arith.constant 0 : index
    %get3A_10 = arith.constant 0 : index
    %get3A_11 = vector.load %arg0[%get3A_8, %get3A_9, %get3A_10] : memref<2x10000x128xf32, #tpu.memory_space<vmem>>, vector<1x10000x128xf32>
    %get3A_12 = vector.shape_cast %get3A_11 : vector<1x10000x128xf32> to vector<10000x128xf32>
    %get3A_13 = arith.constant 1 : index
    %get3A_14 = arith.constant 0 : index
    %get3A_15 = arith.constant 0 : index
    %get3A_16 = vector.load %arg0[%get3A_13, %get3A_14, %get3A_15] : memref<2x10000x128xf32, #tpu.memory_space<vmem>>, vector<1x10000x128xf32>
    %get3A_17 = vector.shape_cast %get3A_16 : vector<1x10000x128xf32> to vector<10000x128xf32>
    %add3A = arith.addf %get3A_12, %get3A_17 : vector<10000x128xf32>
    %get3A_18 = arith.constant 0 : index
    %get3A_19 = vector.load %arg5[%get3A_18] : memref<10000xf32, #tpu.memory_space<vmem>>, vector<10000xf32>
    %get3A_20 = arith.constant 0 : index
    %get3A_21 = vector.load %arg6[%get3A_20] : memref<10000xf32, #tpu.memory_space<vmem>>, vector<10000xf32>
    %add3A_22 = arith.addf %get3A_19, %get3A_21 : vector<10000xf32>
    %get3A_23 = arith.constant 0 : index
    %get3A_24 = vector.load %arg3[%get3A_23] : memref<10000xf32, #tpu.memory_space<vmem>>, vector<10000xf32>
    %max3A = arith.constant 1.000000e+00 : f32
    %max3A_25 = vector.broadcast %max3A : f32 to vector<10000xf32>
    %max3A_26 = arith.maximumf %get3A_24, %max3A_25 : vector<10000xf32>
    %div3A = arith.divf %reduce_sum3A_7, %max3A_26 : vector<10000xf32>
    %add3A_27 = arith.addf %add3A_22, %div3A : vector<10000xf32>
    %gt3A = arith.constant 0.000000e+00 : f32
    %gt3A_28 = vector.broadcast %gt3A : f32 to vector<10000xf32>
    %gt3A_29 = arith.cmpf ogt, %add3A_27, %gt3A_28 : vector<10000xf32>
    %mul3A = arith.constant 2.000000e-01 : f32
    %mul3A_30 = vector.broadcast %mul3A : f32 to vector<10000xf32>
    %mul3A_31 = arith.mulf %mul3A_30, %add3A_27 : vector<10000xf32>
    %select_n3A = arith.select %gt3A_29, %add3A_27, %mul3A_31 : vector<10000xi1>, vector<10000xf32>
    %exp3A = math.exp %select_n3A : vector<10000xf32>
    %get3A_32 = arith.constant 0 : index
    %get3A_33 = arith.constant 0 : index
    %get3A_34 = vector.load %arg4[%get3A_32, %get3A_33] : memref<10000x128xf32, #tpu.memory_space<vmem>>, vector<10000x128xf32>
    %broadcast_in_dim3A = vector.shape_cast %exp3A : vector<10000xf32> to vector<10000x1xf32>
    %mul3A_35 = vector.broadcast %broadcast_in_dim3A : vector<10000x1xf32> to vector<10000x128xf32>
    %mul3A_36 = arith.mulf %mul3A_35, %get3A_34 : vector<10000x128xf32>
    %add3A_37 = arith.addf %add3A, %mul3A_36 : vector<10000x128xf32>
    %add3A_38 = arith.addf %reduce_sum3A_2, %exp3A : vector<10000xf32>
    %add3A_39 = arith.constant 1.000000e-16 : f32
    %add3A_40 = vector.broadcast %add3A_39 : f32 to vector<10000xf32>
    %add3A_41 = arith.addf %add3A_38, %add3A_40 : vector<10000xf32>
    %broadcast_in_dim3A_42 = vector.shape_cast %add3A_41 : vector<10000xf32> to vector<10000x1xf32>
    %div3A_43 = vector.broadcast %broadcast_in_dim3A_42 : vector<10000x1xf32> to vector<10000x128xf32>
    %div3A_44 = arith.divf %add3A_37, %div3A_43 : vector<10000x128xf32>
    %get3A_45 = arith.constant 0 : index
    %get3A_46 = vector.load %arg7[%get3A_45] : memref<128xf32, #tpu.memory_space<vmem>>, vector<128xf32>
    %broadcast_in_dim3A_47 = vector.shape_cast %get3A_46 : vector<128xf32> to vector<1x128xf32>
    %add3A_48 = vector.broadcast %broadcast_in_dim3A_47 : vector<1x128xf32> to vector<10000x128xf32>
    %add3A_49 = arith.addf %div3A_44, %add3A_48 : vector<10000x128xf32>
    %get3A_50 = arith.constant 0 : index
    %get3A_51 = arith.constant 0 : index
    %get3A_52 = vector.load %arg9[%get3A_50, %get3A_51] : memref<128x1xf32, #tpu.memory_space<vmem>>, vector<128x1xf32>
    %squeeze3A = vector.shape_cast %get3A_52 : vector<128x1xf32> to vector<128xf32>
    %broadcast_in_dim3A_53 = vector.shape_cast %squeeze3A : vector<128xf32> to vector<1x128xf32>
    %mul3A_54 = vector.broadcast %broadcast_in_dim3A_53 : vector<1x128xf32> to vector<10000x128xf32>
    %mul3A_55 = arith.mulf %add3A_49, %mul3A_54 : vector<10000x128xf32>
    %reduce_sum3A_56 = arith.constant dense<0.000000e+00> : vector<10000xf32>
    %reduce_sum3A_57 = vector.multi_reduction <add>, %mul3A_55, %reduce_sum3A_56 [1] : vector<10000x128xf32> to vector<10000xf32>
    %get3A_58 = arith.constant 0 : index
    %get3A_59 = vector.load %arg10[%get3A_58] : memref<1xf32, #tpu.memory_space<vmem>>, vector<1xf32>
    %get3A_60 = vector.extract %get3A_59[0] : f32 from vector<1xf32>
    %add3A_61 = vector.broadcast %get3A_60 : f32 to vector<10000xf32>
    %add3A_62 = arith.addf %reduce_sum3A_57, %add3A_61 : vector<10000xf32>
    %iota3A = tpu.iota {dimensions = array<i32: 0>} : vector<64x10000xi32>
    %get3A_63 = arith.constant 0 : index
    %get3A_64 = vector.load %arg8[%get3A_63] : memref<10000xi32, #tpu.memory_space<vmem>>, vector<10000xi32>
    %broadcast_in_dim3A_65 = vector.shape_cast %get3A_64 : vector<10000xi32> to vector<1x10000xi32>
    %eq3A = vector.broadcast %broadcast_in_dim3A_65 : vector<1x10000xi32> to vector<64x10000xi32>
    %eq3A_66 = arith.cmpi eq, %eq3A, %iota3A : vector<64x10000xi32>
    %broadcast_in_dim3A_67 = vector.shape_cast %add3A_62 : vector<10000xf32> to vector<1x10000xf32>
    %jit3A = arith.constant -1.000000e+30 : f32
    %broadcast_in_dim3A_68 = vector.shape_cast %broadcast_in_dim3A_67 : vector<1x10000xf32> to vector<1x10000xf32>
    %broadcast_in_dim3A_69 = vector.broadcast %broadcast_in_dim3A_68 : vector<1x10000xf32> to vector<64x10000xf32>
    %broadcast_in_dim3A_70 = vector.broadcast %jit3A : f32 to vector<64x10000xf32>
    %select_n3A_71 = arith.select %eq3A_66, %broadcast_in_dim3A_69, %broadcast_in_dim3A_70 : vector<64x10000xi1>, vector<64x10000xf32>
    %reduce_max3A = arith.constant dense<0xFF800000> : vector<64xf32>
    %reduce_max3A_72 = vector.multi_reduction <maximumf>, %select_n3A_71, %reduce_max3A [1] : vector<64x10000xf32> to vector<64xf32>
    %broadcast_in_dim3A_73 = vector.shape_cast %reduce_max3A_72 : vector<64xf32> to vector<64x1xf32>
    %jit3A_74 = arith.constant 0.000000e+00 : f32
    %broadcast_in_dim3A_75 = vector.shape_cast %broadcast_in_dim3A_73 : vector<64x1xf32> to vector<64x1xf32>
    %broadcast_in_dim3A_76 = vector.broadcast %broadcast_in_dim3A_75 : vector<64x1xf32> to vector<64x10000xf32>
    %broadcast_in_dim3A_77 = vector.broadcast %jit3A_74 : f32 to vector<64x10000xf32>
    %select_n3A_78 = arith.select %eq3A_66, %broadcast_in_dim3A_76, %broadcast_in_dim3A_77 : vector<64x10000xi1>, vector<64x10000xf32>
    %reduce_sum3A_79 = arith.constant dense<0.000000e+00> : vector<10000xf32>
    %reduce_sum3A_80 = vector.multi_reduction <add>, %select_n3A_78, %reduce_sum3A_79 [0] : vector<64x10000xf32> to vector<10000xf32>
    %sub3A = arith.subf %add3A_62, %reduce_sum3A_80 : vector<10000xf32>
    %exp3A_81 = math.exp %sub3A : vector<10000xf32>
    %broadcast_in_dim3A_82 = vector.shape_cast %exp3A_81 : vector<10000xf32> to vector<1x10000xf32>
    %jit3A_83 = arith.constant 0.000000e+00 : f32
    %broadcast_in_dim3A_84 = vector.shape_cast %broadcast_in_dim3A_82 : vector<1x10000xf32> to vector<1x10000xf32>
    %broadcast_in_dim3A_85 = vector.broadcast %broadcast_in_dim3A_84 : vector<1x10000xf32> to vector<64x10000xf32>
    %broadcast_in_dim3A_86 = vector.broadcast %jit3A_83 : f32 to vector<64x10000xf32>
    %select_n3A_87 = arith.select %eq3A_66, %broadcast_in_dim3A_85, %broadcast_in_dim3A_86 : vector<64x10000xi1>, vector<64x10000xf32>
    %reduce_sum3A_88 = arith.constant dense<0.000000e+00> : vector<64xf32>
    %reduce_sum3A_89 = vector.multi_reduction <add>, %select_n3A_87, %reduce_sum3A_88 [1] : vector<64x10000xf32> to vector<64xf32>
    %broadcast_in_dim3A_90 = vector.shape_cast %reduce_sum3A_89 : vector<64xf32> to vector<64x1xf32>
    %jit3A_91 = arith.constant 0.000000e+00 : f32
    %broadcast_in_dim3A_92 = vector.shape_cast %broadcast_in_dim3A_90 : vector<64x1xf32> to vector<64x1xf32>
    %broadcast_in_dim3A_93 = vector.broadcast %broadcast_in_dim3A_92 : vector<64x1xf32> to vector<64x10000xf32>
    %broadcast_in_dim3A_94 = vector.broadcast %jit3A_91 : f32 to vector<64x10000xf32>
    %select_n3A_95 = arith.select %eq3A_66, %broadcast_in_dim3A_93, %broadcast_in_dim3A_94 : vector<64x10000xi1>, vector<64x10000xf32>
    %reduce_sum3A_96 = arith.constant dense<0.000000e+00> : vector<10000xf32>
    %reduce_sum3A_97 = vector.multi_reduction <add>, %select_n3A_95, %reduce_sum3A_96 [0] : vector<64x10000xf32> to vector<10000xf32>
    %add3A_98 = arith.constant 1.000000e-16 : f32
    %add3A_99 = vector.broadcast %add3A_98 : f32 to vector<10000xf32>
    %add3A_100 = arith.addf %reduce_sum3A_97, %add3A_99 : vector<10000xf32>
    %div3A_101 = arith.divf %exp3A_81, %add3A_100 : vector<10000xf32>
    %broadcast_in_dim3A_102 = vector.shape_cast %div3A_101 : vector<10000xf32> to vector<1x10000xf32>
    %jit3A_103 = arith.constant 0.000000e+00 : f32
    %broadcast_in_dim3A_104 = vector.shape_cast %broadcast_in_dim3A_102 : vector<1x10000xf32> to vector<1x10000xf32>
    %broadcast_in_dim3A_105 = vector.broadcast %broadcast_in_dim3A_104 : vector<1x10000xf32> to vector<64x10000xf32>
    %broadcast_in_dim3A_106 = vector.broadcast %jit3A_103 : f32 to vector<64x10000xf32>
    %select_n3A_107 = arith.select %eq3A_66, %broadcast_in_dim3A_105, %broadcast_in_dim3A_106 : vector<64x10000xi1>, vector<64x10000xf32>
    %dot_general3A = arith.constant dense<0.000000e+00> : vector<64x128xf32>
    %dot_general3A_108 = tpu.matmul %select_n3A_107, %add3A_49, %dot_general3A {dimension_numbers = #tpu.dot_dimension_numbers<[1], [0], [0], [1], [0, 0, 1, 1], [], []>, transpose_lhs_hint = false} : vector<64x10000xf32>, vector<10000x128xf32>, vector<64x128xf32> -> vector<64x128xf32>
    %get3A_109 = arith.constant 0 : index
    %get3A_110 = arith.constant 0 : index
    %get3A_111 = vector.load %arg11[%get3A_109, %get3A_110] : memref<128x128xf32, #tpu.memory_space<vmem>>, vector<128x128xf32>
    %dot_general3A_112 = arith.constant dense<0.000000e+00> : vector<64x128xf32>
    %dot_general3A_113 = tpu.matmul %dot_general3A_108, %get3A_111, %dot_general3A_112 {dimension_numbers = #tpu.dot_dimension_numbers<[1], [0], [0], [1], [0, 0, 1, 1], [], []>, transpose_lhs_hint = false} : vector<64x128xf32>, vector<128x128xf32>, vector<64x128xf32> -> vector<64x128xf32>
    %get3A_114 = arith.constant 0 : index
    %get3A_115 = vector.load %arg12[%get3A_114] : memref<128xf32, #tpu.memory_space<vmem>>, vector<128xf32>
    %broadcast_in_dim3A_116 = vector.shape_cast %get3A_115 : vector<128xf32> to vector<1x128xf32>
    %add3A_117 = vector.broadcast %broadcast_in_dim3A_116 : vector<1x128xf32> to vector<64x128xf32>
    %add3A_118 = arith.addf %dot_general3A_113, %add3A_117 : vector<64x128xf32>
    %swap3A = arith.constant 0 : index
    %swap3A_119 = arith.constant 0 : index
    %swap3A_120 = vector.load %arg13[%swap3A, %swap3A_119] : memref<64x128xf32, #tpu.memory_space<vmem>>, vector<64x128xf32>
    tpu.vector_store %arg13[%swap3A, %swap3A_119], %add3A_118 {strides = array<i32>} : memref<64x128xf32, #tpu.memory_space<vmem>>, vector<64x128xf32>,
    return
  }
}

</mosaic_0001>

<sc_bundles>
// kernel: kernel.10.cloned.1.call-start
scs
__scs_entry_jumppad:
0x0: {  	(pc) =	sbr.rel $0x88, $3  }
0x1: {  	(tag) =	ssettag $0x0;
	lr =	simm.s32 $0x1  }
0x2: {  	[smem:$0x3F8D] =	sst lr;
	_ =	strace $0xD0000000  }
0x3: {  	_ = 	snop  }
0x4: {  	_ = 	snop  }
0x5: {  	_ = 	snop  }
0x6: {  	_ = 	snop  }
0x7: {  	_ = 	snop  }
__scs_overlays_trampoline_lowered:
0x8: {  	[smem:$0x3F9C] =	sst s0  }
0x9: {  	[smem:$0x3F9D] =	sst s1  }
0xa: {  	[smem:$0x3F9E] =	sst s2  }
0xb: {  	[smem:$0x3F9F] =	sst s3  }
0xc: {  	[smem:$0x3FA0] =	sst s4  }
0xd: {  	[smem:$0x3FA1] =	sst s5  }
0xe: {  	[smem:$0x3FA2] =	sst s6  }
0xf: {  	[smem:$0x3FA3] =	sst s7  }
0x10: {  	[smem:$0x3FA4] =	sst s8  }
0x11: {  	[smem:$0x3FA5] =	sst s9;
	s0 =	simm.s32 @!p0 $0x0  }
0x12: {  	s1 =	sld [smem:$0x3F8B];
	s0 =	simm.s32 @p0 $0x1  }
0x13: {  	[smem:$0x3FA6] =	sst s0;
	s0 =	simm.s32 @!p1 $0x0  }
0x14: {  	s2 =	sld [smem:$0x3F8A];
	s0 =	simm.s32 @p1 $0x1  }
0x15: {  	[smem:$0x3FA7] =	sst s0;
	s0 =	simm.s32 @!p2 $0x0  }
0x16: {  	s3 =	sld [smem:$0x3FDB];
	s0 =	simm.s32 @p2 $0x1  }
0x17: {  	s4 =	simm.s32 $0x1BF5;
	[smem:$0x3FA9] =	sst s0  }
0x18: {  	s0 =	sld [smem:$0x3F8C];
	_ =	swait.ge [sflag:s4], $0x0  }
0x19: {  	s7 =	sld [smem:$0x3F8D]  }
0x1a: {  	s8 =	sadd.s32 $0xFFFFE003, lr  }
0x1b: {  	s9 =	sadd.s32 $0xFFFFFEF7, lr;
	s5 =	simm.s32 $0xFFFFFFFF;
	p2 =	slt.u32 s8, $0xFFFFF086  }
0x1c: {  	p1 =	slt.u32 s9, $0xF7A;
	s5 =	simm.s32 @!p2 $0x0  }
0x1d: {  	s5 =	simm.s32 @p1 $0x1;
	p0 =	seq.s32 s7, s2  }
0x1e: {  	s7 =	smul.u32 @!p0 $0xF7A, s2;
	p2 =	seq.s32 @!p0 s5, $0x0  }
0x1f: {  	s9 =	smul.u32 $0xF7A, s1;
	s8 =	simm.s32 @!p0 $0x1BF5;
	p2 =	por !p2, p0  }
0x20: {  	[sflag:s8] =	ssyncset.s32 @!p0 $0xFFFFF086;
	s6 =	sadd.s32 @!p0 s3, s7;
	s7 =	simm.s32 @!p0 $0x108  }
0x21: {  	s3 =	sadd.s32 s3, s9;
	s6 =	sadd.s32 @!p0 $0x88, s6;
	s7 =	simm.s32 @p2 $0x1082  }
0x22: {  	[simem:s7], [sflag:s8] =	dma.local @!p0 [hbm:s6], $0xF7A  }
0x23: {  	s9 =	sor.u32 $0xD0000000, s2;
	s6 =	simm.s32 $0x108;
	_ =	swait.ge @!p0 [sflag:s8], $0x0  }
0x24: {  	s3 =	sadd.s32 $0x88, s3;
	s6 =	simm.s32 @!p1 $0x1082;
	[sflag:s4] =	ssyncset.s32 $0xFFFFF086  }
0x25: {  	[simem:s6], [sflag:s4] =	dma.local [hbm:s3], $0xF7A  }
0x26: {  	[smem:$0x3F8D] =	sst s1;
	(tag) =	ssettag s2;
	_ =	strace s9  }
0x27: {  	s1 =	sld [smem:$0x3F9D]  }
0x28: {  	s2 =	sld [smem:$0x3F9E]  }
0x29: {  	s4 =	sld [smem:$0x3FA0]  }
0x2a: {  	p0 =	seq.s32 s5, $0x0;
	s5 =	sld [smem:$0x3FA1]  }
0x2b: {  	s6 =	sld [smem:$0x3FA2]  }
0x2c: {  	s7 =	sld [smem:$0x3FA3]  }
0x2d: {  	s3 =	simm.s32 $0x108;
	s8 =	sld [smem:$0x3FA4]  }
0x2e: {  	s3 =	simm.s32 @!p0 $0x1082;
	s9 =	sld [smem:$0x3FA5]  }
0x2f: {  	lr =	sadd.s32 s0, s3;
	s0 =	sld [smem:$0x3F9C]  }
0x30: {  	s3 =	sld [smem:$0x3F9F]  }
0x31: {  	[smem:$0x3FA8] =	sst s10  }
0x32: {  	s10 =	sld [smem:$0x3FA6];
	_ =	sdelay $0x3  }
0x33: {  	p0 =	seq.s32 s10, $0x1;
	s10 =	sld [smem:$0x3FA8];
	_ =	sdelay $0x3  }
0x34: {  	[smem:$0x3FA8] =	sst s10  }
0x35: {  	s10 =	sld [smem:$0x3FA7];
	_ =	sdelay $0x3  }
0x36: {  	p1 =	seq.s32 s10, $0x1;
	s10 =	sld [smem:$0x3FA8];
	_ =	sdelay $0x3  }
0x37: {  	[smem:$0x3FA8] =	sst s10  }
0x38: {  	s10 =	sld [smem:$0x3FA9]  }
0x39: {  	_ = 	snop;
	(pc) =	sbr.ind lr, $3  }
0x3a: {  	_ = 	snop  }
0x3b: {  	_ = 	snop  }
0x3c: {  	p2 =	seq.s32 s10, $0x1;
	s10 =	sld [smem:$0x3FA8]  }
0x3d: {  	_ =	shalt  }
0x3e: {  	_ =	shalt  }
0x3f: {  	_ =	shalt  }
0x40: {  	_ =	shalt  }
0x41: {  	_ =	shalt  }
0x42: {  	_ =	shalt  }
0x43: {  	_ =	shalt  }
0x44: {  	_ =	shalt  }
0x45: {  	_ =	shalt  }
0x46: {  	_ =	shalt  }
0x47: {  	_ =	shalt  }
0x48: {  	_ =	shalt  }
0x49: {  	_ =	shalt  }
0x4a: {  	_ =	shalt  }
0x4b: {  	_ =	shalt  }
0x4c: {  	_ =	shalt  }
0x4d: {  	_ =	shalt  }
0x4e: {  	_ =	shalt  }
0x4f: {  	_ =	shalt  }
0x50: {  	_ =	shalt  }
0x51: {  	_ =	shalt  }
0x52: {  	_ =	shalt  }
0x53: {  	_ =	shalt  }
0x54: {  	_ =	shalt  }
0x55: {  	_ =	shalt  }
0x56: {  	_ =	shalt  }
0x57: {  	_ =	shalt  }
0x58: {  	_ =	shalt  }
0x59: {  	_ =	shalt  }
0x5a: {  	_ =	shalt  }
0x5b: {  	_ =	shalt  }
0x5c: {  	_ =	shalt  }
0x5d: {  	_ =	shalt  }
0x5e: {  	_ =	shalt  }
0x5f: {  	_ =	shalt  }
0x60: {  	_ =	shalt  }
0x61: {  	_ =	shalt  }
0x62: {  	_ =	shalt  }
0x63: {  	_ =	shalt  }
0x64: {  	_ =	shalt  }
0x65: {  	_ =	shalt  }
0x66: {  	_ =	shalt  }
0x67: {  	_ =	shalt  }
0x68: {  	_ =	shalt  }
0x69: {  	_ =	shalt  }
0x6a: {  	_ =	shalt  }
0x6b: {  	_ =	shalt  }
0x6c: {  	_ =	shalt  }
0x6d: {  	_ =	shalt  }
0x6e: {  	_ =	shalt  }
0x6f: {  	_ =	shalt  }
0x70: {  	_ =	shalt  }
0x71: {  	_ =	shalt  }
0x72: {  	_ =	shalt  }
0x73: {  	_ =	shalt  }
0x74: {  	_ =	shalt  }
0x75: {  	_ =	shalt  }
0x76: {  	_ =	shalt  }
0x77: {  	_ =	shalt  }
0x78: {  	_ =	shalt  }
0x79: {  	_ =	shalt  }
0x7a: {  	_ =	shalt  }
0x7b: {  	_ =	shalt  }
0x7c: {  	_ =	shalt  }
0x7d: {  	_ =	shalt  }
0x7e: {  	_ =	shalt  }
0x7f: {  	_ =	shalt  }
0x80: {  	_ =	shalt  }
0x81: {  	_ =	shalt  }
0x82: {  	_ =	shalt  }
0x83: {  	_ =	shalt  }
0x84: {  	_ =	shalt  }
0x85: {  	_ =	shalt  }
0x86: {  	_ =	shalt  }
0x87: {  	_ =	shalt  }
.Lfunc_end0:
.L_simem_size_0:
called_computation_lowered:
.L_overlay_start_0:
0x88: {  	s2 =	sld [smem:$0x3FD9]  }
0x89: {  	s3 =	sld [smem:$0x3FFE];
	_ =	sdelay $0x1  }
0x8a: {  	s1 =	srdreg.scid  }
0x8b: {  	s0 =	sand.u32 $0x1, s1  }
0x8c: {  	s16 =	sshll.u32 s0, $0xA;
	s2 =	sadd.s32 s3, s2  }
0x8d: {  	s2 =	sadd.s32 s2, s16  }
0x8e: {  	[smem:$0x3FB4] =	sst s2  }
0x8f: {  	_ = 	snop  }
0x90: {  	(tm) =	ssettm $0x1  }
0x91: {  	s17 =	sld [smem:$0x3FFB];
	_ =	sdelay $0x3  }
0x92: {  	_ =	strace s17  }
0x93: {  	s2 =	sld [smem:$0x3FFC];
	_ =	sdelay $0x3  }
0x94: {  	_ =	strace s2  }
0x95: {  	s2 =	sld [smem:$0x3FFD];
	_ =	sdelay $0x3  }
0x96: {  	_ =	strace s2  }
0x97: {  	_ =	strace $0x8FFFFFFF  }
0x98: {  	s18 =	sld [smem:$0x3FDB];
	_ =	sdelay $0x1  }
0x99: {  	s19 =	simm.s32 $_scs_section_size  }
0x9a: {  	s4 =	simm.s32 $_size__tile_overlayer_lowered;
	s5 =	simm.s32 $_tile_overlayer_lowered  }
0x9b: {  	s22 =	simm.s32 $0x1BFF;
	s21 =	sshll.u32 s5, $0x1;
	s2 =	sadd.s32 s19, s18  }
0x9c: {  	s6 =	simm.s32 $0x0;
	s20 =	sshll.u32 s4, $0x1;
	s4 =	sadd.s32 s21, s2  }
0x9d: {  	[timem:s6], [sflag:s22] =	dma.local [hbm:s4], s20  }
0x9e: {  	_ =	swait.ge [sflag:s22], s20  }
0x9f: {  	s3 =	ssub.s32 $0x0, s20;
	[sflag:s22] =	ssyncset.done $0x0  }
0xa0: {  	[sflag:s22] =	ssyncadd.s32 s3;
	_ =	sdelay $0x1  }
0xa1: {  	s23 =	simm.s32 $0x1B8B  }
0xa2: {  	_ =	swait.ge [sflag:s23], $0x1  }
0xa3: {  	[sflag:s23] =	ssyncset.done $0x0  }
0xa4: {  	s25 =	simm.s32 $0x1B8E;
	s24 =	sld [smem:$0x3FFE];
	[sflag:s23] =	ssyncadd.s32 $0xFFFFFFFF  }
0xa5: {  	s26 =	simm.s32 $execute0_lowered;
	[smem:$0x3FD2] =	sst s25  }
0xa6: {  	s4 =	sshll.u32 s26, $0x1;
	_ =	strace $0x80000046;
	[dreg:$0x1] =	wrdreg $0xFFFFFFFF  }
0xa7: {  	s28 =	simm.s32 $_size_execute0_lowered;
	s2 =	sadd.s32 s2, s4;
	[dreg:$0x0] =	wrdreg $0x0  }
0xa8: {  	s4 =	sshll.u32 s28, $0x1;
	[dreg:$0x2] =	wrdreg s2  }
0xa9: {  	[dreg:$0x3] =	wrdreg s4  }
0xaa: {  	[dreg:$0x4] =	wrdreg $0xC0  }
0xab: {  	_ =	task [dreg:s6], $0x5FFFF  }
0xac: {  	[dreg:$0x1] =	wrdreg $0xFFFFFFFF  }
0xad: {  	[dreg:$0x0] =	wrdreg $0x60  }
0xae: {  	[dreg:$0x2] =	wrdreg s24  }
0xaf: {  	[dreg:$0x3] =	wrdreg $0x9  }
0xb0: {  	_ =	task.clear_ibuf [dreg:s6], $0x4FFFF;
	_ =	strace $0x90000046  }
0xb1: {  	s29 =	simm.s32 $0x9;
	_ =	strace $0x80000048  }
0xb2: {  	_ =	swait.ge [sflag:s29], $0x1  }
0xb3: {  	[sflag:s29] =	ssyncadd.s32 $0xFFFFFFFF  }
0xb4: {  	_ =	strace $0x90000048  }
0xb5: {  	_ =	sfence  }
0xb6: {  	s30 =	sld [smem:$0x0];
	_ =	sdelay $0x2  }
0xb7: {  	s31 =	sshll.u32 s1, $0xD;
	s1 =	sshrl.u32 s1, $0x2  }
0xb8: {  	s3 =	sand.u32 $0x4000, s31;
	s1 =	sadd.s32 s1, s30  }
0xb9: {  	s0 =	sor.u32 s3, s0;
	s1 =	sshll.u32 s1, $0x11  }
0xba: {  	s0 =	sor.u32 s1, s0  }
0xbb: {  	s0 =	sadd.s32 $0x8F2B, s0  }
0xbc: {  	[sflag:s0] =	ssyncadd.remote.s32 $0x1  }
0xbd: {  	_ =	sfence.sel $0xFFFF  }
0xbe: {  	[dreg:$0x0] =	wrdreg $0xFFFFFFFF;
	(pc) =	sbr.abs _section_cstart, $3  }
0xbf: {  	[dreg:$0x1] =	wrdreg $0xFFFFFFFF  }
0xc0: {  	_ =	task.clear_ibuf [dreg:s6], $0x2FFFF;
	_ =	strace $0x9FFFFFFF  }
0xc1: {  	(tm) =	ssettm $0x7FFFFFFF  }
tec
execute0_lowered:
.L_overlay_start_1:
0x0: {  	(tag) =	ssettag $0x1  }
0x1: {  	s1 =	srdreg.scid  }
0x2: {  	s0 =	stileid.u32;
	s4 =	rddreg [dreg:$0x0]  }
0x3: {  	s2 =	simm.s32 $0x0;
	s15 =	simm.s32 $0x1;
	s16 =	simm.s32 $0x2710  }
0x4: {  	s17 =	simm.s32 $0x4E20;
	s18 =	simm.s32 $0x7530;
	s19 =	simm.s32 $0x9C40  }
0x5: {  	s20 =	simm.s32 $0xC350;
	s21 =	simm.s32 $0x11170;
	s22 =	simm.s32 $0x13880  }
0x6: {  	s23 =	simm.s32 $0x15F90;
	s24 =	simm.s32 $0x186A0;
	s25 =	simm.s32 $0xEA60  }
0x7: {  	s26 =	simm.s32 $0x0;
	s3 =	sand.u32 $0x1, s1;
	s5 =	sshll.u32 s0, $0x1  }
0x8: {  	s1 =	rddreg [dreg:$0x1];
	s5 =	sor.u32 s3, s5;
	s6 =	ssub.s32 $0x2, s3  }
0x9: {  	[smem:$0x7FF] =	sst s2;
	s5 =	smul.u32 $0x4E2, s5;
	s31 =	sshrl.u32 s6, $0x1  }
0xa: {  	_ =	strace $0x80000047;
	s3 =	sadd.s32 $0x24200, s4;
	s14 =	ssub.s32 s6, s31  }
0xb: {  	s13 =	sadd.s32 s5, s4;
	s4 =	sadd.s32 $0x24800, s4;
	s14 =	smax.u32 s14, $0x1  }
0xc: {  	s5 =	sadd.s32 $0x10600, s13;
	s6 =	sadd.s32 $0x6800, s13;
	s7 =	sadd.s32 $0x1A400, s13  }
0xd: {  	s8 =	sadd.s32 $0xB6800, s13;
	s9 =	sadd.s32 $0x69A00, s13;
	s10 =	sadd.s32 $0x5FC00, s13  }
0xe: {  	v0 =	vimm.f32 $0.0e+00;
	v1 =	vimm.f32 $1.000000000e+00;
	s11 =	sadd.s32 $0x55E00, s13;
	s12 =	sadd.s32 $0x4C000, s13;
	s13 =	sadd.s32 $0x73800, s13  }
.LBB2_1:
0xf: {  	[tilespmem:s2], [sflag:$0x1] =	stream.linear.gather [hbm4b:s3+s2], $0x2710, $0x38;
	[tilespmem:$0x1ADB0] =	vst v63  }
0x10: {  	_ =	swait.ge [sflag:s15], $0x2710  }
0x11: {  	[sflag:s15] =	ssyncset.done $0x0  }
0x12: {  	[sflag:s15] =	ssyncadd.s32 $0xFFFFD8F0  }
0x13: {  	[tilespmem:s16], [sflag:$0x1] =	stream.linear.gather [hbm4b:s4+s2], $0x2710, $0x38;
	[tilespmem:$0x1ADB0] =	vst v63  }
0x14: {  	_ =	swait.ge [sflag:s15], $0x2710  }
0x15: {  	[sflag:s15] =	ssyncset.done $0x0  }
0x16: {  	[sflag:s15] =	ssyncadd.s32 $0xFFFFD8F0  }
0x17: {  	[tilespmem:s17], [sflag:$0x1] =	stream.linear.gather [hbm4b:s5+s2], $0x2710, $0x38;
	[tilespmem:$0x1ADB0] =	vst v63  }
0x18: {  	_ =	swait.ge [sflag:s15], $0x2710  }
0x19: {  	[sflag:s15] =	ssyncset.done $0x0  }
0x1a: {  	[sflag:s15] =	ssyncadd.s32 $0xFFFFD8F0  }
0x1b: {  	[tilespmem:s18], [sflag:$0x1] =	stream.linear.gather [hbm4b:s6+s2], $0x2710, $0x38;
	[tilespmem:$0x1ADB0] =	vst v63  }
0x1c: {  	_ =	swait.ge [sflag:s15], $0x2710  }
0x1d: {  	[sflag:s15] =	ssyncset.done $0x0  }
0x1e: {  	[sflag:s15] =	ssyncadd.s32 $0xFFFFD8F0  }
0x1f: {  	[tilespmem:s19], [sflag:$0x1] =	stream.linear.gather [hbm4b:s7+s2], $0x2710, $0x38;
	[tilespmem:$0x1ADB0] =	vst v63  }
0x20: {  	_ =	swait.ge [sflag:s15], $0x2710  }
0x21: {  	[sflag:s15] =	ssyncset.done $0x0  }
0x22: {  	[sflag:s15] =	ssyncadd.s32 $0xFFFFD8F0  }
0x23: {  	[tilespmem:s20], [sflag:$0x1] =	stream.linear.gather [hbm4b:s8+s2], $0x2710, $0x38;
	[tilespmem:$0x1ADB0] =	vst v63  }
0x24: {  	_ =	swait.ge [sflag:s15], $0x2710  }
0x25: {  	[sflag:s15] =	ssyncset.done $0x0  }
0x26: {  	s28 =	simm.s32 $0x0;
	[sflag:s15] =	ssyncadd.s32 $0xFFFFD8F0  }
.LBB2_2:
0x27: {  	p0 =	sne.s32 s28, $0x9C00  }
.Ltmp0:
0x28: {  	s29 =	sshra.s32 s28, $0x2;
	(pc) =	sbr.rel @p0 .LBB2_2-.Ltmp0, $4  }
0x29: {  	[tilespmem:s29+$0x11170] =	vst v0  }
0x2a: {  	[tilespmem:s29+$0x13880] =	vst v0  }
0x2b: {  	[tilespmem:s29+$0x15F90] =	vst v0  }
0x2c: {  	s28 =	sadd.s32 $0x40, s28;
	[tilespmem:s29+$0x186A0] =	vst v0  }
0x2d: {  	s29 =	simm.s32 $0x0  }
0x2e: {  	v3 =	vld [tilespmem:s29+$0x4E20]  }
0x2f: {  	v2 =	vld [tilespmem:s29+$0x7530];
	_ =	sdelay $0x6  }
0x30: {  	v3 =	vld.idx.msk [tilespmem:v3+s2+$0x0], $0xffff  }
0x31: {  	v4 =	vld.idx.msk [tilespmem:v2+s16+$0x0], $0xffff;
	_ =	sdelay $0x1  }
0x32: {  	v5 =	vld [tilespmem:s29+$0x9C40];
	_ =	sdelay $0x2  }
0x33: {  	v3 =	vadd.f32 v4, v3;
	_ =	sdelay $0x1  }
0x34: {  	v3 =	vadd.f32 v3, v5;
	_ =	sdelay $0x1  }
0x35: {  	v4 =	vmul.f32 $2.000000030e-01, v3  }
0x36: {  	vm0 =	vgt.f32 v3, $0.0e+00  }
0x37: {  	v3 =	vsel vm0, v3, v4  }
0x38: {  	v3 =	vmul.f32 $1.442695020e+00, v3;
	_ =	sdelay $0x1  }
0x39: {  	(erf) = vpow2.f32 v3;
	_ =	sdelay $0x8  }
0x3a: {  	v3 =	vpop (erf)  }
0x3b: {  	[tilespmem:s29+$0xEA60] =	vst v3  }
0x3c: {  	[tilespmem:v2+s21+$0x0] =	vst.idx.add.f32.msk $0xffff, v3  }
0x3d: {  	[tilespmem:v2+s22+$0x0] =	vst.idx.add.f32.msk $0xffff, v1  }
0x3e: {  	[tilespmem:v2+s23+$0x0] =	vst.idx.add.f32.msk $0xffff, v5  }
0x3f: {  	s28 =	simm.s32 $0x40;
	v3 =	vld [tilespmem:s29+$0xC350]  }
.LBB2_4:
0x40: {  	_ =	sdelay $0x2  }
0x41: {  	p0 =	sne.s32 s28, $0x9C00;
	s29 =	smov.u32 s28;
	s28 =	sadd.s32 $0x40, s28  }
0x42: {  	s29 =	sshra.s32 s29, $0x2;
	[tilespmem:v2+s24+$0x0] =	vst.idx.add.f32.msk $0xffff, v3  }
0x43: {  	v3 =	vld [tilespmem:s29+$0x4E20]  }
0x44: {  	v2 =	vld [tilespmem:s29+$0x7530];
	_ =	sdelay $0x6  }
0x45: {  	v3 =	vld.idx.msk [tilespmem:v3+s2+$0x0], $0xffff  }
0x46: {  	v4 =	vld.idx.msk [tilespmem:v2+s16+$0x0], $0xffff;
	_ =	sdelay $0x1  }
0x47: {  	v5 =	vld [tilespmem:s29+$0x9C40];
	_ =	sdelay $0x3  }
0x48: {  	v3 =	vadd.f32 v4, v3;
	_ =	sdelay $0x1  }
0x49: {  	v3 =	vadd.f32 v3, v5;
	_ =	sdelay $0x1  }
0x4a: {  	vm0 =	vgt.f32 v3, $0.0e+00;
	v4 =	vmul.f32 $2.000000030e-01, v3;
	_ =	sdelay $0x1  }
0x4b: {  	v3 =	vsel vm0, v3, v4  }
0x4c: {  	v3 =	vmul.f32 $1.442695020e+00, v3;
	_ =	sdelay $0x1  }
0x4d: {  	(erf) = vpow2.f32 v3;
	_ =	sdelay $0x8  }
0x4e: {  	v3 =	vpop (erf)  }
.Ltmp1:
0x4f: {  	[tilespmem:s29+$0xEA60] =	vst v3;
	(pc) =	sbr.rel @p0 .LBB2_4-.Ltmp1, $4  }
0x50: {  	[tilespmem:v2+s21+$0x0] =	vst.idx.add.f32.msk $0xffff, v3  }
0x51: {  	[tilespmem:v2+s22+$0x0] =	vst.idx.add.f32.msk $0xffff, v1  }
0x52: {  	[tilespmem:v2+s23+$0x0] =	vst.idx.add.f32.msk $0xffff, v5  }
0x53: {  	v3 =	vld [tilespmem:s29+$0xC350]  }
0x54: {  	_ =	sdelay $0x3  }
0x55: {  	[tilespmem:v2+s24+$0x0] =	vst.idx.add.f32.msk $0xffff, v3  }
0x56: {  	[hbm4b:s9+s2] =	stream.linear.scatter [tilespmem:s25], [sflag:$0x1], $0x2710, $0x38;
	[tilespmem:$0x1ADB0] =	vst v63  }
0x57: {  	_ =	swait.ge [sflag:s15], $0x2710  }
0x58: {  	[sflag:s15] =	ssyncset.done $0x0  }
0x59: {  	[sflag:s15] =	ssyncadd.s32 $0xFFFFD8F0  }
0x5a: {  	[hbm4b:s10+s2] =	stream.linear.scatter [tilespmem:s21], [sflag:$0x1], $0x2710, $0x38;
	[tilespmem:$0x1ADB0] =	vst v63  }
0x5b: {  	_ =	swait.ge [sflag:s15], $0x2710  }
0x5c: {  	[sflag:s15] =	ssyncset.done $0x0  }
0x5d: {  	[sflag:s15] =	ssyncadd.s32 $0xFFFFD8F0  }
0x5e: {  	[hbm4b:s11+s2] =	stream.linear.scatter [tilespmem:s22], [sflag:$0x1], $0x2710, $0x38;
	[tilespmem:$0x1ADB0] =	vst v63  }
0x5f: {  	_ =	swait.ge [sflag:s15], $0x2710  }
0x60: {  	[sflag:s15] =	ssyncset.done $0x0  }
0x61: {  	[sflag:s15] =	ssyncadd.s32 $0xFFFFD8F0  }
0x62: {  	[hbm4b:s12+s2] =	stream.linear.scatter [tilespmem:s23], [sflag:$0x1], $0x2710, $0x38;
	[tilespmem:$0x1ADB0] =	vst v63  }
0x63: {  	s26 =	sadd.s32 $0x1, s26;
	_ =	swait.ge [sflag:s15], $0x2710  }
0x64: {  	p0 =	sne.s32 s26, s14;
	[sflag:s15] =	ssyncset.done $0x0  }
.Ltmp2:
0x65: {  	[sflag:s15] =	ssyncadd.s32 $0xFFFFD8F0;
	(pc) =	sbr.rel @p0 .LBB2_1-.Ltmp2, $4  }
0x66: {  	[hbm4b:s13+s2] =	stream.linear.scatter [tilespmem:s24], [sflag:$0x1], $0x2710, $0x38;
	[tilespmem:$0x1ADB0] =	vst v63  }
0x67: {  	_ =	swait.ge [sflag:s15], $0x2710  }
0x68: {  	[sflag:s15] =	ssyncset.done $0x0  }
0x69: {  	[sflag:s15] =	ssyncadd.s32 $0xFFFFD8F0  }
0x6a: {  	_ =	sfence.sel $0x180000  }
0x6b: {  	[bflag:$0x0] =	sbarrier.arrive $0xFFFF  }
0x6c: {  	p0 =	sne.s32 s0, $0x0;
	_ =	strace $0x90000047  }
0x6d: {  	s0 =	sadd.s32 @!p0 $0x100000, s1;
	[bflag:$0x2] =	sbarrier.arrive $0xFFFF  }
0x6e: {  	[sflag:s0] =	ssyncadd.tile.s32 @!p0 $0x1;
	_ =	shalt  }
.Lfunc_end2:
_tile_overlayer_lowered:
.L_overlay_start_2:
0x6f: {  	(tag) =	ssettag $0x2  }
0x70: {  	s0 =	rddreg [dreg:$0x0];
	s2 =	stileid.u32  }
0x71: {  	s1 =	rddreg [dreg:$0x1];
	p0 =	sne.s32 s2, $0x0  }
0x72: {  	s3 =	rddreg [dreg:$0x2];
	[bflag:$0x3] =	sbarrier.arrive $0xFFFF;
	s2 =	simm.s32 @!p0 $0x1C01  }
0x73: {  	[timem:s3], [sflag:s2] =	dma.local @!p0 [hbm:s0], s1  }
0x74: {  	s0 =	simm.s32 @!p0 $0x1  }
0x75: {  	_ =	swait.ge @!p0 [sflag:s0], s1  }
0x76: {  	s1 =	ssub.s32 @!p0 $0x0, s1;
	[sflag:s0] =	ssyncset.done @!p0 $0x0  }
0x77: {  	[sflag:s0] =	ssyncadd.s32 @!p0 s1  }
0x78: {  	[bflag:$0x3] =	sbarrier.arrive $0xFFFF  }
0x79: {  	_ =	shalt  }

// kernel: kernel.13.cloned.1.call-start
scs
__scs_entry_jumppad:
0x0: {  	(pc) =	sbr.rel $0x88, $3  }
0x1: {  	(tag) =	ssettag $0x0;
	lr =	simm.s32 $0x1  }
0x2: {  	[smem:$0x3F8D] =	sst lr;
	_ =	strace $0xD0000000  }
0x3: {  	_ = 	snop  }
0x4: {  	_ = 	snop  }
0x5: {  	_ = 	snop  }
0x6: {  	_ = 	snop  }
0x7: {  	_ = 	snop  }
__scs_overlays_trampoline_lowered:
0x8: {  	[smem:$0x3F9C] =	sst s0  }
0x9: {  	[smem:$0x3F9D] =	sst s1  }
0xa: {  	[smem:$0x3F9E] =	sst s2  }
0xb: {  	[smem:$0x3F9F] =	sst s3  }
0xc: {  	[smem:$0x3FA0] =	sst s4  }
0xd: {  	[smem:$0x3FA1] =	sst s5  }
0xe: {  	[smem:$0x3FA2] =	sst s6  }
0xf: {  	[smem:$0x3FA3] =	sst s7  }
0x10: {  	[smem:$0x3FA4] =	sst s8  }
0x11: {  	[smem:$0x3FA5] =	sst s9;
	s0 =	simm.s32 @!p0 $0x0  }
0x12: {  	s1 =	sld [smem:$0x3F8B];
	s0 =	simm.s32 @p0 $0x1  }
0x13: {  	[smem:$0x3FA6] =	sst s0;
	s0 =	simm.s32 @!p1 $0x0  }
0x14: {  	s2 =	sld [smem:$0x3F8A];
	s0 =	simm.s32 @p1 $0x1  }
0x15: {  	[smem:$0x3FA7] =	sst s0;
	s0 =	simm.s32 @!p2 $0x0  }
0x16: {  	s3 =	sld [smem:$0x3FDB];
	s0 =	simm.s32 @p2 $0x1  }
0x17: {  	s4 =	simm.s32 $0x1BF5;
	[smem:$0x3FA9] =	sst s0  }
0x18: {  	s0 =	sld [smem:$0x3F8C];
	_ =	swait.ge [sflag:s4], $0x0  }
0x19: {  	s7 =	sld [smem:$0x3F8D]  }
0x1a: {  	s8 =	sadd.s32 $0xFFFFE003, lr  }
0x1b: {  	s9 =	sadd.s32 $0xFFFFFEF7, lr;
	s5 =	simm.s32 $0xFFFFFFFF;
	p2 =	slt.u32 s8, $0xFFFFF086  }
0x1c: {  	p1 =	slt.u32 s9, $0xF7A;
	s5 =	simm.s32 @!p2 $0x0  }
0x1d: {  	s5 =	simm.s32 @p1 $0x1;
	p0 =	seq.s32 s7, s2  }
0x1e: {  	s7 =	smul.u32 @!p0 $0xF7A, s2;
	p2 =	seq.s32 @!p0 s5, $0x0  }
0x1f: {  	s9 =	smul.u32 $0xF7A, s1;
	s8 =	simm.s32 @!p0 $0x1BF5;
	p2 =	por !p2, p0  }
0x20: {  	[sflag:s8] =	ssyncset.s32 @!p0 $0xFFFFF086;
	s6 =	sadd.s32 @!p0 s3, s7;
	s7 =	simm.s32 @!p0 $0x108  }
0x21: {  	s3 =	sadd.s32 s3, s9;
	s6 =	sadd.s32 @!p0 $0x88, s6;
	s7 =	simm.s32 @p2 $0x1082  }
0x22: {  	[simem:s7], [sflag:s8] =	dma.local @!p0 [hbm:s6], $0xF7A  }
0x23: {  	s9 =	sor.u32 $0xD0000000, s2;
	s6 =	simm.s32 $0x108;
	_ =	swait.ge @!p0 [sflag:s8], $0x0  }
0x24: {  	s3 =	sadd.s32 $0x88, s3;
	s6 =	simm.s32 @!p1 $0x1082;
	[sflag:s4] =	ssyncset.s32 $0xFFFFF086  }
0x25: {  	[simem:s6], [sflag:s4] =	dma.local [hbm:s3], $0xF7A  }
0x26: {  	[smem:$0x3F8D] =	sst s1;
	(tag) =	ssettag s2;
	_ =	strace s9  }
0x27: {  	s1 =	sld [smem:$0x3F9D]  }
0x28: {  	s2 =	sld [smem:$0x3F9E]  }
0x29: {  	s4 =	sld [smem:$0x3FA0]  }
0x2a: {  	p0 =	seq.s32 s5, $0x0;
	s5 =	sld [smem:$0x3FA1]  }
0x2b: {  	s6 =	sld [smem:$0x3FA2]  }
0x2c: {  	s7 =	sld [smem:$0x3FA3]  }
0x2d: {  	s3 =	simm.s32 $0x108;
	s8 =	sld [smem:$0x3FA4]  }
0x2e: {  	s3 =	simm.s32 @!p0 $0x1082;
	s9 =	sld [smem:$0x3FA5]  }
0x2f: {  	lr =	sadd.s32 s0, s3;
	s0 =	sld [smem:$0x3F9C]  }
0x30: {  	s3 =	sld [smem:$0x3F9F]  }
0x31: {  	[smem:$0x3FA8] =	sst s10  }
0x32: {  	s10 =	sld [smem:$0x3FA6];
	_ =	sdelay $0x3  }
0x33: {  	p0 =	seq.s32 s10, $0x1;
	s10 =	sld [smem:$0x3FA8];
	_ =	sdelay $0x3  }
0x34: {  	[smem:$0x3FA8] =	sst s10  }
0x35: {  	s10 =	sld [smem:$0x3FA7];
	_ =	sdelay $0x3  }
0x36: {  	p1 =	seq.s32 s10, $0x1;
	s10 =	sld [smem:$0x3FA8];
	_ =	sdelay $0x3  }
0x37: {  	[smem:$0x3FA8] =	sst s10  }
0x38: {  	s10 =	sld [smem:$0x3FA9]  }
0x39: {  	_ = 	snop;
	(pc) =	sbr.ind lr, $3  }
0x3a: {  	_ = 	snop  }
0x3b: {  	_ = 	snop  }
0x3c: {  	p2 =	seq.s32 s10, $0x1;
	s10 =	sld [smem:$0x3FA8]  }
0x3d: {  	_ =	shalt  }
0x3e: {  	_ =	shalt  }
0x3f: {  	_ =	shalt  }
0x40: {  	_ =	shalt  }
0x41: {  	_ =	shalt  }
0x42: {  	_ =	shalt  }
0x43: {  	_ =	shalt  }
0x44: {  	_ =	shalt  }
0x45: {  	_ =	shalt  }
0x46: {  	_ =	shalt  }
0x47: {  	_ =	shalt  }
0x48: {  	_ =	shalt  }
0x49: {  	_ =	shalt  }
0x4a: {  	_ =	shalt  }
0x4b: {  	_ =	shalt  }
0x4c: {  	_ =	shalt  }
0x4d: {  	_ =	shalt  }
0x4e: {  	_ =	shalt  }
0x4f: {  	_ =	shalt  }
0x50: {  	_ =	shalt  }
0x51: {  	_ =	shalt  }
0x52: {  	_ =	shalt  }
0x53: {  	_ =	shalt  }
0x54: {  	_ =	shalt  }
0x55: {  	_ =	shalt  }
0x56: {  	_ =	shalt  }
0x57: {  	_ =	shalt  }
0x58: {  	_ =	shalt  }
0x59: {  	_ =	shalt  }
0x5a: {  	_ =	shalt  }
0x5b: {  	_ =	shalt  }
0x5c: {  	_ =	shalt  }
0x5d: {  	_ =	shalt  }
0x5e: {  	_ =	shalt  }
0x5f: {  	_ =	shalt  }
0x60: {  	_ =	shalt  }
0x61: {  	_ =	shalt  }
0x62: {  	_ =	shalt  }
0x63: {  	_ =	shalt  }
0x64: {  	_ =	shalt  }
0x65: {  	_ =	shalt  }
0x66: {  	_ =	shalt  }
0x67: {  	_ =	shalt  }
0x68: {  	_ =	shalt  }
0x69: {  	_ =	shalt  }
0x6a: {  	_ =	shalt  }
0x6b: {  	_ =	shalt  }
0x6c: {  	_ =	shalt  }
0x6d: {  	_ =	shalt  }
0x6e: {  	_ =	shalt  }
0x6f: {  	_ =	shalt  }
0x70: {  	_ =	shalt  }
0x71: {  	_ =	shalt  }
0x72: {  	_ =	shalt  }
0x73: {  	_ =	shalt  }
0x74: {  	_ =	shalt  }
0x75: {  	_ =	shalt  }
0x76: {  	_ =	shalt  }
0x77: {  	_ =	shalt  }
0x78: {  	_ =	shalt  }
0x79: {  	_ =	shalt  }
0x7a: {  	_ =	shalt  }
0x7b: {  	_ =	shalt  }
0x7c: {  	_ =	shalt  }
0x7d: {  	_ =	shalt  }
0x7e: {  	_ =	shalt  }
0x7f: {  	_ =	shalt  }
0x80: {  	_ =	shalt  }
0x81: {  	_ =	shalt  }
0x82: {  	_ =	shalt  }
0x83: {  	_ =	shalt  }
0x84: {  	_ =	shalt  }
0x85: {  	_ =	shalt  }
0x86: {  	_ =	shalt  }
0x87: {  	_ =	shalt  }
.Lfunc_end0:
.L_simem_size_0:
called_computation.1_lowered:
.L_overlay_start_0:
0x88: {  	s2 =	sld [smem:$0x3FD9]  }
0x89: {  	s3 =	sld [smem:$0x3FFE];
	_ =	sdelay $0x1  }
0x8a: {  	s1 =	srdreg.scid  }
0x8b: {  	s0 =	sand.u32 $0x1, s1  }
0x8c: {  	s16 =	sshll.u32 s0, $0xA;
	s2 =	sadd.s32 s3, s2  }
0x8d: {  	s2 =	sadd.s32 s2, s16  }
0x8e: {  	[smem:$0x3FB4] =	sst s2  }
0x8f: {  	_ = 	snop  }
0x90: {  	(tm) =	ssettm $0x1  }
0x91: {  	s17 =	sld [smem:$0x3FFB];
	_ =	sdelay $0x3  }
0x92: {  	_ =	strace s17  }
0x93: {  	s2 =	sld [smem:$0x3FFC];
	_ =	sdelay $0x3  }
0x94: {  	_ =	strace s2  }
0x95: {  	s2 =	sld [smem:$0x3FFD];
	_ =	sdelay $0x3  }
0x96: {  	_ =	strace s2  }
0x97: {  	_ =	strace $0x8FFFFFFF  }
0x98: {  	s18 =	sld [smem:$0x3FDB];
	_ =	sdelay $0x1  }
0x99: {  	s19 =	simm.s32 $_scs_section_size  }
0x9a: {  	s4 =	simm.s32 $_size__tile_overlayer_lowered;
	s5 =	simm.s32 $_tile_overlayer_lowered  }
0x9b: {  	s22 =	simm.s32 $0x1BFF;
	s21 =	sshll.u32 s5, $0x1;
	s2 =	sadd.s32 s19, s18  }
0x9c: {  	s6 =	simm.s32 $0x0;
	s20 =	sshll.u32 s4, $0x1;
	s4 =	sadd.s32 s21, s2  }
0x9d: {  	[timem:s6], [sflag:s22] =	dma.local [hbm:s4], s20  }
0x9e: {  	_ =	swait.ge [sflag:s22], s20  }
0x9f: {  	s3 =	ssub.s32 $0x0, s20;
	[sflag:s22] =	ssyncset.done $0x0  }
0xa0: {  	[sflag:s22] =	ssyncadd.s32 s3;
	_ =	sdelay $0x1  }
0xa1: {  	s23 =	simm.s32 $0x1B8B  }
0xa2: {  	_ =	swait.ge [sflag:s23], $0x1  }
0xa3: {  	[sflag:s23] =	ssyncset.done $0x0  }
0xa4: {  	s25 =	simm.s32 $0x1B8E;
	s24 =	sld [smem:$0x3FFE];
	[sflag:s23] =	ssyncadd.s32 $0xFFFFFFFF  }
0xa5: {  	s26 =	simm.s32 $execute0_lowered;
	[smem:$0x3FD2] =	sst s25  }
0xa6: {  	s4 =	sshll.u32 s26, $0x1;
	_ =	strace $0x80000049;
	[dreg:$0x1] =	wrdreg $0xFFFFFFFF  }
0xa7: {  	s28 =	simm.s32 $_size_execute0_lowered;
	s2 =	sadd.s32 s2, s4;
	[dreg:$0x0] =	wrdreg $0x0  }
0xa8: {  	s4 =	sshll.u32 s28, $0x1;
	[dreg:$0x2] =	wrdreg s2  }
0xa9: {  	[dreg:$0x3] =	wrdreg s4  }
0xaa: {  	[dreg:$0x4] =	wrdreg $0xC0  }
0xab: {  	_ =	task [dreg:s6], $0x5FFFF  }
0xac: {  	[dreg:$0x1] =	wrdreg $0xFFFFFFFF  }
0xad: {  	[dreg:$0x0] =	wrdreg $0x60  }
0xae: {  	[dreg:$0x2] =	wrdreg s24  }
0xaf: {  	[dreg:$0x3] =	wrdreg $0x67800  }
0xb0: {  	[dreg:$0x4] =	wrdreg $0x9  }
0xb1: {  	_ =	task.clear_ibuf [dreg:s6], $0x5FFFF;
	_ =	strace $0x90000049  }
0xb2: {  	s29 =	simm.s32 $0x9;
	_ =	strace $0x8000004B  }
0xb3: {  	_ =	swait.ge [sflag:s29], $0x1  }
0xb4: {  	[sflag:s29] =	ssyncadd.s32 $0xFFFFFFFF  }
0xb5: {  	_ =	strace $0x9000004B  }
0xb6: {  	_ =	sfence  }
0xb7: {  	s30 =	sld [smem:$0x0];
	_ =	sdelay $0x2  }
0xb8: {  	s31 =	sshll.u32 s1, $0xD;
	s1 =	sshrl.u32 s1, $0x2  }
0xb9: {  	s3 =	sand.u32 $0x4000, s31;
	s1 =	sadd.s32 s1, s30  }
0xba: {  	s0 =	sor.u32 s3, s0;
	s1 =	sshll.u32 s1, $0x11  }
0xbb: {  	s0 =	sor.u32 s1, s0  }
0xbc: {  	s0 =	sadd.s32 $0x8F2B, s0  }
0xbd: {  	[sflag:s0] =	ssyncadd.remote.s32 $0x1  }
0xbe: {  	_ =	sfence.sel $0xFFFF  }
0xbf: {  	[dreg:$0x0] =	wrdreg $0xFFFFFFFF;
	(pc) =	sbr.abs _section_cstart, $3  }
0xc0: {  	[dreg:$0x1] =	wrdreg $0xFFFFFFFF  }
0xc1: {  	_ =	task.clear_ibuf [dreg:s6], $0x2FFFF;
	_ =	strace $0x9FFFFFFF  }
0xc2: {  	(tm) =	ssettm $0x7FFFFFFF  }
0xc3: {  	_ =	shalt  }
tec
execute0_lowered:
.L_overlay_start_1:
0x0: {  	(tag) =	ssettag $0x1  }
0x1: {  	s0 =	srdreg.scid;
	s1 =	rddreg [dreg:$0x0]  }
0x2: {  	s8 =	stileid.u32;
	s2 =	rddreg [dreg:$0x1]  }
0x3: {  	s17 =	simm.s32 $0x1780;
	s18 =	simm.s32 $0x3;
	s19 =	simm.s32 $0x7D0  }
0x4: {  	s20 =	simm.s32 $0x50;
	s21 =	simm.s32 $0x3F80;
	s22 =	simm.s32 $0x1  }
0x5: {  	s0 =	sand.u32 $0x1, s0;
	s3 =	sshll.u32 s8, $0x1;
	s7 =	smul.u32 $0x4E200, s8  }
0x6: {  	s28 =	simm.s32 $0x0;
	s25 =	smul.u32 $0x13880, s8;
	s4 =	sor.u32 s0, s3  }
0x7: {  	s3 =	simm.s32 $0x0;
	s6 =	smul.u32 $0x27100, s0;
	s0 =	ssub.s32 $0x2, s0  }
0x8: {  	s5 =	smul.u32 $0x4E2, s4;
	[smem:$0x7FF] =	sst s3;
	s4 =	sadd.s32 $0x24E00, s1  }
0x9: {  	s23 =	sshrl.u32 s0, $0x1;
	s24 =	sshrl.u32 s7, $0x2;
	s10 =	sshrl.u32 s25, $0x3  }
0xa: {  	_ =	strace $0x8000004A;
	s0 =	ssub.s32 s0, s23;
	s9 =	sadd.s32 s5, s1  }
0xb: {  	s1 =	sadd.s32 s6, s1;
	s5 =	sadd.s32 s24, s2;
	s6 =	sadd.s32 s25, s2  }
0xc: {  	s0 =	smax.u32 s0, $0x1;
	s24 =	simm.s32 $0x2;
	s26 =	sadd.s32 $0x11800, s5  }
0xd: {  	s7 =	sadd.s32 $0x10600, s9;
	s8 =	sadd.s32 $0x6800, s9;
	s9 =	sadd.s32 $0x69A00, s9  }
0xe: {  	s1 =	sadd.s32 $0xC0600, s1;
	[dreg:$0x4] =	wrdreg s0;
	s29 =	sadd.s32 $0x2800, s5  }
0xf: {  	s30 =	sadd.s32 $0x5000, s5;
	s31 =	sadd.s32 $0x7800, s5;
	[dreg:$0x3] =	wrdreg s26  }
0x10: {  	s14 =	sadd.s32 $0xA000, s5;
	s15 =	sadd.s32 $0xC800, s5;
	[dreg:$0x5] =	wrdreg s29  }
0x11: {  	s16 =	sadd.s32 $0xF000, s5;
	s25 =	sshrl.u32 s6, $0x3;
	[dreg:$0x6] =	wrdreg s30  }
0x12: {  	v0 =	vimm.f32 $0.0e+00;
	[dreg:$0x7] =	wrdreg s31;
	s23 =	sadd.s32 s10, s1;
	s26 =	simm.s32 $0xF50  }
.LBB2_1:
0x13: {  	s0 =	simm.s32 $0x0;
	s1 =	simm.s32 $0x200  }
.LBB2_2:
0x14: {  	p0 =	sne.s32 s1, $0x9E00;
	[tilespmem:s0+$0x17F0] =	vst v0  }
0x15: {  	[tilespmem:s0+$0x1780] =	vst v0  }
0x16: {  	[tilespmem:s0+$0x1790] =	vst v0  }
.Ltmp0:
0x17: {  	[tilespmem:s0+$0x17A0] =	vst v0;
	(pc) =	sbr.rel @p0 .LBB2_2-.Ltmp0, $4  }
0x18: {  	[tilespmem:s0+$0x17B0] =	vst v0  }
0x19: {  	[tilespmem:s0+$0x17C0] =	vst v0  }
0x1a: {  	[tilespmem:s0+$0x17D0] =	vst v0  }
0x1b: {  	[tilespmem:s0+$0x17E0] =	vst v0;
	s0 =	sshra.s32 s1, $0x2;
	s1 =	sadd.s32 $0x200, s1  }
0x1c: {  	[tilespmem:s0+$0x17F0] =	vst v0  }
0x1d: {  	[tilespmem:s0+$0x1780] =	vst v0  }
0x1e: {  	[tilespmem:s0+$0x1790] =	vst v0  }
0x1f: {  	[tilespmem:s0+$0x17A0] =	vst v0  }
0x20: {  	[tilespmem:s0+$0x17B0] =	vst v0  }
0x21: {  	[tilespmem:s0+$0x17C0] =	vst v0  }
0x22: {  	[tilespmem:s0+$0x17D0] =	vst v0  }
0x23: {  	[tilespmem:s0+$0x17E0] =	vst v0  }
0x24: {  	[spmem:s5] =	stream.linear.scatter [tilespmem:s17], [sflag:$0x3], $0x2800, $0x38;
	[tilespmem:$0x1A000] =	vst v63  }
0x25: {  	_ =	swait.ge [sflag:s18], $0x2800  }
0x26: {  	[sflag:s18] =	ssyncset.done $0x0  }
0x27: {  	s12 =	rddreg [dreg:$0x5];
	[sflag:s18] =	ssyncadd.s32 $0xFFFFD800  }
0x28: {  	[spmem:s12] =	stream.linear.scatter [tilespmem:s17], [sflag:$0x3], $0x2800, $0x38;
	[tilespmem:$0x1A000] =	vst v63  }
0x29: {  	_ =	swait.ge [sflag:s18], $0x2800  }
0x2a: {  	[sflag:s18] =	ssyncset.done $0x0  }
0x2b: {  	s13 =	rddreg [dreg:$0x6];
	[sflag:s18] =	ssyncadd.s32 $0xFFFFD800  }
0x2c: {  	[spmem:s13] =	stream.linear.scatter [tilespmem:s17], [sflag:$0x3], $0x2800, $0x38;
	[tilespmem:$0x1A000] =	vst v63  }
0x2d: {  	_ =	swait.ge [sflag:s18], $0x2800  }
0x2e: {  	[sflag:s18] =	ssyncset.done $0x0  }
0x2f: {  	s30 =	rddreg [dreg:$0x7];
	[sflag:s18] =	ssyncadd.s32 $0xFFFFD800  }
0x30: {  	[spmem:s30] =	stream.linear.scatter [tilespmem:s17], [sflag:$0x3], $0x2800, $0x38;
	[tilespmem:$0x1A000] =	vst v63  }
0x31: {  	_ =	swait.ge [sflag:s18], $0x2800  }
0x32: {  	[sflag:s18] =	ssyncset.done $0x0  }
0x33: {  	[sflag:s18] =	ssyncadd.s32 $0xFFFFD800  }
0x34: {  	[spmem:s14] =	stream.linear.scatter [tilespmem:s17], [sflag:$0x3], $0x2800, $0x38;
	[tilespmem:$0x1A000] =	vst v63  }
0x35: {  	_ =	swait.ge [sflag:s18], $0x2800  }
0x36: {  	[sflag:s18] =	ssyncset.done $0x0  }
0x37: {  	[sflag:s18] =	ssyncadd.s32 $0xFFFFD800  }
0x38: {  	[spmem:s15] =	stream.linear.scatter [tilespmem:s17], [sflag:$0x3], $0x2800, $0x38;
	[tilespmem:$0x1A000] =	vst v63  }
0x39: {  	_ =	swait.ge [sflag:s18], $0x2800  }
0x3a: {  	[sflag:s18] =	ssyncset.done $0x0  }
0x3b: {  	[sflag:s18] =	ssyncadd.s32 $0xFFFFD800  }
0x3c: {  	[spmem:s16] =	stream.linear.scatter [tilespmem:s17], [sflag:$0x3], $0x2800, $0x38;
	[tilespmem:$0x1A000] =	vst v63  }
0x3d: {  	_ =	swait.ge [sflag:s18], $0x2800  }
0x3e: {  	[sflag:s18] =	ssyncset.done $0x0  }
0x3f: {  	s31 =	rddreg [dreg:$0x3];
	[sflag:s18] =	ssyncadd.s32 $0xFFFFD800  }
0x40: {  	[spmem:s31] =	stream.linear.scatter [tilespmem:s17], [sflag:$0x3], $0x2080, $0x38;
	[tilespmem:$0x1A000] =	vst v63  }
0x41: {  	_ =	swait.ge [sflag:s18], $0x2080  }
0x42: {  	[sflag:s18] =	ssyncset.done $0x0  }
0x43: {  	[sflag:s18] =	ssyncadd.s32 $0xFFFFDF80  }
0x44: {  	s29 =	simm.s32 $0x0;
	[bflag:$0x0] =	sbarrier.arrive $0xFFFF  }
.LBB2_4:
0x45: {  	s0 =	smul.u32 $0xFA, s29;
	_ =	sdelay $0x1  }
0x46: {  	s1 =	sadd.s32 s0, s7  }
0x47: {  	[tilespmem:s28], [sflag:$0x3] =	stream.linear.gather [hbm4b:s1+s28], $0x7D0, $0x38;
	[tilespmem:$0x1A000] =	vst v63  }
0x48: {  	_ =	swait.ge [sflag:s18], $0x7D0  }
0x49: {  	[sflag:s18] =	ssyncset.done $0x0  }
0x4a: {  	s13 =	sadd.s32 s0, s8;
	[sflag:s18] =	ssyncadd.s32 $0xFFFFF830  }
0x4b: {  	[tilespmem:s19], [sflag:$0x3] =	stream.linear.gather [hbm4b:s13+s28], $0x7D0, $0x38;
	[tilespmem:$0x1A000] =	vst v63  }
0x4c: {  	_ =	swait.ge [sflag:s18], $0x7D0  }
0x4d: {  	[sflag:s18] =	ssyncset.done $0x0  }
0x4e: {  	s30 =	simm.s32 $0xFA0;
	s0 =	sadd.s32 s0, s9;
	[sflag:s18] =	ssyncadd.s32 $0xFFFFF830  }
0x4f: {  	[tilespmem:s30], [sflag:$0x3] =	stream.linear.gather [hbm4b:s0+s28], $0x7D0, $0x38;
	[tilespmem:$0x1A000] =	vst v63  }
0x50: {  	_ =	swait.ge [sflag:s18], $0x7D0  }
0x51: {  	[sflag:s18] =	ssyncset.done $0x0  }
0x52: {  	s31 =	simm.s32 $0xFF0;
	s1 =	simm.s32 $0x0;
	[sflag:s18] =	ssyncadd.s32 $0xFFFFF830  }
0x53: {  	[tilespmem:s17], [sflag:$0x1] =	stream.indirect.gather [hbm4b:s4+s20], $0x80, s28, s20, $0xb8;
	[tilespmem:$0x1A000] =	vst v63  }
.LBB2_5:
0x54: {  	s0 =	smul.u32 $0xA0, s1;
	_ =	sdelay $0x1  }
0x55: {  	s0 =	sadd.s32 $0x50, s0  }
0x56: {  	[tilespmem:s21], [sflag:$0x2] =	stream.indirect.gather [hbm4b:s4+s20], $0x80, s0, s20, $0xb8;
	[tilespmem:$0x1A000] =	vst v63  }
0x57: {  	_ =	swait.ge [sflag:s22], $0x2800  }
0x58: {  	[sflag:s22] =	ssyncset.done $0x0  }
0x59: {  	s6 =	simm.s32 $0x17C0;
	[sflag:s22] =	ssyncadd.s32 $0xFFFFD800  }
0x5a: {  	v5 =	vld [tilespmem:s6+$0x30]  }
0x5b: {  	v8 =	vld [tilespmem:s6+$0x10]  }
0x5c: {  	s10 =	sadd.s32 $0x0, s30;
	v6 =	vld [tilespmem:s6+$0xFFFFFFC0]  }
0x5d: {  	v2 =	vld.msk [tilespmem:s10+$0x0 ss:$0x0], $0xffff  }
0x5e: {  	v10 =	vld [tilespmem:s6+$0xFFFFFFE0]  }
0x5f: {  	v1 =	vld [tilespmem:s6+$0xFFFFFFF0]  }
0x60: {  	v3 =	vld [tilespmem:s6+$0x20]  }
0x61: {  	v4 =	vld [tilespmem:s6+$0xFFFFFFD0]  }
0x62: {  	v9 =	vmul.f32 v5, v2;
	v5 =	vld [tilespmem:s6+$0x0]  }
0x63: {  	v7 =	vmul.f32 v2, v6  }
0x64: {  	s11 =	simm.s32 $0x4;
	s12 =	simm.s32 $0x17C0;
	s10 =	smul.u32 $0x280, s1;
	v6 =	vmul.f32 v10, v2;
	v8 =	vmul.f32 v8, v2  }
.LBB2_6:
0x65: {  	p0 =	sne.s32 s11, $0x13C  }
0x66: {  	v4 =	vmul.f32 v4, v2;
	v3 =	vmul.f32 v3, v2;
	[tilespmem:s6+$0x30] =	vst v9;
	s12 =	sadd.s32 $0x80, s12;
	s13 =	smov.u32 s11;
	s11 =	sadd.s32 $0x4, s11  }
0x67: {  	[tilespmem:s6+$0xFFFFFFC0] =	vst v7;
	v7 =	vmul.f32 v1, v2;
	v2 =	vmul.f32 v5, v2  }
0x68: {  	[tilespmem:s6+$0x10] =	vst v8  }
0x69: {  	[tilespmem:s6+$0xFFFFFFE0] =	vst v6  }
0x6a: {  	v1 =	vld [tilespmem:s12+$0xFFFFFFF0];
	[tilespmem:s6+$0xFFFFFFF0] =	vst v7  }
0x6b: {  	v6 =	vld [tilespmem:s12+$0x30];
	[tilespmem:s6+$0x0] =	vst v2  }
0x6c: {  	s13 =	sshra.s32 s13, $0x2;
	v8 =	vld [tilespmem:s12+$0x10];
	[tilespmem:s6+$0x20] =	vst v3  }
0x6d: {  	s13 =	sadd.s32 s13, s30;
	v7 =	vld [tilespmem:s12+$0xFFFFFFC0];
	[tilespmem:s6+$0xFFFFFFD0] =	vst v4;
	s6 =	smov.u32 s12  }
0x6e: {  	v2 =	vld.msk [tilespmem:s13+$0x0 ss:$0x0], $0xffff  }
0x6f: {  	v10 =	vld [tilespmem:s12+$0xFFFFFFE0]  }
0x70: {  	v3 =	vld [tilespmem:s12+$0x20]  }
.Ltmp1:
0x71: {  	v4 =	vld [tilespmem:s12+$0xFFFFFFD0];
	(pc) =	sbr.rel @p0 .LBB2_6-.Ltmp1, $3  }
0x72: {  	v5 =	vld [tilespmem:s12+$0x0];
	_ =	sdelay $0x1  }
0x73: {  	v7 =	vmul.f32 v2, v7;
	v9 =	vmul.f32 v6, v2  }
0x74: {  	v8 =	vmul.f32 v8, v2;
	v6 =	vmul.f32 v10, v2  }
0x75: {  	[tilespmem:s6+$0x30] =	vst v9  }
0x76: {  	[tilespmem:s6+$0xFFFFFFC0] =	vst v7  }
0x77: {  	v1 =	vmul.f32 v1, v2;
	[tilespmem:s6+$0x10] =	vst v8  }
0x78: {  	v3 =	vmul.f32 v3, v2;
	[tilespmem:s6+$0xFFFFFFE0] =	vst v6  }
0x79: {  	v5 =	vmul.f32 v5, v2;
	[tilespmem:s6+$0xFFFFFFF0] =	vst v1  }
0x7a: {  	v1 =	vmul.f32 v4, v2;
	[tilespmem:s6+$0x20] =	vst v3  }
0x7b: {  	s10 =	sshra.s32 s10, $0x2;
	[tilespmem:s6+$0x0] =	vst v5  }
0x7c: {  	s11 =	sadd.s32 $0x7D0, s10;
	[tilespmem:s6+$0xFFFFFFD0] =	vst v1  }
0x7d: {  	[spmem:s2] =	stream.indirect.scatter.add.f32 [tilespmem:s17], [sflag:$0x3], $0x80, s11, s20, $0xb8;
	[tilespmem:$0x1A000] =	vst v63  }
0x7e: {  	_ =	swait.ge [sflag:s18], $0x2800  }
0x7f: {  	[sflag:s18] =	ssyncset.done $0x0  }
0x80: {  	s12 =	sadd.s32 $0xA0, s10;
	[sflag:s18] =	ssyncadd.s32 $0xFFFFD800  }
0x81: {  	[tilespmem:s17], [sflag:$0x1] =	stream.indirect.gather [hbm4b:s4+s20], $0x80, s12, s20, $0xb8;
	[tilespmem:$0x1A000] =	vst v63  }
0x82: {  	_ =	swait.ge [sflag:s24], $0x2800  }
0x83: {  	[sflag:s24] =	ssyncset.done $0x0  }
0x84: {  	s6 =	simm.s32 $0x3FC0;
	[sflag:s24] =	ssyncadd.s32 $0xFFFFD800  }
0x85: {  	v5 =	vld [tilespmem:s6+$0x30]  }
0x86: {  	v8 =	vld [tilespmem:s6+$0x10]  }
0x87: {  	s13 =	sadd.s32 $0x0, s31;
	v6 =	vld [tilespmem:s6+$0xFFFFFFC0]  }
0x88: {  	v2 =	vld.msk [tilespmem:s13+$0x0 ss:$0x0], $0xffff  }
0x89: {  	v10 =	vld [tilespmem:s6+$0xFFFFFFE0]  }
0x8a: {  	v1 =	vld [tilespmem:s6+$0xFFFFFFF0]  }
0x8b: {  	v3 =	vld [tilespmem:s6+$0x20]  }
0x8c: {  	v4 =	vld [tilespmem:s6+$0xFFFFFFD0]  }
0x8d: {  	v9 =	vmul.f32 v5, v2;
	v5 =	vld [tilespmem:s6+$0x0]  }
0x8e: {  	v7 =	vmul.f32 v2, v6  }
0x8f: {  	s10 =	simm.s32 $0x4;
	s11 =	simm.s32 $0x3FC0;
	v6 =	vmul.f32 v10, v2;
	v8 =	vmul.f32 v8, v2  }
.LBB2_8:
0x90: {  	p0 =	sne.s32 s10, $0x13C  }
0x91: {  	v4 =	vmul.f32 v4, v2;
	v3 =	vmul.f32 v3, v2;
	[tilespmem:s6+$0x30] =	vst v9;
	s11 =	sadd.s32 $0x80, s11;
	s12 =	smov.u32 s10;
	s10 =	sadd.s32 $0x4, s10  }
0x92: {  	[tilespmem:s6+$0xFFFFFFC0] =	vst v7;
	v7 =	vmul.f32 v1, v2;
	v2 =	vmul.f32 v5, v2  }
0x93: {  	[tilespmem:s6+$0x10] =	vst v8  }
0x94: {  	[tilespmem:s6+$0xFFFFFFE0] =	vst v6  }
0x95: {  	v1 =	vld [tilespmem:s11+$0xFFFFFFF0];
	[tilespmem:s6+$0xFFFFFFF0] =	vst v7  }
0x96: {  	v6 =	vld [tilespmem:s11+$0x30];
	[tilespmem:s6+$0x0] =	vst v2  }
0x97: {  	s12 =	sshra.s32 s12, $0x2;
	v8 =	vld [tilespmem:s11+$0x10];
	[tilespmem:s6+$0x20] =	vst v3  }
0x98: {  	s12 =	sadd.s32 s12, s31;
	v7 =	vld [tilespmem:s11+$0xFFFFFFC0];
	[tilespmem:s6+$0xFFFFFFD0] =	vst v4;
	s6 =	smov.u32 s11  }
0x99: {  	v2 =	vld.msk [tilespmem:s12+$0x0 ss:$0x0], $0xffff  }
0x9a: {  	v10 =	vld [tilespmem:s11+$0xFFFFFFE0]  }
0x9b: {  	v3 =	vld [tilespmem:s11+$0x20]  }
.Ltmp2:
0x9c: {  	v4 =	vld [tilespmem:s11+$0xFFFFFFD0];
	(pc) =	sbr.rel @p0 .LBB2_8-.Ltmp2, $3  }
0x9d: {  	v5 =	vld [tilespmem:s11+$0x0];
	_ =	sdelay $0x1  }
0x9e: {  	v7 =	vmul.f32 v2, v7;
	v9 =	vmul.f32 v6, v2  }
0x9f: {  	v8 =	vmul.f32 v8, v2;
	v6 =	vmul.f32 v10, v2  }
0xa0: {  	[tilespmem:s6+$0x30] =	vst v9  }
0xa1: {  	[tilespmem:s6+$0xFFFFFFC0] =	vst v7  }
0xa2: {  	v1 =	vmul.f32 v1, v2;
	[tilespmem:s6+$0x10] =	vst v8  }
0xa3: {  	v3 =	vmul.f32 v3, v2;
	[tilespmem:s6+$0xFFFFFFE0] =	vst v6  }
0xa4: {  	v5 =	vmul.f32 v5, v2;
	[tilespmem:s6+$0xFFFFFFF0] =	vst v1  }
0xa5: {  	s1 =	sadd.s32 $0x1, s1;
	v1 =	vmul.f32 v4, v2;
	[tilespmem:s6+$0x20] =	vst v3  }
0xa6: {  	p0 =	sne.s32 s1, $0xC;
	[tilespmem:s6+$0x0] =	vst v5  }
.Ltmp3:
0xa7: {  	s0 =	sadd.s32 $0x7D0, s0;
	[tilespmem:s6+$0xFFFFFFD0] =	vst v1;
	(pc) =	sbr.rel @p0 .LBB2_5-.Ltmp3, $4  }
0xa8: {  	[spmem:s2] =	stream.indirect.scatter.add.f32 [tilespmem:s21], [sflag:$0x3], $0x80, s0, s20, $0xb8;
	[tilespmem:$0x1A000] =	vst v63  }
0xa9: {  	_ =	swait.ge [sflag:s18], $0x2800  }
0xaa: {  	[sflag:s18] =	ssyncset.done $0x0  }
0xab: {  	s30 =	sadd.s32 $0xA0, s30;
	s31 =	sadd.s32 $0xA0, s31;
	[sflag:s18] =	ssyncadd.s32 $0xFFFFD800  }
0xac: {  	_ =	swait.ge [sflag:s22], $0x2800  }
0xad: {  	[sflag:s22] =	ssyncset.done $0x0  }
0xae: {  	s0 =	simm.s32 $0x17C0;
	[sflag:s22] =	ssyncadd.s32 $0xFFFFD800  }
0xaf: {  	v5 =	vld [tilespmem:s0+$0x30]  }
0xb0: {  	s1 =	simm.s32 $0x0;
	v8 =	vld [tilespmem:s0+$0x10]  }
0xb1: {  	s1 =	sand.u32 $0x7F, s1;
	v6 =	vld [tilespmem:s0+$0xFFFFFFC0]  }
0xb2: {  	v2 =	vld.msk [tilespmem:s1+$0x1720 ss:$0x0], $0xffff  }
0xb3: {  	v10 =	vld [tilespmem:s0+$0xFFFFFFE0]  }
0xb4: {  	v1 =	vld [tilespmem:s0+$0xFFFFFFF0]  }
0xb5: {  	v3 =	vld [tilespmem:s0+$0x20]  }
0xb6: {  	v4 =	vld [tilespmem:s0+$0xFFFFFFD0]  }
0xb7: {  	v9 =	vmul.f32 v5, v2;
	v5 =	vld [tilespmem:s0+$0x0]  }
0xb8: {  	v7 =	vmul.f32 v2, v6  }
0xb9: {  	s6 =	simm.s32 $0x17C0;
	s1 =	simm.s32 $0x1;
	v6 =	vmul.f32 v10, v2;
	v8 =	vmul.f32 v8, v2  }
.LBB2_11:
0xba: {  	p0 =	sne.s32 s1, $0x4F  }
0xbb: {  	v4 =	vmul.f32 v4, v2;
	v3 =	vmul.f32 v3, v2;
	[tilespmem:s0+$0x30] =	vst v9;
	s6 =	sadd.s32 $0x80, s6;
	s10 =	smov.u32 s1;
	s1 =	sadd.s32 $0x1, s1  }
0xbc: {  	[tilespmem:s0+$0xFFFFFFC0] =	vst v7;
	v7 =	vmul.f32 v1, v2;
	v2 =	vmul.f32 v5, v2  }
0xbd: {  	[tilespmem:s0+$0x10] =	vst v8  }
0xbe: {  	[tilespmem:s0+$0xFFFFFFE0] =	vst v6  }
0xbf: {  	v1 =	vld [tilespmem:s6+$0xFFFFFFF0];
	[tilespmem:s0+$0xFFFFFFF0] =	vst v7  }
0xc0: {  	v6 =	vld [tilespmem:s6+$0x30];
	[tilespmem:s0+$0x0] =	vst v2  }
0xc1: {  	v8 =	vld [tilespmem:s6+$0x10];
	[tilespmem:s0+$0x20] =	vst v3  }
0xc2: {  	s10 =	sand.u32 $0x7F, s10;
	v7 =	vld [tilespmem:s6+$0xFFFFFFC0];
	[tilespmem:s0+$0xFFFFFFD0] =	vst v4;
	s0 =	smov.u32 s6  }
0xc3: {  	v2 =	vld.msk [tilespmem:s10+$0x1720 ss:$0x0], $0xffff  }
0xc4: {  	v10 =	vld [tilespmem:s6+$0xFFFFFFE0]  }
0xc5: {  	v3 =	vld [tilespmem:s6+$0x20]  }
.Ltmp4:
0xc6: {  	v4 =	vld [tilespmem:s6+$0xFFFFFFD0];
	(pc) =	sbr.rel @p0 .LBB2_11-.Ltmp4, $3  }
0xc7: {  	v5 =	vld [tilespmem:s6+$0x0];
	_ =	sdelay $0x1  }
0xc8: {  	v7 =	vmul.f32 v2, v7;
	v9 =	vmul.f32 v6, v2  }
0xc9: {  	v8 =	vmul.f32 v8, v2;
	v6 =	vmul.f32 v10, v2  }
0xca: {  	[tilespmem:s0+$0x30] =	vst v9  }
0xcb: {  	[tilespmem:s0+$0xFFFFFFC0] =	vst v7  }
0xcc: {  	v1 =	vmul.f32 v1, v2;
	[tilespmem:s0+$0x10] =	vst v8  }
0xcd: {  	v3 =	vmul.f32 v3, v2;
	[tilespmem:s0+$0xFFFFFFE0] =	vst v6  }
0xce: {  	v5 =	vmul.f32 v5, v2;
	[tilespmem:s0+$0xFFFFFFF0] =	vst v1  }
0xcf: {  	s29 =	sadd.s32 $0x1, s29;
	v1 =	vmul.f32 v4, v2;
	[tilespmem:s0+$0x20] =	vst v3  }
0xd0: {  	p0 =	sne.s32 s29, $0x5;
	[tilespmem:s0+$0x0] =	vst v5  }
.Ltmp5:
0xd1: {  	[tilespmem:s0+$0xFFFFFFD0] =	vst v1;
	(pc) =	sbr.rel @p0 .LBB2_4-.Ltmp5, $4  }
0xd2: {  	[spmem:s2] =	stream.indirect.scatter.add.f32 [tilespmem:s17], [sflag:$0x3], $0x80, s26, s20, $0xb8;
	[tilespmem:$0x1A000] =	vst v63  }
0xd3: {  	_ =	swait.ge [sflag:s18], $0x2800  }
0xd4: {  	[sflag:s18] =	ssyncset.done $0x0  }
0xd5: {  	[sflag:s18] =	ssyncadd.s32 $0xFFFFD800  }
0xd6: {  	s0 =	stileid.u32  }
0xd7: {  	s0 =	sshll.u32 s0, $0x6  }
0xd8: {  	[bflag:$0x0] =	sbarrier.arrive $0xFFFF;
	s0 =	sor.u32 $0x1C03, s0  }
0xd9: {  	[hbm:s23], [sflag:s0] =	dma.local [spmem:s25], $0x2710  }
0xda: {  	_ =	swait.ge [sflag:s18], $0x2710  }
0xdb: {  	s3 =	sadd.s32 $0x1, s3;
	s31 =	rddreg [dreg:$0x4]  }
0xdc: {  	p0 =	sne.s32 s3, s31  }
.Ltmp6:
0xdd: {  	_ = 	snop;
	(pc) =	sbr.rel @p0 .LBB2_1-.Ltmp6, $3  }
0xde: {  	_ =	sdelay $0x1  }
0xdf: {  	[sflag:s18] =	ssyncset.done $0x0  }
0xe0: {  	[sflag:s18] =	ssyncadd.s32 $0xFFFFD8F0  }
0xe1: {  	_ =	sfence.sel $0x180000  }
0xe2: {  	[bflag:$0x0] =	sbarrier.arrive $0xFFFF  }
0xe3: {  	_ =	strace $0x9000004A  }
0xe4: {  	s0 =	stileid.u32;
	[bflag:$0x2] =	sbarrier.arrive $0xFFFF  }
0xe5: {  	p0 =	sne.s32 s0, $0x0;
	s0 =	rddreg [dreg:$0x2]  }
0xe6: {  	s0 =	sadd.s32 @!p0 $0x100000, s0  }
0xe7: {  	[sflag:s0] =	ssyncadd.tile.s32 @!p0 $0x1;
	_ =	shalt  }
.Lfunc_end2:
_tile_overlayer_lowered:
.L_overlay_start_2:
0xe8: {  	(tag) =	ssettag $0x2  }
0xe9: {  	s0 =	rddreg [dreg:$0x0];
	s2 =	stileid.u32  }
0xea: {  	s1 =	rddreg [dreg:$0x1];
	p0 =	sne.s32 s2, $0x0  }
0xeb: {  	s3 =	rddreg [dreg:$0x2];
	[bflag:$0x3] =	sbarrier.arrive $0xFFFF;
	s2 =	simm.s32 @!p0 $0x1C03  }
0xec: {  	[timem:s3], [sflag:s2] =	dma.local @!p0 [hbm:s0], s1  }
0xed: {  	s0 =	simm.s32 @!p0 $0x3  }
0xee: {  	_ =	swait.ge @!p0 [sflag:s0], s1  }
0xef: {  	s1 =	ssub.s32 @!p0 $0x0, s1;
	[sflag:s0] =	ssyncset.done @!p0 $0x0  }
0xf0: {  	[sflag:s0] =	ssyncadd.s32 @!p0 s1  }
0xf1: {  	[bflag:$0x3] =	sbarrier.arrive $0xFFFF  }
0xf2: {  	_ =	shalt  }

// kernel: kernel.16.cloned.1.call-start
scs
__scs_entry_jumppad:
0x0: {  	(pc) =	sbr.rel $0x88, $3  }
0x1: {  	(tag) =	ssettag $0x0;
	lr =	simm.s32 $0x1  }
0x2: {  	[smem:$0x3F8D] =	sst lr;
	_ =	strace $0xD0000000  }
0x3: {  	_ = 	snop  }
0x4: {  	_ = 	snop  }
0x5: {  	_ = 	snop  }
0x6: {  	_ = 	snop  }
0x7: {  	_ = 	snop  }
__scs_overlays_trampoline_lowered:
0x8: {  	[smem:$0x3F9C] =	sst s0  }
0x9: {  	[smem:$0x3F9D] =	sst s1  }
0xa: {  	[smem:$0x3F9E] =	sst s2  }
0xb: {  	[smem:$0x3F9F] =	sst s3  }
0xc: {  	[smem:$0x3FA0] =	sst s4  }
0xd: {  	[smem:$0x3FA1] =	sst s5  }
0xe: {  	[smem:$0x3FA2] =	sst s6  }
0xf: {  	[smem:$0x3FA3] =	sst s7  }
0x10: {  	[smem:$0x3FA4] =	sst s8  }
0x11: {  	[smem:$0x3FA5] =	sst s9;
	s0 =	simm.s32 @!p0 $0x0  }
0x12: {  	s1 =	sld [smem:$0x3F8B];
	s0 =	simm.s32 @p0 $0x1  }
0x13: {  	[smem:$0x3FA6] =	sst s0;
	s0 =	simm.s32 @!p1 $0x0  }
0x14: {  	s2 =	sld [smem:$0x3F8A];
	s0 =	simm.s32 @p1 $0x1  }
0x15: {  	[smem:$0x3FA7] =	sst s0;
	s0 =	simm.s32 @!p2 $0x0  }
0x16: {  	s3 =	sld [smem:$0x3FDB];
	s0 =	simm.s32 @p2 $0x1  }
0x17: {  	s4 =	simm.s32 $0x1BF5;
	[smem:$0x3FA9] =	sst s0  }
0x18: {  	s0 =	sld [smem:$0x3F8C];
	_ =	swait.ge [sflag:s4], $0x0  }
0x19: {  	s7 =	sld [smem:$0x3F8D]  }
0x1a: {  	s8 =	sadd.s32 $0xFFFFE003, lr  }
0x1b: {  	s9 =	sadd.s32 $0xFFFFFEF7, lr;
	s5 =	simm.s32 $0xFFFFFFFF;
	p2 =	slt.u32 s8, $0xFFFFF086  }
0x1c: {  	p1 =	slt.u32 s9, $0xF7A;
	s5 =	simm.s32 @!p2 $0x0  }
0x1d: {  	s5 =	simm.s32 @p1 $0x1;
	p0 =	seq.s32 s7, s2  }
0x1e: {  	s7 =	smul.u32 @!p0 $0xF7A, s2;
	p2 =	seq.s32 @!p0 s5, $0x0  }
0x1f: {  	s9 =	smul.u32 $0xF7A, s1;
	s8 =	simm.s32 @!p0 $0x1BF5;
	p2 =	por !p2, p0  }
0x20: {  	[sflag:s8] =	ssyncset.s32 @!p0 $0xFFFFF086;
	s6 =	sadd.s32 @!p0 s3, s7;
	s7 =	simm.s32 @!p0 $0x108  }
0x21: {  	s3 =	sadd.s32 s3, s9;
	s6 =	sadd.s32 @!p0 $0x88, s6;
	s7 =	simm.s32 @p2 $0x1082  }
0x22: {  	[simem:s7], [sflag:s8] =	dma.local @!p0 [hbm:s6], $0xF7A  }
0x23: {  	s9 =	sor.u32 $0xD0000000, s2;
	s6 =	simm.s32 $0x108;
	_ =	swait.ge @!p0 [sflag:s8], $0x0  }
0x24: {  	s3 =	sadd.s32 $0x88, s3;
	s6 =	simm.s32 @!p1 $0x1082;
	[sflag:s4] =	ssyncset.s32 $0xFFFFF086  }
0x25: {  	[simem:s6], [sflag:s4] =	dma.local [hbm:s3], $0xF7A  }
0x26: {  	[smem:$0x3F8D] =	sst s1;
	(tag) =	ssettag s2;
	_ =	strace s9  }
0x27: {  	s1 =	sld [smem:$0x3F9D]  }
0x28: {  	s2 =	sld [smem:$0x3F9E]  }
0x29: {  	s4 =	sld [smem:$0x3FA0]  }
0x2a: {  	p0 =	seq.s32 s5, $0x0;
	s5 =	sld [smem:$0x3FA1]  }
0x2b: {  	s6 =	sld [smem:$0x3FA2]  }
0x2c: {  	s7 =	sld [smem:$0x3FA3]  }
0x2d: {  	s3 =	simm.s32 $0x108;
	s8 =	sld [smem:$0x3FA4]  }
0x2e: {  	s3 =	simm.s32 @!p0 $0x1082;
	s9 =	sld [smem:$0x3FA5]  }
0x2f: {  	lr =	sadd.s32 s0, s3;
	s0 =	sld [smem:$0x3F9C]  }
0x30: {  	s3 =	sld [smem:$0x3F9F]  }
0x31: {  	[smem:$0x3FA8] =	sst s10  }
0x32: {  	s10 =	sld [smem:$0x3FA6];
	_ =	sdelay $0x3  }
0x33: {  	p0 =	seq.s32 s10, $0x1;
	s10 =	sld [smem:$0x3FA8];
	_ =	sdelay $0x3  }
0x34: {  	[smem:$0x3FA8] =	sst s10  }
0x35: {  	s10 =	sld [smem:$0x3FA7];
	_ =	sdelay $0x3  }
0x36: {  	p1 =	seq.s32 s10, $0x1;
	s10 =	sld [smem:$0x3FA8];
	_ =	sdelay $0x3  }
0x37: {  	[smem:$0x3FA8] =	sst s10  }
0x38: {  	s10 =	sld [smem:$0x3FA9]  }
0x39: {  	_ = 	snop;
	(pc) =	sbr.ind lr, $3  }
0x3a: {  	_ = 	snop  }
0x3b: {  	_ = 	snop  }
0x3c: {  	p2 =	seq.s32 s10, $0x1;
	s10 =	sld [smem:$0x3FA8]  }
0x3d: {  	_ =	shalt  }
0x3e: {  	_ =	shalt  }
0x3f: {  	_ =	shalt  }
0x40: {  	_ =	shalt  }
0x41: {  	_ =	shalt  }
0x42: {  	_ =	shalt  }
0x43: {  	_ =	shalt  }
0x44: {  	_ =	shalt  }
0x45: {  	_ =	shalt  }
0x46: {  	_ =	shalt  }
0x47: {  	_ =	shalt  }
0x48: {  	_ =	shalt  }
0x49: {  	_ =	shalt  }
0x4a: {  	_ =	shalt  }
0x4b: {  	_ =	shalt  }
0x4c: {  	_ =	shalt  }
0x4d: {  	_ =	shalt  }
0x4e: {  	_ =	shalt  }
0x4f: {  	_ =	shalt  }
0x50: {  	_ =	shalt  }
0x51: {  	_ =	shalt  }
0x52: {  	_ =	shalt  }
0x53: {  	_ =	shalt  }
0x54: {  	_ =	shalt  }
0x55: {  	_ =	shalt  }
0x56: {  	_ =	shalt  }
0x57: {  	_ =	shalt  }
0x58: {  	_ =	shalt  }
0x59: {  	_ =	shalt  }
0x5a: {  	_ =	shalt  }
0x5b: {  	_ =	shalt  }
0x5c: {  	_ =	shalt  }
0x5d: {  	_ =	shalt  }
0x5e: {  	_ =	shalt  }
0x5f: {  	_ =	shalt  }
0x60: {  	_ =	shalt  }
0x61: {  	_ =	shalt  }
0x62: {  	_ =	shalt  }
0x63: {  	_ =	shalt  }
0x64: {  	_ =	shalt  }
0x65: {  	_ =	shalt  }
0x66: {  	_ =	shalt  }
0x67: {  	_ =	shalt  }
0x68: {  	_ =	shalt  }
0x69: {  	_ =	shalt  }
0x6a: {  	_ =	shalt  }
0x6b: {  	_ =	shalt  }
0x6c: {  	_ =	shalt  }
0x6d: {  	_ =	shalt  }
0x6e: {  	_ =	shalt  }
0x6f: {  	_ =	shalt  }
0x70: {  	_ =	shalt  }
0x71: {  	_ =	shalt  }
0x72: {  	_ =	shalt  }
0x73: {  	_ =	shalt  }
0x74: {  	_ =	shalt  }
0x75: {  	_ =	shalt  }
0x76: {  	_ =	shalt  }
0x77: {  	_ =	shalt  }
0x78: {  	_ =	shalt  }
0x79: {  	_ =	shalt  }
0x7a: {  	_ =	shalt  }
0x7b: {  	_ =	shalt  }
0x7c: {  	_ =	shalt  }
0x7d: {  	_ =	shalt  }
0x7e: {  	_ =	shalt  }
0x7f: {  	_ =	shalt  }
0x80: {  	_ =	shalt  }
0x81: {  	_ =	shalt  }
0x82: {  	_ =	shalt  }
0x83: {  	_ =	shalt  }
0x84: {  	_ =	shalt  }
0x85: {  	_ =	shalt  }
0x86: {  	_ =	shalt  }
0x87: {  	_ =	shalt  }
.Lfunc_end0:
.L_simem_size_0:
called_computation.2_lowered:
.L_overlay_start_0:
0x88: {  	s2 =	sld [smem:$0x3FD9]  }
0x89: {  	s3 =	sld [smem:$0x3FFE];
	_ =	sdelay $0x1  }
0x8a: {  	s1 =	srdreg.scid  }
0x8b: {  	s0 =	sand.u32 $0x1, s1  }
0x8c: {  	s16 =	sshll.u32 s0, $0xA;
	s2 =	sadd.s32 s3, s2  }
0x8d: {  	s2 =	sadd.s32 s2, s16  }
0x8e: {  	[smem:$0x3FB4] =	sst s2  }
0x8f: {  	_ = 	snop  }
0x90: {  	(tm) =	ssettm $0x1  }
0x91: {  	s17 =	sld [smem:$0x3FFB];
	_ =	sdelay $0x3  }
0x92: {  	_ =	strace s17  }
0x93: {  	s2 =	sld [smem:$0x3FFC];
	_ =	sdelay $0x3  }
0x94: {  	_ =	strace s2  }
0x95: {  	s2 =	sld [smem:$0x3FFD];
	_ =	sdelay $0x3  }
0x96: {  	_ =	strace s2  }
0x97: {  	_ =	strace $0x8FFFFFFF  }
0x98: {  	s18 =	sld [smem:$0x3FDB];
	_ =	sdelay $0x1  }
0x99: {  	s19 =	simm.s32 $_scs_section_size  }
0x9a: {  	s4 =	simm.s32 $_size__tile_overlayer_lowered;
	s5 =	simm.s32 $_tile_overlayer_lowered  }
0x9b: {  	s22 =	simm.s32 $0x1BFF;
	s21 =	sshll.u32 s5, $0x1;
	s2 =	sadd.s32 s19, s18  }
0x9c: {  	s6 =	simm.s32 $0x0;
	s20 =	sshll.u32 s4, $0x1;
	s4 =	sadd.s32 s21, s2  }
0x9d: {  	[timem:s6], [sflag:s22] =	dma.local [hbm:s4], s20  }
0x9e: {  	_ =	swait.ge [sflag:s22], s20  }
0x9f: {  	s3 =	ssub.s32 $0x0, s20;
	[sflag:s22] =	ssyncset.done $0x0  }
0xa0: {  	[sflag:s22] =	ssyncadd.s32 s3;
	_ =	sdelay $0x1  }
0xa1: {  	s23 =	simm.s32 $0x1B8B  }
0xa2: {  	_ =	swait.ge [sflag:s23], $0x1  }
0xa3: {  	[sflag:s23] =	ssyncset.done $0x0  }
0xa4: {  	s25 =	simm.s32 $0x1B8E;
	s24 =	sld [smem:$0x3FFE];
	[sflag:s23] =	ssyncadd.s32 $0xFFFFFFFF  }
0xa5: {  	s26 =	simm.s32 $execute0_lowered;
	[smem:$0x3FD2] =	sst s25  }
0xa6: {  	s4 =	sshll.u32 s26, $0x1;
	_ =	strace $0x8000004C;
	[dreg:$0x1] =	wrdreg $0xFFFFFFFF  }
0xa7: {  	s28 =	simm.s32 $_size_execute0_lowered;
	s2 =	sadd.s32 s2, s4;
	[dreg:$0x0] =	wrdreg $0x0  }
0xa8: {  	s4 =	sshll.u32 s28, $0x1;
	[dreg:$0x2] =	wrdreg s2  }
0xa9: {  	[dreg:$0x3] =	wrdreg s4  }
0xaa: {  	[dreg:$0x4] =	wrdreg $0xC0  }
0xab: {  	_ =	task [dreg:s6], $0x5FFFF  }
0xac: {  	[dreg:$0x1] =	wrdreg $0xFFFFFFFF  }
0xad: {  	[dreg:$0x0] =	wrdreg $0x60  }
0xae: {  	[dreg:$0x2] =	wrdreg s24  }
0xaf: {  	[dreg:$0x3] =	wrdreg $0x9  }
0xb0: {  	_ =	task.clear_ibuf [dreg:s6], $0x4FFFF;
	_ =	strace $0x9000004C  }
0xb1: {  	s29 =	simm.s32 $0x9;
	_ =	strace $0x8000004E  }
0xb2: {  	_ =	swait.ge [sflag:s29], $0x1  }
0xb3: {  	[sflag:s29] =	ssyncadd.s32 $0xFFFFFFFF  }
0xb4: {  	_ =	strace $0x9000004E  }
0xb5: {  	_ =	sfence  }
0xb6: {  	s30 =	sld [smem:$0x0];
	_ =	sdelay $0x2  }
0xb7: {  	s31 =	sshll.u32 s1, $0xD;
	s1 =	sshrl.u32 s1, $0x2  }
0xb8: {  	s3 =	sand.u32 $0x4000, s31;
	s1 =	sadd.s32 s1, s30  }
0xb9: {  	s0 =	sor.u32 s3, s0;
	s1 =	sshll.u32 s1, $0x11  }
0xba: {  	s0 =	sor.u32 s1, s0  }
0xbb: {  	s0 =	sadd.s32 $0x8F2B, s0  }
0xbc: {  	[sflag:s0] =	ssyncadd.remote.s32 $0x1  }
0xbd: {  	_ =	sfence.sel $0xFFFF  }
0xbe: {  	[dreg:$0x0] =	wrdreg $0xFFFFFFFF;
	(pc) =	sbr.abs _section_cstart, $3  }
0xbf: {  	[dreg:$0x1] =	wrdreg $0xFFFFFFFF  }
0xc0: {  	_ =	task.clear_ibuf [dreg:s6], $0x2FFFF;
	_ =	strace $0x9FFFFFFF  }
0xc1: {  	(tm) =	ssettm $0x7FFFFFFF  }
tec
execute0_lowered:
.L_overlay_start_1:
0x0: {  	(tag) =	ssettag $0x1  }
0x1: {  	s1 =	srdreg.scid  }
0x2: {  	s0 =	stileid.u32;
	s5 =	rddreg [dreg:$0x0];
	s2 =	simm.s32 $0x0  }
0x3: {  	s11 =	simm.s32 $0x1;
	s12 =	simm.s32 $0x2710;
	s13 =	simm.s32 $0x4E20  }
0x4: {  	s14 =	simm.s32 $0x7530;
	s15 =	simm.s32 $0x9C40;
	s16 =	simm.s32 $0xEA60  }
0x5: {  	s17 =	simm.s32 $0xC350;
	s4 =	sand.u32 $0x1, s1;
	s3 =	sshll.u32 s0, $0x1  }
0x6: {  	s18 =	simm.s32 $0x0;
	s1 =	rddreg [dreg:$0x1];
	s3 =	sor.u32 s4, s3  }
0x7: {  	[smem:$0x7FF] =	sst s2;
	s7 =	ssub.s32 $0x2, s4;
	s6 =	smul.u32 $0x4E2, s3  }
0x8: {  	_ =	strace $0x8000004D;
	s4 =	sadd.s32 $0xA4E00, s5;
	s31 =	sshrl.u32 s7, $0x1  }
0x9: {  	s3 =	sadd.s32 $0xA4800, s5;
	s10 =	ssub.s32 s7, s31;
	s9 =	sadd.s32 s6, s5  }
0xa: {  	s10 =	smax.u32 s10, $0x1;
	s5 =	sadd.s32 $0x10600, s9;
	s6 =	sadd.s32 $0x6800, s9  }
0xb: {  	v0 =	vimm.f32 $0.0e+00;
	s7 =	sadd.s32 $0xB6800, s9;
	s8 =	sadd.s32 $0x1A400, s9;
	s9 =	sadd.s32 $0xA5400, s9  }
.LBB2_1:
0xc: {  	[tilespmem:s2], [sflag:$0x1] =	stream.linear.gather [hbm4b:s3+s2], $0x2710, $0x38;
	[tilespmem:$0x11170] =	vst v63  }
0xd: {  	_ =	swait.ge [sflag:s11], $0x2710  }
0xe: {  	[sflag:s11] =	ssyncset.done $0x0  }
0xf: {  	[sflag:s11] =	ssyncadd.s32 $0xFFFFD8F0  }
0x10: {  	[tilespmem:s12], [sflag:$0x1] =	stream.linear.gather [hbm4b:s4+s2], $0x2710, $0x38;
	[tilespmem:$0x11170] =	vst v63  }
0x11: {  	_ =	swait.ge [sflag:s11], $0x2710  }
0x12: {  	[sflag:s11] =	ssyncset.done $0x0  }
0x13: {  	[sflag:s11] =	ssyncadd.s32 $0xFFFFD8F0  }
0x14: {  	[tilespmem:s13], [sflag:$0x1] =	stream.linear.gather [hbm4b:s5+s2], $0x2710, $0x38;
	[tilespmem:$0x11170] =	vst v63  }
0x15: {  	_ =	swait.ge [sflag:s11], $0x2710  }
0x16: {  	[sflag:s11] =	ssyncset.done $0x0  }
0x17: {  	[sflag:s11] =	ssyncadd.s32 $0xFFFFD8F0  }
0x18: {  	[tilespmem:s14], [sflag:$0x1] =	stream.linear.gather [hbm4b:s6+s2], $0x2710, $0x38;
	[tilespmem:$0x11170] =	vst v63  }
0x19: {  	_ =	swait.ge [sflag:s11], $0x2710  }
0x1a: {  	[sflag:s11] =	ssyncset.done $0x0  }
0x1b: {  	[sflag:s11] =	ssyncadd.s32 $0xFFFFD8F0  }
0x1c: {  	[tilespmem:s15], [sflag:$0x1] =	stream.linear.gather [hbm4b:s7+s2], $0x2710, $0x38;
	[tilespmem:$0x11170] =	vst v63  }
0x1d: {  	_ =	swait.ge [sflag:s11], $0x2710  }
0x1e: {  	[sflag:s11] =	ssyncset.done $0x0  }
0x1f: {  	s19 =	simm.s32 $0x0;
	[sflag:s11] =	ssyncadd.s32 $0xFFFFD8F0  }
.LBB2_2:
0x20: {  	p0 =	sne.s32 s19, $0x9C00  }
.Ltmp0:
0x21: {  	_ = 	snop;
	(pc) =	sbr.rel @p0 .LBB2_2-.Ltmp0, $3  }
0x22: {  	_ =	sdelay $0x1  }
0x23: {  	s20 =	sshra.s32 s19, $0x2  }
0x24: {  	s19 =	sadd.s32 $0x40, s19;
	[tilespmem:s20+$0xEA60] =	vst v0  }
0x25: {  	s19 =	simm.s32 $0x0  }
0x26: {  	v1 =	vld [tilespmem:s19+$0x7530]  }
0x27: {  	s20 =	simm.s32 $0x40;
	v2 =	vld [tilespmem:s19+$0x4E20]  }
.LBB2_4:
0x28: {  	p0 =	sne.s32 s20, $0x9C00;
	_ =	sdelay $0x5  }
0x29: {  	v1 =	vld.idx.msk [tilespmem:v1+s12+$0x0], $0xffff  }
0x2a: {  	v2 =	vld.idx.msk [tilespmem:v2+s2+$0x0], $0xffff;
	_ =	sdelay $0x2  }
0x2b: {  	v3 =	vld [tilespmem:s19+$0x9C40];
	_ =	sdelay $0x2  }
0x2c: {  	v1 =	vadd.f32 v1, v2;
	_ =	sdelay $0x1  }
0x2d: {  	v1 =	vadd.f32 v3, v1;
	_ =	sdelay $0x1  }
0x2e: {  	v2 =	vmul.f32 $2.000000030e-01, v1  }
0x2f: {  	vm0 =	vgt.f32 v1, $0.0e+00  }
0x30: {  	v1 =	vsel vm0, v1, v2  }
0x31: {  	v1 =	vmul.f32 $1.442695020e+00, v1;
	_ =	sdelay $0x1  }
0x32: {  	(erf) = vpow2.f32 v1;
	_ =	sdelay $0x2  }
0x33: {  	v1 =	vld [tilespmem:s19+$0x7530];
	_ =	sdelay $0x5  }
.Ltmp1:
0x34: {  	v2 =	vpop (erf);
	(pc) =	sbr.rel @p0 .LBB2_4-.Ltmp1, $4  }
0x35: {  	[tilespmem:s19+$0xC350] =	vst v2  }
0x36: {  	s19 =	sshra.s32 s20, $0x2;
	[tilespmem:v1+s16+$0x0] =	vst.idx.add.f32.msk $0xffff, v2  }
0x37: {  	v1 =	vld [tilespmem:s19+$0x7530]  }
0x38: {  	s20 =	sadd.s32 $0x40, s20;
	v2 =	vld [tilespmem:s19+$0x4E20]  }
0x39: {  	_ =	sdelay $0x6  }
0x3a: {  	v1 =	vld.idx.msk [tilespmem:v1+s12+$0x0], $0xffff  }
0x3b: {  	v2 =	vld.idx.msk [tilespmem:v2+s2+$0x0], $0xffff;
	_ =	sdelay $0x1  }
0x3c: {  	v3 =	vld [tilespmem:s19+$0x9C40];
	_ =	sdelay $0x2  }
0x3d: {  	v1 =	vadd.f32 v1, v2;
	_ =	sdelay $0x1  }
0x3e: {  	v1 =	vadd.f32 v3, v1;
	_ =	sdelay $0x1  }
0x3f: {  	v2 =	vmul.f32 $2.000000030e-01, v1  }
0x40: {  	vm0 =	vgt.f32 v1, $0.0e+00  }
0x41: {  	v1 =	vsel vm0, v1, v2  }
0x42: {  	v1 =	vmul.f32 $1.442695020e+00, v1;
	_ =	sdelay $0x1  }
0x43: {  	(erf) = vpow2.f32 v1;
	_ =	sdelay $0x2  }
0x44: {  	v1 =	vld [tilespmem:s19+$0x7530];
	_ =	sdelay $0x5  }
0x45: {  	v2 =	vpop (erf)  }
0x46: {  	[tilespmem:s19+$0xC350] =	vst v2  }
0x47: {  	[tilespmem:v1+s16+$0x0] =	vst.idx.add.f32.msk $0xffff, v2  }
0x48: {  	[hbm4b:s8+s2] =	stream.linear.scatter [tilespmem:s17], [sflag:$0x1], $0x2710, $0x38;
	[tilespmem:$0x11170] =	vst v63  }
0x49: {  	s18 =	sadd.s32 $0x1, s18;
	_ =	swait.ge [sflag:s11], $0x2710  }
0x4a: {  	p0 =	sne.s32 s18, s10;
	[sflag:s11] =	ssyncset.done $0x0  }
.Ltmp2:
0x4b: {  	[sflag:s11] =	ssyncadd.s32 $0xFFFFD8F0;
	(pc) =	sbr.rel @p0 .LBB2_1-.Ltmp2, $4  }
0x4c: {  	[hbm4b:s9+s2] =	stream.linear.scatter [tilespmem:s16], [sflag:$0x1], $0x2710, $0x38;
	[tilespmem:$0x11170] =	vst v63  }
0x4d: {  	_ =	swait.ge [sflag:s11], $0x2710  }
0x4e: {  	[sflag:s11] =	ssyncset.done $0x0  }
0x4f: {  	[sflag:s11] =	ssyncadd.s32 $0xFFFFD8F0  }
0x50: {  	_ =	sfence.sel $0x180000  }
0x51: {  	[bflag:$0x0] =	sbarrier.arrive $0xFFFF  }
0x52: {  	p0 =	sne.s32 s0, $0x0;
	_ =	strace $0x9000004D  }
0x53: {  	s0 =	sadd.s32 @!p0 $0x100000, s1;
	[bflag:$0x2] =	sbarrier.arrive $0xFFFF  }
0x54: {  	[sflag:s0] =	ssyncadd.tile.s32 @!p0 $0x1;
	_ =	shalt  }
.Lfunc_end2:
_tile_overlayer_lowered:
.L_overlay_start_2:
0x55: {  	(tag) =	ssettag $0x2  }
0x56: {  	s0 =	rddreg [dreg:$0x0];
	s2 =	stileid.u32  }
0x57: {  	s1 =	rddreg [dreg:$0x1];
	p0 =	sne.s32 s2, $0x0  }
0x58: {  	s3 =	rddreg [dreg:$0x2];
	[bflag:$0x3] =	sbarrier.arrive $0xFFFF;
	s2 =	simm.s32 @!p0 $0x1C01  }
0x59: {  	[timem:s3], [sflag:s2] =	dma.local @!p0 [hbm:s0], s1  }
0x5a: {  	s0 =	simm.s32 @!p0 $0x1  }
0x5b: {  	_ =	swait.ge @!p0 [sflag:s0], s1  }
0x5c: {  	s1 =	ssub.s32 @!p0 $0x0, s1;
	[sflag:s0] =	ssyncset.done @!p0 $0x0  }
0x5d: {  	[sflag:s0] =	ssyncadd.s32 @!p0 s1  }
0x5e: {  	[bflag:$0x3] =	sbarrier.arrive $0xFFFF  }
0x5f: {  	_ =	shalt  }

// kernel: kernel.19.cloned.1.call-start
scs
__scs_entry_jumppad:
0x0: {  	(pc) =	sbr.rel $0x88, $3  }
0x1: {  	(tag) =	ssettag $0x0;
	lr =	simm.s32 $0x1  }
0x2: {  	[smem:$0x3F8D] =	sst lr;
	_ =	strace $0xD0000000  }
0x3: {  	_ = 	snop  }
0x4: {  	_ = 	snop  }
0x5: {  	_ = 	snop  }
0x6: {  	_ = 	snop  }
0x7: {  	_ = 	snop  }
__scs_overlays_trampoline_lowered:
0x8: {  	[smem:$0x3F9C] =	sst s0  }
0x9: {  	[smem:$0x3F9D] =	sst s1  }
0xa: {  	[smem:$0x3F9E] =	sst s2  }
0xb: {  	[smem:$0x3F9F] =	sst s3  }
0xc: {  	[smem:$0x3FA0] =	sst s4  }
0xd: {  	[smem:$0x3FA1] =	sst s5  }
0xe: {  	[smem:$0x3FA2] =	sst s6  }
0xf: {  	[smem:$0x3FA3] =	sst s7  }
0x10: {  	[smem:$0x3FA4] =	sst s8  }
0x11: {  	[smem:$0x3FA5] =	sst s9;
	s0 =	simm.s32 @!p0 $0x0  }
0x12: {  	s1 =	sld [smem:$0x3F8B];
	s0 =	simm.s32 @p0 $0x1  }
0x13: {  	[smem:$0x3FA6] =	sst s0;
	s0 =	simm.s32 @!p1 $0x0  }
0x14: {  	s2 =	sld [smem:$0x3F8A];
	s0 =	simm.s32 @p1 $0x1  }
0x15: {  	[smem:$0x3FA7] =	sst s0;
	s0 =	simm.s32 @!p2 $0x0  }
0x16: {  	s3 =	sld [smem:$0x3FDB];
	s0 =	simm.s32 @p2 $0x1  }
0x17: {  	s4 =	simm.s32 $0x1BF5;
	[smem:$0x3FA9] =	sst s0  }
0x18: {  	s0 =	sld [smem:$0x3F8C];
	_ =	swait.ge [sflag:s4], $0x0  }
0x19: {  	s7 =	sld [smem:$0x3F8D]  }
0x1a: {  	s8 =	sadd.s32 $0xFFFFE003, lr  }
0x1b: {  	s9 =	sadd.s32 $0xFFFFFEF7, lr;
	s5 =	simm.s32 $0xFFFFFFFF;
	p2 =	slt.u32 s8, $0xFFFFF086  }
0x1c: {  	p1 =	slt.u32 s9, $0xF7A;
	s5 =	simm.s32 @!p2 $0x0  }
0x1d: {  	s5 =	simm.s32 @p1 $0x1;
	p0 =	seq.s32 s7, s2  }
0x1e: {  	s7 =	smul.u32 @!p0 $0xF7A, s2;
	p2 =	seq.s32 @!p0 s5, $0x0  }
0x1f: {  	s9 =	smul.u32 $0xF7A, s1;
	s8 =	simm.s32 @!p0 $0x1BF5;
	p2 =	por !p2, p0  }
0x20: {  	[sflag:s8] =	ssyncset.s32 @!p0 $0xFFFFF086;
	s6 =	sadd.s32 @!p0 s3, s7;
	s7 =	simm.s32 @!p0 $0x108  }
0x21: {  	s3 =	sadd.s32 s3, s9;
	s6 =	sadd.s32 @!p0 $0x88, s6;
	s7 =	simm.s32 @p2 $0x1082  }
0x22: {  	[simem:s7], [sflag:s8] =	dma.local @!p0 [hbm:s6], $0xF7A  }
0x23: {  	s9 =	sor.u32 $0xD0000000, s2;
	s6 =	simm.s32 $0x108;
	_ =	swait.ge @!p0 [sflag:s8], $0x0  }
0x24: {  	s3 =	sadd.s32 $0x88, s3;
	s6 =	simm.s32 @!p1 $0x1082;
	[sflag:s4] =	ssyncset.s32 $0xFFFFF086  }
0x25: {  	[simem:s6], [sflag:s4] =	dma.local [hbm:s3], $0xF7A  }
0x26: {  	[smem:$0x3F8D] =	sst s1;
	(tag) =	ssettag s2;
	_ =	strace s9  }
0x27: {  	s1 =	sld [smem:$0x3F9D]  }
0x28: {  	s2 =	sld [smem:$0x3F9E]  }
0x29: {  	s4 =	sld [smem:$0x3FA0]  }
0x2a: {  	p0 =	seq.s32 s5, $0x0;
	s5 =	sld [smem:$0x3FA1]  }
0x2b: {  	s6 =	sld [smem:$0x3FA2]  }
0x2c: {  	s7 =	sld [smem:$0x3FA3]  }
0x2d: {  	s3 =	simm.s32 $0x108;
	s8 =	sld [smem:$0x3FA4]  }
0x2e: {  	s3 =	simm.s32 @!p0 $0x1082;
	s9 =	sld [smem:$0x3FA5]  }
0x2f: {  	lr =	sadd.s32 s0, s3;
	s0 =	sld [smem:$0x3F9C]  }
0x30: {  	s3 =	sld [smem:$0x3F9F]  }
0x31: {  	[smem:$0x3FA8] =	sst s10  }
0x32: {  	s10 =	sld [smem:$0x3FA6];
	_ =	sdelay $0x3  }
0x33: {  	p0 =	seq.s32 s10, $0x1;
	s10 =	sld [smem:$0x3FA8];
	_ =	sdelay $0x3  }
0x34: {  	[smem:$0x3FA8] =	sst s10  }
0x35: {  	s10 =	sld [smem:$0x3FA7];
	_ =	sdelay $0x3  }
0x36: {  	p1 =	seq.s32 s10, $0x1;
	s10 =	sld [smem:$0x3FA8];
	_ =	sdelay $0x3  }
0x37: {  	[smem:$0x3FA8] =	sst s10  }
0x38: {  	s10 =	sld [smem:$0x3FA9]  }
0x39: {  	_ = 	snop;
	(pc) =	sbr.ind lr, $3  }
0x3a: {  	_ = 	snop  }
0x3b: {  	_ = 	snop  }
0x3c: {  	p2 =	seq.s32 s10, $0x1;
	s10 =	sld [smem:$0x3FA8]  }
0x3d: {  	_ =	shalt  }
0x3e: {  	_ =	shalt  }
0x3f: {  	_ =	shalt  }
0x40: {  	_ =	shalt  }
0x41: {  	_ =	shalt  }
0x42: {  	_ =	shalt  }
0x43: {  	_ =	shalt  }
0x44: {  	_ =	shalt  }
0x45: {  	_ =	shalt  }
0x46: {  	_ =	shalt  }
0x47: {  	_ =	shalt  }
0x48: {  	_ =	shalt  }
0x49: {  	_ =	shalt  }
0x4a: {  	_ =	shalt  }
0x4b: {  	_ =	shalt  }
0x4c: {  	_ =	shalt  }
0x4d: {  	_ =	shalt  }
0x4e: {  	_ =	shalt  }
0x4f: {  	_ =	shalt  }
0x50: {  	_ =	shalt  }
0x51: {  	_ =	shalt  }
0x52: {  	_ =	shalt  }
0x53: {  	_ =	shalt  }
0x54: {  	_ =	shalt  }
0x55: {  	_ =	shalt  }
0x56: {  	_ =	shalt  }
0x57: {  	_ =	shalt  }
0x58: {  	_ =	shalt  }
0x59: {  	_ =	shalt  }
0x5a: {  	_ =	shalt  }
0x5b: {  	_ =	shalt  }
0x5c: {  	_ =	shalt  }
0x5d: {  	_ =	shalt  }
0x5e: {  	_ =	shalt  }
0x5f: {  	_ =	shalt  }
0x60: {  	_ =	shalt  }
0x61: {  	_ =	shalt  }
0x62: {  	_ =	shalt  }
0x63: {  	_ =	shalt  }
0x64: {  	_ =	shalt  }
0x65: {  	_ =	shalt  }
0x66: {  	_ =	shalt  }
0x67: {  	_ =	shalt  }
0x68: {  	_ =	shalt  }
0x69: {  	_ =	shalt  }
0x6a: {  	_ =	shalt  }
0x6b: {  	_ =	shalt  }
0x6c: {  	_ =	shalt  }
0x6d: {  	_ =	shalt  }
0x6e: {  	_ =	shalt  }
0x6f: {  	_ =	shalt  }
0x70: {  	_ =	shalt  }
0x71: {  	_ =	shalt  }
0x72: {  	_ =	shalt  }
0x73: {  	_ =	shalt  }
0x74: {  	_ =	shalt  }
0x75: {  	_ =	shalt  }
0x76: {  	_ =	shalt  }
0x77: {  	_ =	shalt  }
0x78: {  	_ =	shalt  }
0x79: {  	_ =	shalt  }
0x7a: {  	_ =	shalt  }
0x7b: {  	_ =	shalt  }
0x7c: {  	_ =	shalt  }
0x7d: {  	_ =	shalt  }
0x7e: {  	_ =	shalt  }
0x7f: {  	_ =	shalt  }
0x80: {  	_ =	shalt  }
0x81: {  	_ =	shalt  }
0x82: {  	_ =	shalt  }
0x83: {  	_ =	shalt  }
0x84: {  	_ =	shalt  }
0x85: {  	_ =	shalt  }
0x86: {  	_ =	shalt  }
0x87: {  	_ =	shalt  }
.Lfunc_end0:
.L_simem_size_0:
called_computation.3_lowered:
.L_overlay_start_0:
0x88: {  	s2 =	sld [smem:$0x3FD9]  }
0x89: {  	s3 =	sld [smem:$0x3FFE];
	_ =	sdelay $0x1  }
0x8a: {  	s1 =	srdreg.scid  }
0x8b: {  	s0 =	sand.u32 $0x1, s1  }
0x8c: {  	s16 =	sshll.u32 s0, $0xA;
	s2 =	sadd.s32 s3, s2  }
0x8d: {  	s2 =	sadd.s32 s2, s16  }
0x8e: {  	[smem:$0x3FB4] =	sst s2  }
0x8f: {  	_ = 	snop  }
0x90: {  	(tm) =	ssettm $0x1  }
0x91: {  	s17 =	sld [smem:$0x3FFB];
	_ =	sdelay $0x3  }
0x92: {  	_ =	strace s17  }
0x93: {  	s2 =	sld [smem:$0x3FFC];
	_ =	sdelay $0x3  }
0x94: {  	_ =	strace s2  }
0x95: {  	s2 =	sld [smem:$0x3FFD];
	_ =	sdelay $0x3  }
0x96: {  	_ =	strace s2  }
0x97: {  	_ =	strace $0x8FFFFFFF  }
0x98: {  	s18 =	sld [smem:$0x3FDB];
	_ =	sdelay $0x1  }
0x99: {  	s19 =	simm.s32 $_scs_section_size  }
0x9a: {  	s4 =	simm.s32 $_size__tile_overlayer_lowered;
	s5 =	simm.s32 $_tile_overlayer_lowered  }
0x9b: {  	s22 =	simm.s32 $0x1BFF;
	s21 =	sshll.u32 s5, $0x1;
	s2 =	sadd.s32 s19, s18  }
0x9c: {  	s6 =	simm.s32 $0x0;
	s20 =	sshll.u32 s4, $0x1;
	s4 =	sadd.s32 s21, s2  }
0x9d: {  	[timem:s6], [sflag:s22] =	dma.local [hbm:s4], s20  }
0x9e: {  	_ =	swait.ge [sflag:s22], s20  }
0x9f: {  	s3 =	ssub.s32 $0x0, s20;
	[sflag:s22] =	ssyncset.done $0x0  }
0xa0: {  	[sflag:s22] =	ssyncadd.s32 s3;
	_ =	sdelay $0x1  }
0xa1: {  	s23 =	simm.s32 $0x1B8B  }
0xa2: {  	_ =	swait.ge [sflag:s23], $0x1  }
0xa3: {  	[sflag:s23] =	ssyncset.done $0x0  }
0xa4: {  	s25 =	simm.s32 $0x1B8E;
	s24 =	sld [smem:$0x3FFE];
	[sflag:s23] =	ssyncadd.s32 $0xFFFFFFFF  }
0xa5: {  	s26 =	simm.s32 $execute0_lowered;
	[smem:$0x3FD2] =	sst s25  }
0xa6: {  	s4 =	sshll.u32 s26, $0x1;
	_ =	strace $0x8000004F;
	[dreg:$0x1] =	wrdreg $0xFFFFFFFF  }
0xa7: {  	s28 =	simm.s32 $_size_execute0_lowered;
	s2 =	sadd.s32 s2, s4;
	[dreg:$0x0] =	wrdreg $0x0  }
0xa8: {  	s4 =	sshll.u32 s28, $0x1;
	[dreg:$0x2] =	wrdreg s2  }
0xa9: {  	[dreg:$0x3] =	wrdreg s4  }
0xaa: {  	[dreg:$0x4] =	wrdreg $0xC0  }
0xab: {  	_ =	task [dreg:s6], $0x5FFFF  }
0xac: {  	[dreg:$0x1] =	wrdreg $0xFFFFFFFF  }
0xad: {  	[dreg:$0x0] =	wrdreg $0x60  }
0xae: {  	[dreg:$0x2] =	wrdreg s24  }
0xaf: {  	[dreg:$0x3] =	wrdreg $0x67800  }
0xb0: {  	[dreg:$0x4] =	wrdreg $0x9  }
0xb1: {  	_ =	task.clear_ibuf [dreg:s6], $0x5FFFF;
	_ =	strace $0x9000004F  }
0xb2: {  	s29 =	simm.s32 $0x9;
	_ =	strace $0x80000051  }
0xb3: {  	_ =	swait.ge [sflag:s29], $0x1  }
0xb4: {  	[sflag:s29] =	ssyncadd.s32 $0xFFFFFFFF  }
0xb5: {  	_ =	strace $0x90000051  }
0xb6: {  	_ =	sfence  }
0xb7: {  	s30 =	sld [smem:$0x0];
	_ =	sdelay $0x2  }
0xb8: {  	s31 =	sshll.u32 s1, $0xD;
	s1 =	sshrl.u32 s1, $0x2  }
0xb9: {  	s3 =	sand.u32 $0x4000, s31;
	s1 =	sadd.s32 s1, s30  }
0xba: {  	s0 =	sor.u32 s3, s0;
	s1 =	sshll.u32 s1, $0x11  }
0xbb: {  	s0 =	sor.u32 s1, s0  }
0xbc: {  	s0 =	sadd.s32 $0x8F2B, s0  }
0xbd: {  	[sflag:s0] =	ssyncadd.remote.s32 $0x1  }
0xbe: {  	_ =	sfence.sel $0xFFFF  }
0xbf: {  	[dreg:$0x0] =	wrdreg $0xFFFFFFFF;
	(pc) =	sbr.abs _section_cstart, $3  }
0xc0: {  	[dreg:$0x1] =	wrdreg $0xFFFFFFFF  }
0xc1: {  	_ =	task.clear_ibuf [dreg:s6], $0x2FFFF;
	_ =	strace $0x9FFFFFFF  }
0xc2: {  	(tm) =	ssettm $0x7FFFFFFF  }
0xc3: {  	_ =	shalt  }
tec
execute0_lowered:
.L_overlay_start_1:
0x0: {  	(tag) =	ssettag $0x1  }
0x1: {  	s0 =	srdreg.scid;
	s1 =	rddreg [dreg:$0x0]  }
0x2: {  	s8 =	stileid.u32;
	s2 =	rddreg [dreg:$0x1]  }
0x3: {  	s17 =	simm.s32 $0x1780;
	s18 =	simm.s32 $0x3;
	s19 =	simm.s32 $0x7D0  }
0x4: {  	s20 =	simm.s32 $0x50;
	s21 =	simm.s32 $0x3F80;
	s22 =	simm.s32 $0x1  }
0x5: {  	s0 =	sand.u32 $0x1, s0;
	s3 =	sshll.u32 s8, $0x1;
	s7 =	smul.u32 $0x4E200, s8  }
0x6: {  	s28 =	simm.s32 $0x0;
	s25 =	smul.u32 $0x13880, s8;
	s4 =	sor.u32 s0, s3  }
0x7: {  	s3 =	simm.s32 $0x0;
	s6 =	smul.u32 $0x27100, s0;
	s0 =	ssub.s32 $0x2, s0  }
0x8: {  	s5 =	smul.u32 $0x4E2, s4;
	[smem:$0x7FF] =	sst s3;
	s4 =	sadd.s32 $0x7D600, s1  }
0x9: {  	s23 =	sshrl.u32 s0, $0x1;
	s24 =	sshrl.u32 s7, $0x2;
	s10 =	sshrl.u32 s25, $0x3  }
0xa: {  	_ =	strace $0x80000050;
	s0 =	ssub.s32 s0, s23;
	s9 =	sadd.s32 s5, s1  }
0xb: {  	s1 =	sadd.s32 s6, s1;
	s5 =	sadd.s32 s24, s2;
	s6 =	sadd.s32 s25, s2  }
0xc: {  	s0 =	smax.u32 s0, $0x1;
	s24 =	simm.s32 $0x2;
	s26 =	sadd.s32 $0x11800, s5  }
0xd: {  	s7 =	sadd.s32 $0x10600, s9;
	s8 =	sadd.s32 $0x6800, s9;
	s9 =	sadd.s32 $0x1A400, s9  }
0xe: {  	s1 =	sadd.s32 $0x24200, s1;
	[dreg:$0x4] =	wrdreg s0;
	s29 =	sadd.s32 $0x2800, s5  }
0xf: {  	s30 =	sadd.s32 $0x5000, s5;
	s31 =	sadd.s32 $0x7800, s5;
	[dreg:$0x3] =	wrdreg s26  }
0x10: {  	s14 =	sadd.s32 $0xA000, s5;
	s15 =	sadd.s32 $0xC800, s5;
	[dreg:$0x5] =	wrdreg s29  }
0x11: {  	s16 =	sadd.s32 $0xF000, s5;
	s25 =	sshrl.u32 s6, $0x3;
	[dreg:$0x6] =	wrdreg s30  }
0x12: {  	v0 =	vimm.f32 $0.0e+00;
	[dreg:$0x7] =	wrdreg s31;
	s23 =	sadd.s32 s10, s1;
	s26 =	simm.s32 $0xF50  }
.LBB2_1:
0x13: {  	s0 =	simm.s32 $0x0;
	s1 =	simm.s32 $0x200  }
.LBB2_2:
0x14: {  	p0 =	sne.s32 s1, $0x9E00;
	[tilespmem:s0+$0x17F0] =	vst v0  }
0x15: {  	[tilespmem:s0+$0x1780] =	vst v0  }
0x16: {  	[tilespmem:s0+$0x1790] =	vst v0  }
.Ltmp0:
0x17: {  	[tilespmem:s0+$0x17A0] =	vst v0;
	(pc) =	sbr.rel @p0 .LBB2_2-.Ltmp0, $4  }
0x18: {  	[tilespmem:s0+$0x17B0] =	vst v0  }
0x19: {  	[tilespmem:s0+$0x17C0] =	vst v0  }
0x1a: {  	[tilespmem:s0+$0x17D0] =	vst v0  }
0x1b: {  	[tilespmem:s0+$0x17E0] =	vst v0;
	s0 =	sshra.s32 s1, $0x2;
	s1 =	sadd.s32 $0x200, s1  }
0x1c: {  	[tilespmem:s0+$0x17F0] =	vst v0  }
0x1d: {  	[tilespmem:s0+$0x1780] =	vst v0  }
0x1e: {  	[tilespmem:s0+$0x1790] =	vst v0  }
0x1f: {  	[tilespmem:s0+$0x17A0] =	vst v0  }
0x20: {  	[tilespmem:s0+$0x17B0] =	vst v0  }
0x21: {  	[tilespmem:s0+$0x17C0] =	vst v0  }
0x22: {  	[tilespmem:s0+$0x17D0] =	vst v0  }
0x23: {  	[tilespmem:s0+$0x17E0] =	vst v0  }
0x24: {  	[spmem:s5] =	stream.linear.scatter [tilespmem:s17], [sflag:$0x3], $0x2800, $0x38;
	[tilespmem:$0x1A000] =	vst v63  }
0x25: {  	_ =	swait.ge [sflag:s18], $0x2800  }
0x26: {  	[sflag:s18] =	ssyncset.done $0x0  }
0x27: {  	s12 =	rddreg [dreg:$0x5];
	[sflag:s18] =	ssyncadd.s32 $0xFFFFD800  }
0x28: {  	[spmem:s12] =	stream.linear.scatter [tilespmem:s17], [sflag:$0x3], $0x2800, $0x38;
	[tilespmem:$0x1A000] =	vst v63  }
0x29: {  	_ =	swait.ge [sflag:s18], $0x2800  }
0x2a: {  	[sflag:s18] =	ssyncset.done $0x0  }
0x2b: {  	s13 =	rddreg [dreg:$0x6];
	[sflag:s18] =	ssyncadd.s32 $0xFFFFD800  }
0x2c: {  	[spmem:s13] =	stream.linear.scatter [tilespmem:s17], [sflag:$0x3], $0x2800, $0x38;
	[tilespmem:$0x1A000] =	vst v63  }
0x2d: {  	_ =	swait.ge [sflag:s18], $0x2800  }
0x2e: {  	[sflag:s18] =	ssyncset.done $0x0  }
0x2f: {  	s30 =	rddreg [dreg:$0x7];
	[sflag:s18] =	ssyncadd.s32 $0xFFFFD800  }
0x30: {  	[spmem:s30] =	stream.linear.scatter [tilespmem:s17], [sflag:$0x3], $0x2800, $0x38;
	[tilespmem:$0x1A000] =	vst v63  }
0x31: {  	_ =	swait.ge [sflag:s18], $0x2800  }
0x32: {  	[sflag:s18] =	ssyncset.done $0x0  }
0x33: {  	[sflag:s18] =	ssyncadd.s32 $0xFFFFD800  }
0x34: {  	[spmem:s14] =	stream.linear.scatter [tilespmem:s17], [sflag:$0x3], $0x2800, $0x38;
	[tilespmem:$0x1A000] =	vst v63  }
0x35: {  	_ =	swait.ge [sflag:s18], $0x2800  }
0x36: {  	[sflag:s18] =	ssyncset.done $0x0  }
0x37: {  	[sflag:s18] =	ssyncadd.s32 $0xFFFFD800  }
0x38: {  	[spmem:s15] =	stream.linear.scatter [tilespmem:s17], [sflag:$0x3], $0x2800, $0x38;
	[tilespmem:$0x1A000] =	vst v63  }
0x39: {  	_ =	swait.ge [sflag:s18], $0x2800  }
0x3a: {  	[sflag:s18] =	ssyncset.done $0x0  }
0x3b: {  	[sflag:s18] =	ssyncadd.s32 $0xFFFFD800  }
0x3c: {  	[spmem:s16] =	stream.linear.scatter [tilespmem:s17], [sflag:$0x3], $0x2800, $0x38;
	[tilespmem:$0x1A000] =	vst v63  }
0x3d: {  	_ =	swait.ge [sflag:s18], $0x2800  }
0x3e: {  	[sflag:s18] =	ssyncset.done $0x0  }
0x3f: {  	s31 =	rddreg [dreg:$0x3];
	[sflag:s18] =	ssyncadd.s32 $0xFFFFD800  }
0x40: {  	[spmem:s31] =	stream.linear.scatter [tilespmem:s17], [sflag:$0x3], $0x2080, $0x38;
	[tilespmem:$0x1A000] =	vst v63  }
0x41: {  	_ =	swait.ge [sflag:s18], $0x2080  }
0x42: {  	[sflag:s18] =	ssyncset.done $0x0  }
0x43: {  	[sflag:s18] =	ssyncadd.s32 $0xFFFFDF80  }
0x44: {  	s29 =	simm.s32 $0x0;
	[bflag:$0x0] =	sbarrier.arrive $0xFFFF  }
.LBB2_4:
0x45: {  	s0 =	smul.u32 $0xFA, s29;
	_ =	sdelay $0x1  }
0x46: {  	s1 =	sadd.s32 s0, s7  }
0x47: {  	[tilespmem:s28], [sflag:$0x3] =	stream.linear.gather [hbm4b:s1+s28], $0x7D0, $0x38;
	[tilespmem:$0x1A000] =	vst v63  }
0x48: {  	_ =	swait.ge [sflag:s18], $0x7D0  }
0x49: {  	[sflag:s18] =	ssyncset.done $0x0  }
0x4a: {  	s13 =	sadd.s32 s0, s8;
	[sflag:s18] =	ssyncadd.s32 $0xFFFFF830  }
0x4b: {  	[tilespmem:s19], [sflag:$0x3] =	stream.linear.gather [hbm4b:s13+s28], $0x7D0, $0x38;
	[tilespmem:$0x1A000] =	vst v63  }
0x4c: {  	_ =	swait.ge [sflag:s18], $0x7D0  }
0x4d: {  	[sflag:s18] =	ssyncset.done $0x0  }
0x4e: {  	s30 =	simm.s32 $0xFA0;
	s0 =	sadd.s32 s0, s9;
	[sflag:s18] =	ssyncadd.s32 $0xFFFFF830  }
0x4f: {  	[tilespmem:s30], [sflag:$0x3] =	stream.linear.gather [hbm4b:s0+s28], $0x7D0, $0x38;
	[tilespmem:$0x1A000] =	vst v63  }
0x50: {  	_ =	swait.ge [sflag:s18], $0x7D0  }
0x51: {  	[sflag:s18] =	ssyncset.done $0x0  }
0x52: {  	s31 =	simm.s32 $0xFF0;
	s1 =	simm.s32 $0x0;
	[sflag:s18] =	ssyncadd.s32 $0xFFFFF830  }
0x53: {  	[tilespmem:s17], [sflag:$0x1] =	stream.indirect.gather [hbm4b:s4+s20], $0x80, s28, s20, $0xb8;
	[tilespmem:$0x1A000] =	vst v63  }
.LBB2_5:
0x54: {  	s0 =	smul.u32 $0xA0, s1;
	_ =	sdelay $0x1  }
0x55: {  	s0 =	sadd.s32 $0x50, s0  }
0x56: {  	[tilespmem:s21], [sflag:$0x2] =	stream.indirect.gather [hbm4b:s4+s20], $0x80, s0, s20, $0xb8;
	[tilespmem:$0x1A000] =	vst v63  }
0x57: {  	_ =	swait.ge [sflag:s22], $0x2800  }
0x58: {  	[sflag:s22] =	ssyncset.done $0x0  }
0x59: {  	s6 =	simm.s32 $0x17C0;
	[sflag:s22] =	ssyncadd.s32 $0xFFFFD800  }
0x5a: {  	v5 =	vld [tilespmem:s6+$0x30]  }
0x5b: {  	v8 =	vld [tilespmem:s6+$0x10]  }
0x5c: {  	s10 =	sadd.s32 $0x0, s30;
	v6 =	vld [tilespmem:s6+$0xFFFFFFC0]  }
0x5d: {  	v2 =	vld.msk [tilespmem:s10+$0x0 ss:$0x0], $0xffff  }
0x5e: {  	v10 =	vld [tilespmem:s6+$0xFFFFFFE0]  }
0x5f: {  	v1 =	vld [tilespmem:s6+$0xFFFFFFF0]  }
0x60: {  	v3 =	vld [tilespmem:s6+$0x20]  }
0x61: {  	v4 =	vld [tilespmem:s6+$0xFFFFFFD0]  }
0x62: {  	v9 =	vmul.f32 v5, v2;
	v5 =	vld [tilespmem:s6+$0x0]  }
0x63: {  	v7 =	vmul.f32 v2, v6  }
0x64: {  	s11 =	simm.s32 $0x4;
	s12 =	simm.s32 $0x17C0;
	s10 =	smul.u32 $0x280, s1;
	v6 =	vmul.f32 v10, v2;
	v8 =	vmul.f32 v8, v2  }
.LBB2_6:
0x65: {  	p0 =	sne.s32 s11, $0x13C  }
0x66: {  	v4 =	vmul.f32 v4, v2;
	v3 =	vmul.f32 v3, v2;
	[tilespmem:s6+$0x30] =	vst v9;
	s12 =	sadd.s32 $0x80, s12;
	s13 =	smov.u32 s11;
	s11 =	sadd.s32 $0x4, s11  }
0x67: {  	[tilespmem:s6+$0xFFFFFFC0] =	vst v7;
	v7 =	vmul.f32 v1, v2;
	v2 =	vmul.f32 v5, v2  }
0x68: {  	[tilespmem:s6+$0x10] =	vst v8  }
0x69: {  	[tilespmem:s6+$0xFFFFFFE0] =	vst v6  }
0x6a: {  	v1 =	vld [tilespmem:s12+$0xFFFFFFF0];
	[tilespmem:s6+$0xFFFFFFF0] =	vst v7  }
0x6b: {  	v6 =	vld [tilespmem:s12+$0x30];
	[tilespmem:s6+$0x0] =	vst v2  }
0x6c: {  	s13 =	sshra.s32 s13, $0x2;
	v8 =	vld [tilespmem:s12+$0x10];
	[tilespmem:s6+$0x20] =	vst v3  }
0x6d: {  	s13 =	sadd.s32 s13, s30;
	v7 =	vld [tilespmem:s12+$0xFFFFFFC0];
	[tilespmem:s6+$0xFFFFFFD0] =	vst v4;
	s6 =	smov.u32 s12  }
0x6e: {  	v2 =	vld.msk [tilespmem:s13+$0x0 ss:$0x0], $0xffff  }
0x6f: {  	v10 =	vld [tilespmem:s12+$0xFFFFFFE0]  }
0x70: {  	v3 =	vld [tilespmem:s12+$0x20]  }
.Ltmp1:
0x71: {  	v4 =	vld [tilespmem:s12+$0xFFFFFFD0];
	(pc) =	sbr.rel @p0 .LBB2_6-.Ltmp1, $3  }
0x72: {  	v5 =	vld [tilespmem:s12+$0x0];
	_ =	sdelay $0x1  }
0x73: {  	v7 =	vmul.f32 v2, v7;
	v9 =	vmul.f32 v6, v2  }
0x74: {  	v8 =	vmul.f32 v8, v2;
	v6 =	vmul.f32 v10, v2  }
0x75: {  	[tilespmem:s6+$0x30] =	vst v9  }
0x76: {  	[tilespmem:s6+$0xFFFFFFC0] =	vst v7  }
0x77: {  	v1 =	vmul.f32 v1, v2;
	[tilespmem:s6+$0x10] =	vst v8  }
0x78: {  	v3 =	vmul.f32 v3, v2;
	[tilespmem:s6+$0xFFFFFFE0] =	vst v6  }
0x79: {  	v5 =	vmul.f32 v5, v2;
	[tilespmem:s6+$0xFFFFFFF0] =	vst v1  }
0x7a: {  	v1 =	vmul.f32 v4, v2;
	[tilespmem:s6+$0x20] =	vst v3  }
0x7b: {  	s10 =	sshra.s32 s10, $0x2;
	[tilespmem:s6+$0x0] =	vst v5  }
0x7c: {  	s11 =	sadd.s32 $0x7D0, s10;
	[tilespmem:s6+$0xFFFFFFD0] =	vst v1  }
0x7d: {  	[spmem:s2] =	stream.indirect.scatter.add.f32 [tilespmem:s17], [sflag:$0x3], $0x80, s11, s20, $0xb8;
	[tilespmem:$0x1A000] =	vst v63  }
0x7e: {  	_ =	swait.ge [sflag:s18], $0x2800  }
0x7f: {  	[sflag:s18] =	ssyncset.done $0x0  }
0x80: {  	s12 =	sadd.s32 $0xA0, s10;
	[sflag:s18] =	ssyncadd.s32 $0xFFFFD800  }
0x81: {  	[tilespmem:s17], [sflag:$0x1] =	stream.indirect.gather [hbm4b:s4+s20], $0x80, s12, s20, $0xb8;
	[tilespmem:$0x1A000] =	vst v63  }
0x82: {  	_ =	swait.ge [sflag:s24], $0x2800  }
0x83: {  	[sflag:s24] =	ssyncset.done $0x0  }
0x84: {  	s6 =	simm.s32 $0x3FC0;
	[sflag:s24] =	ssyncadd.s32 $0xFFFFD800  }
0x85: {  	v5 =	vld [tilespmem:s6+$0x30]  }
0x86: {  	v8 =	vld [tilespmem:s6+$0x10]  }
0x87: {  	s13 =	sadd.s32 $0x0, s31;
	v6 =	vld [tilespmem:s6+$0xFFFFFFC0]  }
0x88: {  	v2 =	vld.msk [tilespmem:s13+$0x0 ss:$0x0], $0xffff  }
0x89: {  	v10 =	vld [tilespmem:s6+$0xFFFFFFE0]  }
0x8a: {  	v1 =	vld [tilespmem:s6+$0xFFFFFFF0]  }
0x8b: {  	v3 =	vld [tilespmem:s6+$0x20]  }
0x8c: {  	v4 =	vld [tilespmem:s6+$0xFFFFFFD0]  }
0x8d: {  	v9 =	vmul.f32 v5, v2;
	v5 =	vld [tilespmem:s6+$0x0]  }
0x8e: {  	v7 =	vmul.f32 v2, v6  }
0x8f: {  	s10 =	simm.s32 $0x4;
	s11 =	simm.s32 $0x3FC0;
	v6 =	vmul.f32 v10, v2;
	v8 =	vmul.f32 v8, v2  }
.LBB2_8:
0x90: {  	p0 =	sne.s32 s10, $0x13C  }
0x91: {  	v4 =	vmul.f32 v4, v2;
	v3 =	vmul.f32 v3, v2;
	[tilespmem:s6+$0x30] =	vst v9;
	s11 =	sadd.s32 $0x80, s11;
	s12 =	smov.u32 s10;
	s10 =	sadd.s32 $0x4, s10  }
0x92: {  	[tilespmem:s6+$0xFFFFFFC0] =	vst v7;
	v7 =	vmul.f32 v1, v2;
	v2 =	vmul.f32 v5, v2  }
0x93: {  	[tilespmem:s6+$0x10] =	vst v8  }
0x94: {  	[tilespmem:s6+$0xFFFFFFE0] =	vst v6  }
0x95: {  	v1 =	vld [tilespmem:s11+$0xFFFFFFF0];
	[tilespmem:s6+$0xFFFFFFF0] =	vst v7  }
0x96: {  	v6 =	vld [tilespmem:s11+$0x30];
	[tilespmem:s6+$0x0] =	vst v2  }
0x97: {  	s12 =	sshra.s32 s12, $0x2;
	v8 =	vld [tilespmem:s11+$0x10];
	[tilespmem:s6+$0x20] =	vst v3  }
0x98: {  	s12 =	sadd.s32 s12, s31;
	v7 =	vld [tilespmem:s11+$0xFFFFFFC0];
	[tilespmem:s6+$0xFFFFFFD0] =	vst v4;
	s6 =	smov.u32 s11  }
0x99: {  	v2 =	vld.msk [tilespmem:s12+$0x0 ss:$0x0], $0xffff  }
0x9a: {  	v10 =	vld [tilespmem:s11+$0xFFFFFFE0]  }
0x9b: {  	v3 =	vld [tilespmem:s11+$0x20]  }
.Ltmp2:
0x9c: {  	v4 =	vld [tilespmem:s11+$0xFFFFFFD0];
	(pc) =	sbr.rel @p0 .LBB2_8-.Ltmp2, $3  }
0x9d: {  	v5 =	vld [tilespmem:s11+$0x0];
	_ =	sdelay $0x1  }
0x9e: {  	v7 =	vmul.f32 v2, v7;
	v9 =	vmul.f32 v6, v2  }
0x9f: {  	v8 =	vmul.f32 v8, v2;
	v6 =	vmul.f32 v10, v2  }
0xa0: {  	[tilespmem:s6+$0x30] =	vst v9  }
0xa1: {  	[tilespmem:s6+$0xFFFFFFC0] =	vst v7  }
0xa2: {  	v1 =	vmul.f32 v1, v2;
	[tilespmem:s6+$0x10] =	vst v8  }
0xa3: {  	v3 =	vmul.f32 v3, v2;
	[tilespmem:s6+$0xFFFFFFE0] =	vst v6  }
0xa4: {  	v5 =	vmul.f32 v5, v2;
	[tilespmem:s6+$0xFFFFFFF0] =	vst v1  }
0xa5: {  	s1 =	sadd.s32 $0x1, s1;
	v1 =	vmul.f32 v4, v2;
	[tilespmem:s6+$0x20] =	vst v3  }
0xa6: {  	p0 =	sne.s32 s1, $0xC;
	[tilespmem:s6+$0x0] =	vst v5  }
.Ltmp3:
0xa7: {  	s0 =	sadd.s32 $0x7D0, s0;
	[tilespmem:s6+$0xFFFFFFD0] =	vst v1;
	(pc) =	sbr.rel @p0 .LBB2_5-.Ltmp3, $4  }
0xa8: {  	[spmem:s2] =	stream.indirect.scatter.add.f32 [tilespmem:s21], [sflag:$0x3], $0x80, s0, s20, $0xb8;
	[tilespmem:$0x1A000] =	vst v63  }
0xa9: {  	_ =	swait.ge [sflag:s18], $0x2800  }
0xaa: {  	[sflag:s18] =	ssyncset.done $0x0  }
0xab: {  	s30 =	sadd.s32 $0xA0, s30;
	s31 =	sadd.s32 $0xA0, s31;
	[sflag:s18] =	ssyncadd.s32 $0xFFFFD800  }
0xac: {  	_ =	swait.ge [sflag:s22], $0x2800  }
0xad: {  	[sflag:s22] =	ssyncset.done $0x0  }
0xae: {  	s0 =	simm.s32 $0x17C0;
	[sflag:s22] =	ssyncadd.s32 $0xFFFFD800  }
0xaf: {  	v5 =	vld [tilespmem:s0+$0x30]  }
0xb0: {  	s1 =	simm.s32 $0x0;
	v8 =	vld [tilespmem:s0+$0x10]  }
0xb1: {  	s1 =	sand.u32 $0x7F, s1;
	v6 =	vld [tilespmem:s0+$0xFFFFFFC0]  }
0xb2: {  	v2 =	vld.msk [tilespmem:s1+$0x1720 ss:$0x0], $0xffff  }
0xb3: {  	v10 =	vld [tilespmem:s0+$0xFFFFFFE0]  }
0xb4: {  	v1 =	vld [tilespmem:s0+$0xFFFFFFF0]  }
0xb5: {  	v3 =	vld [tilespmem:s0+$0x20]  }
0xb6: {  	v4 =	vld [tilespmem:s0+$0xFFFFFFD0]  }
0xb7: {  	v9 =	vmul.f32 v5, v2;
	v5 =	vld [tilespmem:s0+$0x0]  }
0xb8: {  	v7 =	vmul.f32 v2, v6  }
0xb9: {  	s6 =	simm.s32 $0x17C0;
	s1 =	simm.s32 $0x1;
	v6 =	vmul.f32 v10, v2;
	v8 =	vmul.f32 v8, v2  }
.LBB2_11:
0xba: {  	p0 =	sne.s32 s1, $0x4F  }
0xbb: {  	v4 =	vmul.f32 v4, v2;
	v3 =	vmul.f32 v3, v2;
	[tilespmem:s0+$0x30] =	vst v9;
	s6 =	sadd.s32 $0x80, s6;
	s10 =	smov.u32 s1;
	s1 =	sadd.s32 $0x1, s1  }
0xbc: {  	[tilespmem:s0+$0xFFFFFFC0] =	vst v7;
	v7 =	vmul.f32 v1, v2;
	v2 =	vmul.f32 v5, v2  }
0xbd: {  	[tilespmem:s0+$0x10] =	vst v8  }
0xbe: {  	[tilespmem:s0+$0xFFFFFFE0] =	vst v6  }
0xbf: {  	v1 =	vld [tilespmem:s6+$0xFFFFFFF0];
	[tilespmem:s0+$0xFFFFFFF0] =	vst v7  }
0xc0: {  	v6 =	vld [tilespmem:s6+$0x30];
	[tilespmem:s0+$0x0] =	vst v2  }
0xc1: {  	v8 =	vld [tilespmem:s6+$0x10];
	[tilespmem:s0+$0x20] =	vst v3  }
0xc2: {  	s10 =	sand.u32 $0x7F, s10;
	v7 =	vld [tilespmem:s6+$0xFFFFFFC0];
	[tilespmem:s0+$0xFFFFFFD0] =	vst v4;
	s0 =	smov.u32 s6  }
0xc3: {  	v2 =	vld.msk [tilespmem:s10+$0x1720 ss:$0x0], $0xffff  }
0xc4: {  	v10 =	vld [tilespmem:s6+$0xFFFFFFE0]  }
0xc5: {  	v3 =	vld [tilespmem:s6+$0x20]  }
.Ltmp4:
0xc6: {  	v4 =	vld [tilespmem:s6+$0xFFFFFFD0];
	(pc) =	sbr.rel @p0 .LBB2_11-.Ltmp4, $3  }
0xc7: {  	v5 =	vld [tilespmem:s6+$0x0];
	_ =	sdelay $0x1  }
0xc8: {  	v7 =	vmul.f32 v2, v7;
	v9 =	vmul.f32 v6, v2  }
0xc9: {  	v8 =	vmul.f32 v8, v2;
	v6 =	vmul.f32 v10, v2  }
0xca: {  	[tilespmem:s0+$0x30] =	vst v9  }
0xcb: {  	[tilespmem:s0+$0xFFFFFFC0] =	vst v7  }
0xcc: {  	v1 =	vmul.f32 v1, v2;
	[tilespmem:s0+$0x10] =	vst v8  }
0xcd: {  	v3 =	vmul.f32 v3, v2;
	[tilespmem:s0+$0xFFFFFFE0] =	vst v6  }
0xce: {  	v5 =	vmul.f32 v5, v2;
	[tilespmem:s0+$0xFFFFFFF0] =	vst v1  }
0xcf: {  	s29 =	sadd.s32 $0x1, s29;
	v1 =	vmul.f32 v4, v2;
	[tilespmem:s0+$0x20] =	vst v3  }
0xd0: {  	p0 =	sne.s32 s29, $0x5;
	[tilespmem:s0+$0x0] =	vst v5  }
.Ltmp5:
0xd1: {  	[tilespmem:s0+$0xFFFFFFD0] =	vst v1;
	(pc) =	sbr.rel @p0 .LBB2_4-.Ltmp5, $4  }
0xd2: {  	[spmem:s2] =	stream.indirect.scatter.add.f32 [tilespmem:s17], [sflag:$0x3], $0x80, s26, s20, $0xb8;
	[tilespmem:$0x1A000] =	vst v63  }
0xd3: {  	_ =	swait.ge [sflag:s18], $0x2800  }
0xd4: {  	[sflag:s18] =	ssyncset.done $0x0  }
0xd5: {  	[sflag:s18] =	ssyncadd.s32 $0xFFFFD800  }
0xd6: {  	s0 =	stileid.u32  }
0xd7: {  	s0 =	sshll.u32 s0, $0x6  }
0xd8: {  	[bflag:$0x0] =	sbarrier.arrive $0xFFFF;
	s0 =	sor.u32 $0x1C03, s0  }
0xd9: {  	[hbm:s23], [sflag:s0] =	dma.local [spmem:s25], $0x2710  }
0xda: {  	_ =	swait.ge [sflag:s18], $0x2710  }
0xdb: {  	s3 =	sadd.s32 $0x1, s3;
	s31 =	rddreg [dreg:$0x4]  }
0xdc: {  	p0 =	sne.s32 s3, s31  }
.Ltmp6:
0xdd: {  	_ = 	snop;
	(pc) =	sbr.rel @p0 .LBB2_1-.Ltmp6, $3  }
0xde: {  	_ =	sdelay $0x1  }
0xdf: {  	[sflag:s18] =	ssyncset.done $0x0  }
0xe0: {  	[sflag:s18] =	ssyncadd.s32 $0xFFFFD8F0  }
0xe1: {  	_ =	sfence.sel $0x180000  }
0xe2: {  	[bflag:$0x0] =	sbarrier.arrive $0xFFFF  }
0xe3: {  	_ =	strace $0x90000050  }
0xe4: {  	s0 =	stileid.u32;
	[bflag:$0x2] =	sbarrier.arrive $0xFFFF  }
0xe5: {  	p0 =	sne.s32 s0, $0x0;
	s0 =	rddreg [dreg:$0x2]  }
0xe6: {  	s0 =	sadd.s32 @!p0 $0x100000, s0  }
0xe7: {  	[sflag:s0] =	ssyncadd.tile.s32 @!p0 $0x1;
	_ =	shalt  }
.Lfunc_end2:
_tile_overlayer_lowered:
.L_overlay_start_2:
0xe8: {  	(tag) =	ssettag $0x2  }
0xe9: {  	s0 =	rddreg [dreg:$0x0];
	s2 =	stileid.u32  }
0xea: {  	s1 =	rddreg [dreg:$0x1];
	p0 =	sne.s32 s2, $0x0  }
0xeb: {  	s3 =	rddreg [dreg:$0x2];
	[bflag:$0x3] =	sbarrier.arrive $0xFFFF;
	s2 =	simm.s32 @!p0 $0x1C03  }
0xec: {  	[timem:s3], [sflag:s2] =	dma.local @!p0 [hbm:s0], s1  }
0xed: {  	s0 =	simm.s32 @!p0 $0x3  }
0xee: {  	_ =	swait.ge @!p0 [sflag:s0], s1  }
0xef: {  	s1 =	ssub.s32 @!p0 $0x0, s1;
	[sflag:s0] =	ssyncset.done @!p0 $0x0  }
0xf0: {  	[sflag:s0] =	ssyncadd.s32 @!p0 s1  }
0xf1: {  	[bflag:$0x3] =	sbarrier.arrive $0xFFFF  }
0xf2: {  	_ =	shalt  }

</sc_bundles>
